<compile_context>
chip_gen: v7x
topology: tpu7x:2x2x1
jax: 0.10.2.dev20260603
libtpu: 0.0.44.dev20260713+nightly
codegen_flags: <defaults>
</compile_context>

<pallas_src>
import jax
import jax.numpy as jnp
from jax import lax
from jax.experimental import pallas as pl
from jax.experimental.pallas import tpu as pltpu
from jax.experimental.pallas import tpu_sc as plsc

BATCH = 4096
SEQ = 50
K = 20
D = 32
B = BATCH * SEQ
V = 1000000

NC = 2
NS = 16
NW = NC * NS

CB = 64
RPC = CB * K
NCHUNK = SEQ * (BATCH // CB)
CPW = NCHUNK // NW

def _bag_body(x_hbm, w_hbm, out_hbm,
              idx0, idx1, rows0, rows1, outb, sem0, sem1):
    wid = lax.axis_index("s") * NC + lax.axis_index("c")
    idx_bufs = (idx0, idx1)
    rows_bufs = (rows0, rows1)
    sems = (sem0, sem1)

    def start(c, slot):
        l = c // (BATCH // CB)
        b0 = (c % (BATCH // CB)) * CB
        pltpu.sync_copy(x_hbm.at[:, pl.ds(l * BATCH + b0, CB)],
                        idx_bufs[slot])
        for t in range(K):
            pltpu.async_copy(
                w_hbm.at[idx_bufs[slot].at[t]],
                rows_bufs[slot].at[pl.ds(t * CB, CB)],
                sems[slot])

    def finish(c, slot):
        rows = rows_bufs[slot]
        for t in range(K):
            pltpu.make_async_copy(
                w_hbm.at[idx_bufs[slot].at[t]],
                rows.at[pl.ds(t * CB, CB)],
                sems[slot]).wait()

        def bag(b, carry):
            acc0 = rows[b, 0:16]
            acc1 = rows[b, 16:32]
            for j in range(1, K):
                acc0 = acc0 + rows[j * CB + b, 0:16]
                acc1 = acc1 + rows[j * CB + b, 16:32]
            iota = lax.iota(jnp.int32, 16)
            col = jnp.zeros((16,), jnp.int32) + b
            plsc.store_scatter(outb, [iota, col], acc0)
            plsc.store_scatter(outb, [iota + 16, col], acc1)
            return carry

        lax.fori_loop(0, CB, bag, 0, unroll=2)
        l = c // (BATCH // CB)
        b0 = (c % (BATCH // CB)) * CB
        pltpu.sync_copy(outb.at[:, pl.ds(0, CB)],
                        out_hbm.at[l, :, pl.ds(b0, CB)])

    c_base = wid * CPW
    start(c_base, 0)

    def pipeline(g, carry):
        @pl.when(g + 1 < CPW)
        def _():
            start(c_base + g + 1, 1)
        finish(c_base + g, 0)

        @pl.when(g + 1 < CPW)
        def _():
            @pl.when(g + 2 < CPW)
            def _():
                start(c_base + g + 2, 0)
            finish(c_base + g + 1, 1)
        return carry

    lax.fori_loop(0, CPW // 2, lambda i, c: pipeline(i * 2, c), 0)


@jax.jit
def _bag_embedding(x_kmajor, wt):
    mesh = plsc.VectorSubcoreMesh(core_axis_name="c", subcore_axis_name="s",
                                  num_cores=NC, num_subcores=NS)
    params = pltpu.CompilerParams(use_tc_tiling_on_sc=False,
                                  needs_layout_passes=False)
    run = pl.kernel(
        _bag_body,
        out_type=jax.ShapeDtypeStruct((SEQ, D, BATCH), jnp.float32),
        mesh=mesh,
        scratch_types=[
            pltpu.VMEM((K, CB), jnp.int32),
            pltpu.VMEM((K, CB), jnp.int32),
            pltpu.VMEM((RPC, D), jnp.float32),
            pltpu.VMEM((RPC, D), jnp.float32),
            pltpu.VMEM((D, CB + 1), jnp.float32),
            pltpu.SemaphoreType.DMA,
            pltpu.SemaphoreType.DMA,
        ],
        compiler_params=params,
    )
    return run(x_kmajor, wt)


def kernel(X, W):
    x_kmajor = jnp.transpose(X, (2, 1, 0)).reshape(K, B)
    out = _bag_embedding(x_kmajor, W)
    return out.transpose(2, 0, 1)

# --- scband reference (transcript-rebuilt; emitter-appended) ---
"""Pipeline reference for scband-bag-embedding-82222853914904 (READ-ONLY COPY).

The authoritative reference and input builder live on the scoring server;
editing this copy changes nothing except your own understanding.
"""

import jax, jax.numpy as jnp
import numpy as np

INPUT_DIM = 1000000
NB_WORDS = 20
OUTPUT_DIM = 32
INPUT_LENGTH = 50
BATCH = 4096
DROPOUT = 0.0

def setup_inputs(seed: int = 0) -> dict:
    key = jax.random.key(seed)
    k1, k2 = jax.random.split(key)
    X = jax.random.randint(k1, (BATCH, INPUT_LENGTH, NB_WORDS), 0, INPUT_DIM, dtype=jnp.int32)
    # uniform init like keras 'uniform' (scale 0.05), with row 0 zeroed (padding row)
    W = jax.random.uniform(k2, (INPUT_DIM, OUTPUT_DIM), minval=-0.05, maxval=0.05, dtype=jnp.float32)
    W = W.at[0].set(0.0)
    return {"X": X, "W": W}

def reference(X, W):
    # eval mode: train=False, so B = ones * retain_p
    retain_p = 1.0 - DROPOUT
    B = jnp.ones((INPUT_DIM,), dtype=W.dtype) * retain_p
    Xs = X.reshape(-1, NB_WORDS).astype(jnp.int32)
    out = jnp.take(W * B[:, None], Xs, axis=0)
    out = out.reshape(-1, INPUT_LENGTH, NB_WORDS, OUTPUT_DIM)
    mask = (X != 0).astype(out.dtype)[..., None]
    out = out * mask
    # bow mode: sum over words axis
    out = jnp.sum(out, axis=2)
    return out

if __name__ == "__main__":
    import jax
    _d = setup_inputs()
    print(jax.jit(kernel)(*tuple(_d.values())))

</pallas_src>

<mosaic_0001>
#map = affine_map<(d0, d1) -> (0, 0)>
#map1 = affine_map<(d0, d1) -> (0, 0, 0)>
module attributes {stable_mosaic.version = 14 : i64} {
  func.func @_bag_body(%arg0: i32, %arg1: i32, %arg2: memref<20x204800xi32, #tpu.memory_space<hbm>>, %arg3: memref<1000000x32xf32, #tpu.memory_space<hbm>>, %arg4: memref<50x32x4096xf32, #tpu.memory_space<hbm>>, %arg5: memref<20x64xi32, #tpu.memory_space<vmem>>, %arg6: memref<20x64xi32, #tpu.memory_space<vmem>>, %arg7: memref<1280x32xf32, #tpu.memory_space<vmem>>, %arg8: memref<1280x32xf32, #tpu.memory_space<vmem>>, %arg9: memref<32x65xf32, #tpu.memory_space<vmem>>, %arg10: memref<!tpu.dma_semaphore, #tpu.memory_space<semaphore_mem>>, %arg11: memref<!tpu.dma_semaphore, #tpu.memory_space<semaphore_mem>>) attributes {dimension_semantics = [#tpu.dimension_semantics<core_parallel>, #tpu.dimension_semantics<subcore_parallel>], iteration_bounds = array<i64: 2, 16>, scalar_prefetch = 0 : i64, scratch_operands = 7 : i64, tpu.core_type = #tpu.core_type<sc_vector_subcore>, window_params = [{transform_indices = #map}, {transform_indices = #map}, {transform_indices = #map1}]} {
    %mul3A = arith.constant 2 : i32
    %mul3A_0 = arith.muli %arg1, %mul3A : i32
    %add3A = arith.addi %mul3A_0, %arg0 : i32
    %mul3A_1 = arith.constant 100 : i32
    %mul3A_2 = arith.muli %add3A, %mul3A_1 : i32
    %jit3A = arith.constant 64 : i32
    %div3A = arith.divsi %mul3A_2, %jit3A : i32
    %sign3A = arith.constant 0 : i32
    %sign3A_3 = arith.cmpi sgt, %mul3A_2, %sign3A : i32
    %sign3A_4 = arith.extui %sign3A_3 : i1 to i32
    %sign3A_5 = arith.constant 0 : i32
    %sign3A_6 = arith.cmpi slt, %mul3A_2, %sign3A_5 : i32
    %sign3A_7 = arith.extui %sign3A_6 : i1 to i32
    %sign3A_8 = arith.subi %sign3A_4, %sign3A_7 : i32
    %sign3A_9 = arith.constant 0 : i32
    %sign3A_10 = arith.cmpi sgt, %jit3A, %sign3A_9 : i32
    %sign3A_11 = arith.extui %sign3A_10 : i1 to i32
    %sign3A_12 = arith.constant 0 : i32
    %sign3A_13 = arith.cmpi slt, %jit3A, %sign3A_12 : i32
    %sign3A_14 = arith.extui %sign3A_13 : i1 to i32
    %sign3A_15 = arith.subi %sign3A_11, %sign3A_14 : i32
    %ne3A = arith.cmpi ne, %sign3A_8, %sign3A_15 : i32
    %rem3A = arith.remsi %mul3A_2, %jit3A : i32
    %ne3A_16 = arith.constant 0 : i32
    %ne3A_17 = arith.cmpi ne, %rem3A, %ne3A_16 : i32
    %and3A = arith.andi %ne3A, %ne3A_17 : i1
    %sub3A = arith.constant 1 : i32
    %sub3A_18 = arith.subi %div3A, %sub3A : i32
    %select_n3A = arith.select %and3A, %sub3A_18, %div3A : i32
    %jit3A_19 = arith.constant 64 : i32
    %eq3A = arith.constant 0 : i32
    %eq3A_20 = arith.cmpi eq, %jit3A_19, %eq3A : i32
    %jit3A_21 = arith.constant 1 : i32
    %select_n3A_22 = arith.select %eq3A_20, %jit3A_21, %jit3A_19 : i32
    %rem3A_23 = arith.remsi %mul3A_2, %select_n3A_22 : i32
    %ne3A_24 = arith.constant 0 : i32
    %ne3A_25 = arith.cmpi ne, %rem3A_23, %ne3A_24 : i32
    %lt3A = arith.constant 0 : i32
    %lt3A_26 = arith.cmpi slt, %rem3A_23, %lt3A : i32
    %lt3A_27 = arith.constant 0 : i32
    %lt3A_28 = arith.cmpi slt, %select_n3A_22, %lt3A_27 : i32
    %ne3A_29 = arith.xori %lt3A_26, %lt3A_28 : i1
    %and3A_30 = arith.andi %ne3A_29, %ne3A_25 : i1
    %add3A_31 = arith.addi %rem3A_23, %select_n3A_22 : i32
    %select_n3A_32 = arith.select %and3A_30, %add3A_31, %rem3A_23 : i32
    %mul3A_33 = arith.constant 64 : i32
    %mul3A_34 = arith.muli %select_n3A_32, %mul3A_33 : i32
    %mul3A_35 = arith.constant 4096 : i32
    %mul3A_36 = arith.muli %select_n3A, %mul3A_35 : i32
    %add3A_37 = arith.addi %mul3A_36, %mul3A_34 : i32
    "tpu.region"() ({
      %run_scoped3A = tpu.sem_alloc : memref<!tpu.dma_semaphore, #tpu.memory_space<semaphore_mem>>
      %dma_start3A_242 = arith.constant 0 : i32
      %dma_start3A_243 = tpu.memref_slice %arg2[%dma_start3A_242, %add3A_37] : memref<20x204800xi32, #tpu.memory_space<hbm>> -> memref<20x64xi32, #tpu.memory_space<hbm>>
      %dma_start3A_244 = arith.constant 0 : i32
      %dma_start3A_245 = tpu.memref_slice %arg2[%dma_start3A_244, %add3A_37] : memref<20x204800xi32, #tpu.memory_space<hbm>> -> memref<20x64xi32, #tpu.memory_space<hbm>>
      tpu.enqueue_dma source(%dma_start3A_245 : memref<20x64xi32, #tpu.memory_space<hbm>>) target(%arg5 : memref<20x64xi32, #tpu.memory_space<vmem>>) target_semaphore(%run_scoped3A : memref<!tpu.dma_semaphore, #tpu.memory_space<semaphore_mem>>)
      %dma_wait3A = arith.constant 0 : i32
      %dma_wait3A_246 = tpu.memref_slice %arg2[%dma_wait3A, %add3A_37] : memref<20x204800xi32, #tpu.memory_space<hbm>> -> memref<20x64xi32, #tpu.memory_space<hbm>>
      %dma_wait3A_247 = arith.constant 0 : i32
      %dma_wait3A_248 = tpu.memref_slice %arg2[%dma_wait3A_247, %add3A_37] : memref<20x204800xi32, #tpu.memory_space<hbm>> -> memref<20x64xi32, #tpu.memory_space<hbm>>
      tpu.wait_dma2 semaphore(%run_scoped3A : memref<!tpu.dma_semaphore, #tpu.memory_space<semaphore_mem>>) src(%dma_wait3A_248 : memref<20x64xi32, #tpu.memory_space<hbm>>) dst(%arg5 : memref<20x64xi32, #tpu.memory_space<vmem>>)
      tpu.yield
    }) : () -> ()
    %dma_start3A = arith.constant 0 : i32
    %dma_start3A_38 = arith.constant 0 : i32
    %dma_start3A_39 = arith.constant 0 : i32
    %dma_start3A_40 = tpu.memref_slice %arg7[%dma_start3A_38, %dma_start3A_39] : memref<1280x32xf32, #tpu.memory_space<vmem>> -> memref<64x32xf32, #tpu.memory_space<vmem>>
    %dma_start3A_41 = arith.constant 0 : i32
    %dma_start3A_42 = tpu.memref_slice %arg5[%dma_start3A, %dma_start3A_41] : memref<20x64xi32, #tpu.memory_space<vmem>> -> memref<1x64xi32, #tpu.memory_space<vmem>>
    %dma_start3A_43 = tpu.memref_squeeze %dma_start3A_42 : memref<1x64xi32, #tpu.memory_space<vmem>> -> memref<64xi32, #tpu.memory_space<vmem>>
    %dma_start3A_44 = arith.constant 0 : i32
    %dma_start3A_45 = arith.constant 0 : i32
    %dma_start3A_46 = tpu.memref_slice %arg3[%dma_start3A_44, %dma_start3A_45] : memref<1000000x32xf32, #tpu.memory_space<hbm>> -> memref<1000000x32xf32, #tpu.memory_space<hbm>>
    tpu.enqueue_indirect_dma source(%dma_start3A_46 : memref<1000000x32xf32, #tpu.memory_space<hbm>>) target(%dma_start3A_40 : memref<64x32xf32, #tpu.memory_space<vmem>>) offsets(%dma_start3A_43 : memref<64xi32, #tpu.memory_space<vmem>>) semaphore(%arg10 : memref<!tpu.dma_semaphore, #tpu.memory_space<semaphore_mem>>)
    %dma_start3A_47 = arith.constant 1 : i32
    %dma_start3A_48 = arith.constant 64 : i32
    %dma_start3A_49 = arith.constant 0 : i32
    %dma_start3A_50 = tpu.memref_slice %arg7[%dma_start3A_48, %dma_start3A_49] : memref<1280x32xf32, #tpu.memory_space<vmem>> -> memref<64x32xf32, #tpu.memory_space<vmem>>
    %dma_start3A_51 = arith.constant 0 : i32
    %dma_start3A_52 = tpu.memref_slice %arg5[%dma_start3A_47, %dma_start3A_51] : memref<20x64xi32, #tpu.memory_space<vmem>> -> memref<1x64xi32, #tpu.memory_space<vmem>>
    %dma_start3A_53 = tpu.memref_squeeze %dma_start3A_52 : memref<1x64xi32, #tpu.memory_space<vmem>> -> memref<64xi32, #tpu.memory_space<vmem>>
    %dma_start3A_54 = arith.constant 0 : i32
    %dma_start3A_55 = arith.constant 0 : i32
    %dma_start3A_56 = tpu.memref_slice %arg3[%dma_start3A_54, %dma_start3A_55] : memref<1000000x32xf32, #tpu.memory_space<hbm>> -> memref<1000000x32xf32, #tpu.memory_space<hbm>>
    tpu.enqueue_indirect_dma source(%dma_start3A_56 : memref<1000000x32xf32, #tpu.memory_space<hbm>>) target(%dma_start3A_50 : memref<64x32xf32, #tpu.memory_space<vmem>>) offsets(%dma_start3A_53 : memref<64xi32, #tpu.memory_space<vmem>>) semaphore(%arg10 : memref<!tpu.dma_semaphore, #tpu.memory_space<semaphore_mem>>)
    %dma_start3A_57 = arith.constant 2 : i32
    %dma_start3A_58 = arith.constant 128 : i32
    %dma_start3A_59 = arith.constant 0 : i32
    %dma_start3A_60 = tpu.memref_slice %arg7[%dma_start3A_58, %dma_start3A_59] : memref<1280x32xf32, #tpu.memory_space<vmem>> -> memref<64x32xf32, #tpu.memory_space<vmem>>
    %dma_start3A_61 = arith.constant 0 : i32
    %dma_start3A_62 = tpu.memref_slice %arg5[%dma_start3A_57, %dma_start3A_61] : memref<20x64xi32, #tpu.memory_space<vmem>> -> memref<1x64xi32, #tpu.memory_space<vmem>>
    %dma_start3A_63 = tpu.memref_squeeze %dma_start3A_62 : memref<1x64xi32, #tpu.memory_space<vmem>> -> memref<64xi32, #tpu.memory_space<vmem>>
    %dma_start3A_64 = arith.constant 0 : i32
    %dma_start3A_65 = arith.constant 0 : i32
    %dma_start3A_66 = tpu.memref_slice %arg3[%dma_start3A_64, %dma_start3A_65] : memref<1000000x32xf32, #tpu.memory_space<hbm>> -> memref<1000000x32xf32, #tpu.memory_space<hbm>>
    tpu.enqueue_indirect_dma source(%dma_start3A_66 : memref<1000000x32xf32, #tpu.memory_space<hbm>>) target(%dma_start3A_60 : memref<64x32xf32, #tpu.memory_space<vmem>>) offsets(%dma_start3A_63 : memref<64xi32, #tpu.memory_space<vmem>>) semaphore(%arg10 : memref<!tpu.dma_semaphore, #tpu.memory_space<semaphore_mem>>)
    %dma_start3A_67 = arith.constant 3 : i32
    %dma_start3A_68 = arith.constant 192 : i32
    %dma_start3A_69 = arith.constant 0 : i32
    %dma_start3A_70 = tpu.memref_slice %arg7[%dma_start3A_68, %dma_start3A_69] : memref<1280x32xf32, #tpu.memory_space<vmem>> -> memref<64x32xf32, #tpu.memory_space<vmem>>
    %dma_start3A_71 = arith.constant 0 : i32
    %dma_start3A_72 = tpu.memref_slice %arg5[%dma_start3A_67, %dma_start3A_71] : memref<20x64xi32, #tpu.memory_space<vmem>> -> memref<1x64xi32, #tpu.memory_space<vmem>>
    %dma_start3A_73 = tpu.memref_squeeze %dma_start3A_72 : memref<1x64xi32, #tpu.memory_space<vmem>> -> memref<64xi32, #tpu.memory_space<vmem>>
    %dma_start3A_74 = arith.constant 0 : i32
    %dma_start3A_75 = arith.constant 0 : i32
    %dma_start3A_76 = tpu.memref_slice %arg3[%dma_start3A_74, %dma_start3A_75] : memref<1000000x32xf32, #tpu.memory_space<hbm>> -> memref<1000000x32xf32, #tpu.memory_space<hbm>>
    tpu.enqueue_indirect_dma source(%dma_start3A_76 : memref<1000000x32xf32, #tpu.memory_space<hbm>>) target(%dma_start3A_70 : memref<64x32xf32, #tpu.memory_space<vmem>>) offsets(%dma_start3A_73 : memref<64xi32, #tpu.memory_space<vmem>>) semaphore(%arg10 : memref<!tpu.dma_semaphore, #tpu.memory_space<semaphore_mem>>)
    %dma_start3A_77 = arith.constant 4 : i32
    %dma_start3A_78 = arith.constant 256 : i32
    %dma_start3A_79 = arith.constant 0 : i32
    %dma_start3A_80 = tpu.memref_slice %arg7[%dma_start3A_78, %dma_start3A_79] : memref<1280x32xf32, #tpu.memory_space<vmem>> -> memref<64x32xf32, #tpu.memory_space<vmem>>
    %dma_start3A_81 = arith.constant 0 : i32
    %dma_start3A_82 = tpu.memref_slice %arg5[%dma_start3A_77, %dma_start3A_81] : memref<20x64xi32, #tpu.memory_space<vmem>> -> memref<1x64xi32, #tpu.memory_space<vmem>>
    %dma_start3A_83 = tpu.memref_squeeze %dma_start3A_82 : memref<1x64xi32, #tpu.memory_space<vmem>> -> memref<64xi32, #tpu.memory_space<vmem>>
    %dma_start3A_84 = arith.constant 0 : i32
    %dma_start3A_85 = arith.constant 0 : i32
    %dma_start3A_86 = tpu.memref_slice %arg3[%dma_start3A_84, %dma_start3A_85] : memref<1000000x32xf32, #tpu.memory_space<hbm>> -> memref<1000000x32xf32, #tpu.memory_space<hbm>>
    tpu.enqueue_indirect_dma source(%dma_start3A_86 : memref<1000000x32xf32, #tpu.memory_space<hbm>>) target(%dma_start3A_80 : memref<64x32xf32, #tpu.memory_space<vmem>>) offsets(%dma_start3A_83 : memref<64xi32, #tpu.memory_space<vmem>>) semaphore(%arg10 : memref<!tpu.dma_semaphore, #tpu.memory_space<semaphore_mem>>)
    %dma_start3A_87 = arith.constant 5 : i32
    %dma_start3A_88 = arith.constant 320 : i32
    %dma_start3A_89 = arith.constant 0 : i32
    %dma_start3A_90 = tpu.memref_slice %arg7[%dma_start3A_88, %dma_start3A_89] : memref<1280x32xf32, #tpu.memory_space<vmem>> -> memref<64x32xf32, #tpu.memory_space<vmem>>
    %dma_start3A_91 = arith.constant 0 : i32
    %dma_start3A_92 = tpu.memref_slice %arg5[%dma_start3A_87, %dma_start3A_91] : memref<20x64xi32, #tpu.memory_space<vmem>> -> memref<1x64xi32, #tpu.memory_space<vmem>>
    %dma_start3A_93 = tpu.memref_squeeze %dma_start3A_92 : memref<1x64xi32, #tpu.memory_space<vmem>> -> memref<64xi32, #tpu.memory_space<vmem>>
    %dma_start3A_94 = arith.constant 0 : i32
    %dma_start3A_95 = arith.constant 0 : i32
    %dma_start3A_96 = tpu.memref_slice %arg3[%dma_start3A_94, %dma_start3A_95] : memref<1000000x32xf32, #tpu.memory_space<hbm>> -> memref<1000000x32xf32, #tpu.memory_space<hbm>>
    tpu.enqueue_indirect_dma source(%dma_start3A_96 : memref<1000000x32xf32, #tpu.memory_space<hbm>>) target(%dma_start3A_90 : memref<64x32xf32, #tpu.memory_space<vmem>>) offsets(%dma_start3A_93 : memref<64xi32, #tpu.memory_space<vmem>>) semaphore(%arg10 : memref<!tpu.dma_semaphore, #tpu.memory_space<semaphore_mem>>)
    %dma_start3A_97 = arith.constant 6 : i32
    %dma_start3A_98 = arith.constant 384 : i32
    %dma_start3A_99 = arith.constant 0 : i32
    %dma_start3A_100 = tpu.memref_slice %arg7[%dma_start3A_98, %dma_start3A_99] : memref<1280x32xf32, #tpu.memory_space<vmem>> -> memref<64x32xf32, #tpu.memory_space<vmem>>
    %dma_start3A_101 = arith.constant 0 : i32
    %dma_start3A_102 = tpu.memref_slice %arg5[%dma_start3A_97, %dma_start3A_101] : memref<20x64xi32, #tpu.memory_space<vmem>> -> memref<1x64xi32, #tpu.memory_space<vmem>>
    %dma_start3A_103 = tpu.memref_squeeze %dma_start3A_102 : memref<1x64xi32, #tpu.memory_space<vmem>> -> memref<64xi32, #tpu.memory_space<vmem>>
    %dma_start3A_104 = arith.constant 0 : i32
    %dma_start3A_105 = arith.constant 0 : i32
    %dma_start3A_106 = tpu.memref_slice %arg3[%dma_start3A_104, %dma_start3A_105] : memref<1000000x32xf32, #tpu.memory_space<hbm>> -> memref<1000000x32xf32, #tpu.memory_space<hbm>>
    tpu.enqueue_indirect_dma source(%dma_start3A_106 : memref<1000000x32xf32, #tpu.memory_space<hbm>>) target(%dma_start3A_100 : memref<64x32xf32, #tpu.memory_space<vmem>>) offsets(%dma_start3A_103 : memref<64xi32, #tpu.memory_space<vmem>>) semaphore(%arg10 : memref<!tpu.dma_semaphore, #tpu.memory_space<semaphore_mem>>)
    %dma_start3A_107 = arith.constant 7 : i32
    %dma_start3A_108 = arith.constant 448 : i32
    %dma_start3A_109 = arith.constant 0 : i32
    %dma_start3A_110 = tpu.memref_slice %arg7[%dma_start3A_108, %dma_start3A_109] : memref<1280x32xf32, #tpu.memory_space<vmem>> -> memref<64x32xf32, #tpu.memory_space<vmem>>
    %dma_start3A_111 = arith.constant 0 : i32
    %dma_start3A_112 = tpu.memref_slice %arg5[%dma_start3A_107, %dma_start3A_111] : memref<20x64xi32, #tpu.memory_space<vmem>> -> memref<1x64xi32, #tpu.memory_space<vmem>>
    %dma_start3A_113 = tpu.memref_squeeze %dma_start3A_112 : memref<1x64xi32, #tpu.memory_space<vmem>> -> memref<64xi32, #tpu.memory_space<vmem>>
    %dma_start3A_114 = arith.constant 0 : i32
    %dma_start3A_115 = arith.constant 0 : i32
    %dma_start3A_116 = tpu.memref_slice %arg3[%dma_start3A_114, %dma_start3A_115] : memref<1000000x32xf32, #tpu.memory_space<hbm>> -> memref<1000000x32xf32, #tpu.memory_space<hbm>>
    tpu.enqueue_indirect_dma source(%dma_start3A_116 : memref<1000000x32xf32, #tpu.memory_space<hbm>>) target(%dma_start3A_110 : memref<64x32xf32, #tpu.memory_space<vmem>>) offsets(%dma_start3A_113 : memref<64xi32, #tpu.memory_space<vmem>>) semaphore(%arg10 : memref<!tpu.dma_semaphore, #tpu.memory_space<semaphore_mem>>)
    %dma_start3A_117 = arith.constant 8 : i32
    %dma_start3A_118 = arith.constant 512 : i32
    %dma_start3A_119 = arith.constant 0 : i32
    %dma_start3A_120 = tpu.memref_slice %arg7[%dma_start3A_118, %dma_start3A_119] : memref<1280x32xf32, #tpu.memory_space<vmem>> -> memref<64x32xf32, #tpu.memory_space<vmem>>
    %dma_start3A_121 = arith.constant 0 : i32
    %dma_start3A_122 = tpu.memref_slice %arg5[%dma_start3A_117, %dma_start3A_121] : memref<20x64xi32, #tpu.memory_space<vmem>> -> memref<1x64xi32, #tpu.memory_space<vmem>>
    %dma_start3A_123 = tpu.memref_squeeze %dma_start3A_122 : memref<1x64xi32, #tpu.memory_space<vmem>> -> memref<64xi32, #tpu.memory_space<vmem>>
    %dma_start3A_124 = arith.constant 0 : i32
    %dma_start3A_125 = arith.constant 0 : i32
    %dma_start3A_126 = tpu.memref_slice %arg3[%dma_start3A_124, %dma_start3A_125] : memref<1000000x32xf32, #tpu.memory_space<hbm>> -> memref<1000000x32xf32, #tpu.memory_space<hbm>>
    tpu.enqueue_indirect_dma source(%dma_start3A_126 : memref<1000000x32xf32, #tpu.memory_space<hbm>>) target(%dma_start3A_120 : memref<64x32xf32, #tpu.memory_space<vmem>>) offsets(%dma_start3A_123 : memref<64xi32, #tpu.memory_space<vmem>>) semaphore(%arg10 : memref<!tpu.dma_semaphore, #tpu.memory_space<semaphore_mem>>)
    %dma_start3A_127 = arith.constant 9 : i32
    %dma_start3A_128 = arith.constant 576 : i32
    %dma_start3A_129 = arith.constant 0 : i32
    %dma_start3A_130 = tpu.memref_slice %arg7[%dma_start3A_128, %dma_start3A_129] : memref<1280x32xf32, #tpu.memory_space<vmem>> -> memref<64x32xf32, #tpu.memory_space<vmem>>
    %dma_start3A_131 = arith.constant 0 : i32
    %dma_start3A_132 = tpu.memref_slice %arg5[%dma_start3A_127, %dma_start3A_131] : memref<20x64xi32, #tpu.memory_space<vmem>> -> memref<1x64xi32, #tpu.memory_space<vmem>>
    %dma_start3A_133 = tpu.memref_squeeze %dma_start3A_132 : memref<1x64xi32, #tpu.memory_space<vmem>> -> memref<64xi32, #tpu.memory_space<vmem>>
    %dma_start3A_134 = arith.constant 0 : i32
    %dma_start3A_135 = arith.constant 0 : i32
    %dma_start3A_136 = tpu.memref_slice %arg3[%dma_start3A_134, %dma_start3A_135] : memref<1000000x32xf32, #tpu.memory_space<hbm>> -> memref<1000000x32xf32, #tpu.memory_space<hbm>>
    tpu.enqueue_indirect_dma source(%dma_start3A_136 : memref<1000000x32xf32, #tpu.memory_space<hbm>>) target(%dma_start3A_130 : memref<64x32xf32, #tpu.memory_space<vmem>>) offsets(%dma_start3A_133 : memref<64xi32, #tpu.memory_space<vmem>>) semaphore(%arg10 : memref<!tpu.dma_semaphore, #tpu.memory_space<semaphore_mem>>)
    %dma_start3A_137 = arith.constant 10 : i32
    %dma_start3A_138 = arith.constant 640 : i32
    %dma_start3A_139 = arith.constant 0 : i32
    %dma_start3A_140 = tpu.memref_slice %arg7[%dma_start3A_138, %dma_start3A_139] : memref<1280x32xf32, #tpu.memory_space<vmem>> -> memref<64x32xf32, #tpu.memory_space<vmem>>
    %dma_start3A_141 = arith.constant 0 : i32
    %dma_start3A_142 = tpu.memref_slice %arg5[%dma_start3A_137, %dma_start3A_141] : memref<20x64xi32, #tpu.memory_space<vmem>> -> memref<1x64xi32, #tpu.memory_space<vmem>>
    %dma_start3A_143 = tpu.memref_squeeze %dma_start3A_142 : memref<1x64xi32, #tpu.memory_space<vmem>> -> memref<64xi32, #tpu.memory_space<vmem>>
    %dma_start3A_144 = arith.constant 0 : i32
    %dma_start3A_145 = arith.constant 0 : i32
    %dma_start3A_146 = tpu.memref_slice %arg3[%dma_start3A_144, %dma_start3A_145] : memref<1000000x32xf32, #tpu.memory_space<hbm>> -> memref<1000000x32xf32, #tpu.memory_space<hbm>>
    tpu.enqueue_indirect_dma source(%dma_start3A_146 : memref<1000000x32xf32, #tpu.memory_space<hbm>>) target(%dma_start3A_140 : memref<64x32xf32, #tpu.memory_space<vmem>>) offsets(%dma_start3A_143 : memref<64xi32, #tpu.memory_space<vmem>>) semaphore(%arg10 : memref<!tpu.dma_semaphore, #tpu.memory_space<semaphore_mem>>)
    %dma_start3A_147 = arith.constant 11 : i32
    %dma_start3A_148 = arith.constant 704 : i32
    %dma_start3A_149 = arith.constant 0 : i32
    %dma_start3A_150 = tpu.memref_slice %arg7[%dma_start3A_148, %dma_start3A_149] : memref<1280x32xf32, #tpu.memory_space<vmem>> -> memref<64x32xf32, #tpu.memory_space<vmem>>
    %dma_start3A_151 = arith.constant 0 : i32
    %dma_start3A_152 = tpu.memref_slice %arg5[%dma_start3A_147, %dma_start3A_151] : memref<20x64xi32, #tpu.memory_space<vmem>> -> memref<1x64xi32, #tpu.memory_space<vmem>>
    %dma_start3A_153 = tpu.memref_squeeze %dma_start3A_152 : memref<1x64xi32, #tpu.memory_space<vmem>> -> memref<64xi32, #tpu.memory_space<vmem>>
    %dma_start3A_154 = arith.constant 0 : i32
    %dma_start3A_155 = arith.constant 0 : i32
    %dma_start3A_156 = tpu.memref_slice %arg3[%dma_start3A_154, %dma_start3A_155] : memref<1000000x32xf32, #tpu.memory_space<hbm>> -> memref<1000000x32xf32, #tpu.memory_space<hbm>>
    tpu.enqueue_indirect_dma source(%dma_start3A_156 : memref<1000000x32xf32, #tpu.memory_space<hbm>>) target(%dma_start3A_150 : memref<64x32xf32, #tpu.memory_space<vmem>>) offsets(%dma_start3A_153 : memref<64xi32, #tpu.memory_space<vmem>>) semaphore(%arg10 : memref<!tpu.dma_semaphore, #tpu.memory_space<semaphore_mem>>)
    %dma_start3A_157 = arith.constant 12 : i32
    %dma_start3A_158 = arith.constant 768 : i32
    %dma_start3A_159 = arith.constant 0 : i32
    %dma_start3A_160 = tpu.memref_slice %arg7[%dma_start3A_158, %dma_start3A_159] : memref<1280x32xf32, #tpu.memory_space<vmem>> -> memref<64x32xf32, #tpu.memory_space<vmem>>
    %dma_start3A_161 = arith.constant 0 : i32
    %dma_start3A_162 = tpu.memref_slice %arg5[%dma_start3A_157, %dma_start3A_161] : memref<20x64xi32, #tpu.memory_space<vmem>> -> memref<1x64xi32, #tpu.memory_space<vmem>>
    %dma_start3A_163 = tpu.memref_squeeze %dma_start3A_162 : memref<1x64xi32, #tpu.memory_space<vmem>> -> memref<64xi32, #tpu.memory_space<vmem>>
    %dma_start3A_164 = arith.constant 0 : i32
    %dma_start3A_165 = arith.constant 0 : i32
    %dma_start3A_166 = tpu.memref_slice %arg3[%dma_start3A_164, %dma_start3A_165] : memref<1000000x32xf32, #tpu.memory_space<hbm>> -> memref<1000000x32xf32, #tpu.memory_space<hbm>>
    tpu.enqueue_indirect_dma source(%dma_start3A_166 : memref<1000000x32xf32, #tpu.memory_space<hbm>>) target(%dma_start3A_160 : memref<64x32xf32, #tpu.memory_space<vmem>>) offsets(%dma_start3A_163 : memref<64xi32, #tpu.memory_space<vmem>>) semaphore(%arg10 : memref<!tpu.dma_semaphore, #tpu.memory_space<semaphore_mem>>)
    %dma_start3A_167 = arith.constant 13 : i32
    %dma_start3A_168 = arith.constant 832 : i32
    %dma_start3A_169 = arith.constant 0 : i32
    %dma_start3A_170 = tpu.memref_slice %arg7[%dma_start3A_168, %dma_start3A_169] : memref<1280x32xf32, #tpu.memory_space<vmem>> -> memref<64x32xf32, #tpu.memory_space<vmem>>
    %dma_start3A_171 = arith.constant 0 : i32
    %dma_start3A_172 = tpu.memref_slice %arg5[%dma_start3A_167, %dma_start3A_171] : memref<20x64xi32, #tpu.memory_space<vmem>> -> memref<1x64xi32, #tpu.memory_space<vmem>>
    %dma_start3A_173 = tpu.memref_squeeze %dma_start3A_172 : memref<1x64xi32, #tpu.memory_space<vmem>> -> memref<64xi32, #tpu.memory_space<vmem>>
    %dma_start3A_174 = arith.constant 0 : i32
    %dma_start3A_175 = arith.constant 0 : i32
    %dma_start3A_176 = tpu.memref_slice %arg3[%dma_start3A_174, %dma_start3A_175] : memref<1000000x32xf32, #tpu.memory_space<hbm>> -> memref<1000000x32xf32, #tpu.memory_space<hbm>>
    tpu.enqueue_indirect_dma source(%dma_start3A_176 : memref<1000000x32xf32, #tpu.memory_space<hbm>>) target(%dma_start3A_170 : memref<64x32xf32, #tpu.memory_space<vmem>>) offsets(%dma_start3A_173 : memref<64xi32, #tpu.memory_space<vmem>>) semaphore(%arg10 : memref<!tpu.dma_semaphore, #tpu.memory_space<semaphore_mem>>)
    %dma_start3A_177 = arith.constant 14 : i32
    %dma_start3A_178 = arith.constant 896 : i32
    %dma_start3A_179 = arith.constant 0 : i32
    %dma_start3A_180 = tpu.memref_slice %arg7[%dma_start3A_178, %dma_start3A_179] : memref<1280x32xf32, #tpu.memory_space<vmem>> -> memref<64x32xf32, #tpu.memory_space<vmem>>
    %dma_start3A_181 = arith.constant 0 : i32
    %dma_start3A_182 = tpu.memref_slice %arg5[%dma_start3A_177, %dma_start3A_181] : memref<20x64xi32, #tpu.memory_space<vmem>> -> memref<1x64xi32, #tpu.memory_space<vmem>>
    %dma_start3A_183 = tpu.memref_squeeze %dma_start3A_182 : memref<1x64xi32, #tpu.memory_space<vmem>> -> memref<64xi32, #tpu.memory_space<vmem>>
    %dma_start3A_184 = arith.constant 0 : i32
    %dma_start3A_185 = arith.constant 0 : i32
    %dma_start3A_186 = tpu.memref_slice %arg3[%dma_start3A_184, %dma_start3A_185] : memref<1000000x32xf32, #tpu.memory_space<hbm>> -> memref<1000000x32xf32, #tpu.memory_space<hbm>>
    tpu.enqueue_indirect_dma source(%dma_start3A_186 : memref<1000000x32xf32, #tpu.memory_space<hbm>>) target(%dma_start3A_180 : memref<64x32xf32, #tpu.memory_space<vmem>>) offsets(%dma_start3A_183 : memref<64xi32, #tpu.memory_space<vmem>>) semaphore(%arg10 : memref<!tpu.dma_semaphore, #tpu.memory_space<semaphore_mem>>)
    %dma_start3A_187 = arith.constant 15 : i32
    %dma_start3A_188 = arith.constant 960 : i32
    %dma_start3A_189 = arith.constant 0 : i32
    %dma_start3A_190 = tpu.memref_slice %arg7[%dma_start3A_188, %dma_start3A_189] : memref<1280x32xf32, #tpu.memory_space<vmem>> -> memref<64x32xf32, #tpu.memory_space<vmem>>
    %dma_start3A_191 = arith.constant 0 : i32
    %dma_start3A_192 = tpu.memref_slice %arg5[%dma_start3A_187, %dma_start3A_191] : memref<20x64xi32, #tpu.memory_space<vmem>> -> memref<1x64xi32, #tpu.memory_space<vmem>>
    %dma_start3A_193 = tpu.memref_squeeze %dma_start3A_192 : memref<1x64xi32, #tpu.memory_space<vmem>> -> memref<64xi32, #tpu.memory_space<vmem>>
    %dma_start3A_194 = arith.constant 0 : i32
    %dma_start3A_195 = arith.constant 0 : i32
    %dma_start3A_196 = tpu.memref_slice %arg3[%dma_start3A_194, %dma_start3A_195] : memref<1000000x32xf32, #tpu.memory_space<hbm>> -> memref<1000000x32xf32, #tpu.memory_space<hbm>>
    tpu.enqueue_indirect_dma source(%dma_start3A_196 : memref<1000000x32xf32, #tpu.memory_space<hbm>>) target(%dma_start3A_190 : memref<64x32xf32, #tpu.memory_space<vmem>>) offsets(%dma_start3A_193 : memref<64xi32, #tpu.memory_space<vmem>>) semaphore(%arg10 : memref<!tpu.dma_semaphore, #tpu.memory_space<semaphore_mem>>)
    %dma_start3A_197 = arith.constant 16 : i32
    %dma_start3A_198 = arith.constant 1024 : i32
    %dma_start3A_199 = arith.constant 0 : i32
    %dma_start3A_200 = tpu.memref_slice %arg7[%dma_start3A_198, %dma_start3A_199] : memref<1280x32xf32, #tpu.memory_space<vmem>> -> memref<64x32xf32, #tpu.memory_space<vmem>>
    %dma_start3A_201 = arith.constant 0 : i32
    %dma_start3A_202 = tpu.memref_slice %arg5[%dma_start3A_197, %dma_start3A_201] : memref<20x64xi32, #tpu.memory_space<vmem>> -> memref<1x64xi32, #tpu.memory_space<vmem>>
    %dma_start3A_203 = tpu.memref_squeeze %dma_start3A_202 : memref<1x64xi32, #tpu.memory_space<vmem>> -> memref<64xi32, #tpu.memory_space<vmem>>
    %dma_start3A_204 = arith.constant 0 : i32
    %dma_start3A_205 = arith.constant 0 : i32
    %dma_start3A_206 = tpu.memref_slice %arg3[%dma_start3A_204, %dma_start3A_205] : memref<1000000x32xf32, #tpu.memory_space<hbm>> -> memref<1000000x32xf32, #tpu.memory_space<hbm>>
    tpu.enqueue_indirect_dma source(%dma_start3A_206 : memref<1000000x32xf32, #tpu.memory_space<hbm>>) target(%dma_start3A_200 : memref<64x32xf32, #tpu.memory_space<vmem>>) offsets(%dma_start3A_203 : memref<64xi32, #tpu.memory_space<vmem>>) semaphore(%arg10 : memref<!tpu.dma_semaphore, #tpu.memory_space<semaphore_mem>>)
    %dma_start3A_207 = arith.constant 17 : i32
    %dma_start3A_208 = arith.constant 1088 : i32
    %dma_start3A_209 = arith.constant 0 : i32
    %dma_start3A_210 = tpu.memref_slice %arg7[%dma_start3A_208, %dma_start3A_209] : memref<1280x32xf32, #tpu.memory_space<vmem>> -> memref<64x32xf32, #tpu.memory_space<vmem>>
    %dma_start3A_211 = arith.constant 0 : i32
    %dma_start3A_212 = tpu.memref_slice %arg5[%dma_start3A_207, %dma_start3A_211] : memref<20x64xi32, #tpu.memory_space<vmem>> -> memref<1x64xi32, #tpu.memory_space<vmem>>
    %dma_start3A_213 = tpu.memref_squeeze %dma_start3A_212 : memref<1x64xi32, #tpu.memory_space<vmem>> -> memref<64xi32, #tpu.memory_space<vmem>>
    %dma_start3A_214 = arith.constant 0 : i32
    %dma_start3A_215 = arith.constant 0 : i32
    %dma_start3A_216 = tpu.memref_slice %arg3[%dma_start3A_214, %dma_start3A_215] : memref<1000000x32xf32, #tpu.memory_space<hbm>> -> memref<1000000x32xf32, #tpu.memory_space<hbm>>
    tpu.enqueue_indirect_dma source(%dma_start3A_216 : memref<1000000x32xf32, #tpu.memory_space<hbm>>) target(%dma_start3A_210 : memref<64x32xf32, #tpu.memory_space<vmem>>) offsets(%dma_start3A_213 : memref<64xi32, #tpu.memory_space<vmem>>) semaphore(%arg10 : memref<!tpu.dma_semaphore, #tpu.memory_space<semaphore_mem>>)
    %dma_start3A_217 = arith.constant 18 : i32
    %dma_start3A_218 = arith.constant 1152 : i32
    %dma_start3A_219 = arith.constant 0 : i32
    %dma_start3A_220 = tpu.memref_slice %arg7[%dma_start3A_218, %dma_start3A_219] : memref<1280x32xf32, #tpu.memory_space<vmem>> -> memref<64x32xf32, #tpu.memory_space<vmem>>
    %dma_start3A_221 = arith.constant 0 : i32
    %dma_start3A_222 = tpu.memref_slice %arg5[%dma_start3A_217, %dma_start3A_221] : memref<20x64xi32, #tpu.memory_space<vmem>> -> memref<1x64xi32, #tpu.memory_space<vmem>>
    %dma_start3A_223 = tpu.memref_squeeze %dma_start3A_222 : memref<1x64xi32, #tpu.memory_space<vmem>> -> memref<64xi32, #tpu.memory_space<vmem>>
    %dma_start3A_224 = arith.constant 0 : i32
    %dma_start3A_225 = arith.constant 0 : i32
    %dma_start3A_226 = tpu.memref_slice %arg3[%dma_start3A_224, %dma_start3A_225] : memref<1000000x32xf32, #tpu.memory_space<hbm>> -> memref<1000000x32xf32, #tpu.memory_space<hbm>>
    tpu.enqueue_indirect_dma source(%dma_start3A_226 : memref<1000000x32xf32, #tpu.memory_space<hbm>>) target(%dma_start3A_220 : memref<64x32xf32, #tpu.memory_space<vmem>>) offsets(%dma_start3A_223 : memref<64xi32, #tpu.memory_space<vmem>>) semaphore(%arg10 : memref<!tpu.dma_semaphore, #tpu.memory_space<semaphore_mem>>)
    %dma_start3A_227 = arith.constant 19 : i32
    %dma_start3A_228 = arith.constant 1216 : i32
    %dma_start3A_229 = arith.constant 0 : i32
    %dma_start3A_230 = tpu.memref_slice %arg7[%dma_start3A_228, %dma_start3A_229] : memref<1280x32xf32, #tpu.memory_space<vmem>> -> memref<64x32xf32, #tpu.memory_space<vmem>>
    %dma_start3A_231 = arith.constant 0 : i32
    %dma_start3A_232 = tpu.memref_slice %arg5[%dma_start3A_227, %dma_start3A_231] : memref<20x64xi32, #tpu.memory_space<vmem>> -> memref<1x64xi32, #tpu.memory_space<vmem>>
    %dma_start3A_233 = tpu.memref_squeeze %dma_start3A_232 : memref<1x64xi32, #tpu.memory_space<vmem>> -> memref<64xi32, #tpu.memory_space<vmem>>
    %dma_start3A_234 = arith.constant 0 : i32
    %dma_start3A_235 = arith.constant 0 : i32
    %dma_start3A_236 = tpu.memref_slice %arg3[%dma_start3A_234, %dma_start3A_235] : memref<1000000x32xf32, #tpu.memory_space<hbm>> -> memref<1000000x32xf32, #tpu.memory_space<hbm>>
    tpu.enqueue_indirect_dma source(%dma_start3A_236 : memref<1000000x32xf32, #tpu.memory_space<hbm>>) target(%dma_start3A_230 : memref<64x32xf32, #tpu.memory_space<vmem>>) offsets(%dma_start3A_233 : memref<64xi32, #tpu.memory_space<vmem>>) semaphore(%arg10 : memref<!tpu.dma_semaphore, #tpu.memory_space<semaphore_mem>>)
    %scan3A = arith.constant 0 : i32
    %scan3A_237 = arith.constant 0 : i32
    %scan3A_238 = arith.constant 50 : i32
    %scan3A_239 = arith.addi %scan3A_237, %scan3A_238 : i32
    %scan3A_240 = arith.constant 1 : i32
    scf.for %scan3A_242 = %scan3A_237 to %scan3A_239 step %scan3A_240  : i32 {
      %mul3A_243 = arith.constant 2 : i32
      %mul3A_244 = arith.muli %scan3A_242, %mul3A_243 : i32
      %add3A_245 = arith.constant 1 : i32
      %add3A_246 = arith.addi %mul3A_244, %add3A_245 : i32
      %lt3A_247 = arith.constant 100 : i32
      %lt3A_248 = arith.cmpi slt, %add3A_246, %lt3A_247 : i32
      %convert_element_type3A = arith.extui %lt3A_248 : i1 to i32
      %cond3A = arith.constant 0 : i32
      %cond3A_249 = arith.cmpi ne, %convert_element_type3A, %cond3A : i32
      scf.if %cond3A_249 {
        %add3A_505 = arith.addi %mul3A_2, %mul3A_244 : i32
        %add3A_506 = arith.constant 1 : i32
        %add3A_507 = arith.addi %add3A_505, %add3A_506 : i32
        %jit3A_508 = arith.constant 64 : i32
        %div3A_509 = arith.divsi %add3A_507, %jit3A_508 : i32
        %sign3A_510 = arith.constant 0 : i32
        %sign3A_511 = arith.cmpi sgt, %add3A_507, %sign3A_510 : i32
        %sign3A_512 = arith.extui %sign3A_511 : i1 to i32
        %sign3A_513 = arith.constant 0 : i32
        %sign3A_514 = arith.cmpi slt, %add3A_507, %sign3A_513 : i32
        %sign3A_515 = arith.extui %sign3A_514 : i1 to i32
        %sign3A_516 = arith.subi %sign3A_512, %sign3A_515 : i32
        %sign3A_517 = arith.constant 0 : i32
        %sign3A_518 = arith.cmpi sgt, %jit3A_508, %sign3A_517 : i32
        %sign3A_519 = arith.extui %sign3A_518 : i1 to i32
        %sign3A_520 = arith.constant 0 : i32
        %sign3A_521 = arith.cmpi slt, %jit3A_508, %sign3A_520 : i32
        %sign3A_522 = arith.extui %sign3A_521 : i1 to i32
        %sign3A_523 = arith.subi %sign3A_519, %sign3A_522 : i32
        %ne3A_524 = arith.cmpi ne, %sign3A_516, %sign3A_523 : i32
        %rem3A_525 = arith.remsi %add3A_507, %jit3A_508 : i32
        %ne3A_526 = arith.constant 0 : i32
        %ne3A_527 = arith.cmpi ne, %rem3A_525, %ne3A_526 : i32
        %and3A_528 = arith.andi %ne3A_524, %ne3A_527 : i1
        %sub3A_529 = arith.constant 1 : i32
        %sub3A_530 = arith.subi %div3A_509, %sub3A_529 : i32
        %select_n3A_531 = arith.select %and3A_528, %sub3A_530, %div3A_509 : i32
        %jit3A_532 = arith.constant 64 : i32
        %eq3A_533 = arith.constant 0 : i32
        %eq3A_534 = arith.cmpi eq, %jit3A_532, %eq3A_533 : i32
        %jit3A_535 = arith.constant 1 : i32
        %select_n3A_536 = arith.select %eq3A_534, %jit3A_535, %jit3A_532 : i32
        %rem3A_537 = arith.remsi %add3A_507, %select_n3A_536 : i32
        %ne3A_538 = arith.constant 0 : i32
        %ne3A_539 = arith.cmpi ne, %rem3A_537, %ne3A_538 : i32
        %lt3A_540 = arith.constant 0 : i32
        %lt3A_541 = arith.cmpi slt, %rem3A_537, %lt3A_540 : i32
        %lt3A_542 = arith.constant 0 : i32
        %lt3A_543 = arith.cmpi slt, %select_n3A_536, %lt3A_542 : i32
        %ne3A_544 = arith.xori %lt3A_541, %lt3A_543 : i1
        %and3A_545 = arith.andi %ne3A_544, %ne3A_539 : i1
        %add3A_546 = arith.addi %rem3A_537, %select_n3A_536 : i32
        %select_n3A_547 = arith.select %and3A_545, %add3A_546, %rem3A_537 : i32
        %mul3A_548 = arith.constant 64 : i32
        %mul3A_549 = arith.muli %select_n3A_547, %mul3A_548 : i32
        %mul3A_550 = arith.constant 4096 : i32
        %mul3A_551 = arith.muli %select_n3A_531, %mul3A_550 : i32
        %add3A_552 = arith.addi %mul3A_551, %mul3A_549 : i32
        "tpu.region"() ({
          %run_scoped3A = tpu.sem_alloc : memref<!tpu.dma_semaphore, #tpu.memory_space<semaphore_mem>>
          %dma_start3A_753 = arith.constant 0 : i32
          %dma_start3A_754 = tpu.memref_slice %arg2[%dma_start3A_753, %add3A_552] : memref<20x204800xi32, #tpu.memory_space<hbm>> -> memref<20x64xi32, #tpu.memory_space<hbm>>
          %dma_start3A_755 = arith.constant 0 : i32
          %dma_start3A_756 = tpu.memref_slice %arg2[%dma_start3A_755, %add3A_552] : memref<20x204800xi32, #tpu.memory_space<hbm>> -> memref<20x64xi32, #tpu.memory_space<hbm>>
          tpu.enqueue_dma source(%dma_start3A_756 : memref<20x64xi32, #tpu.memory_space<hbm>>) target(%arg6 : memref<20x64xi32, #tpu.memory_space<vmem>>) target_semaphore(%run_scoped3A : memref<!tpu.dma_semaphore, #tpu.memory_space<semaphore_mem>>)
          %dma_wait3A_757 = arith.constant 0 : i32
          %dma_wait3A_758 = tpu.memref_slice %arg2[%dma_wait3A_757, %add3A_552] : memref<20x204800xi32, #tpu.memory_space<hbm>> -> memref<20x64xi32, #tpu.memory_space<hbm>>
          %dma_wait3A_759 = arith.constant 0 : i32
          %dma_wait3A_760 = tpu.memref_slice %arg2[%dma_wait3A_759, %add3A_552] : memref<20x204800xi32, #tpu.memory_space<hbm>> -> memref<20x64xi32, #tpu.memory_space<hbm>>
          tpu.wait_dma2 semaphore(%run_scoped3A : memref<!tpu.dma_semaphore, #tpu.memory_space<semaphore_mem>>) src(%dma_wait3A_760 : memref<20x64xi32, #tpu.memory_space<hbm>>) dst(%arg6 : memref<20x64xi32, #tpu.memory_space<vmem>>)
          tpu.yield
        }) : () -> ()
        %dma_start3A_553 = arith.constant 0 : i32
        %dma_start3A_554 = arith.constant 0 : i32
        %dma_start3A_555 = arith.constant 0 : i32
        %dma_start3A_556 = tpu.memref_slice %arg8[%dma_start3A_554, %dma_start3A_555] : memref<1280x32xf32, #tpu.memory_space<vmem>> -> memref<64x32xf32, #tpu.memory_space<vmem>>
        %dma_start3A_557 = arith.constant 0 : i32
        %dma_start3A_558 = tpu.memref_slice %arg6[%dma_start3A_553, %dma_start3A_557] : memref<20x64xi32, #tpu.memory_space<vmem>> -> memref<1x64xi32, #tpu.memory_space<vmem>>
        %dma_start3A_559 = tpu.memref_squeeze %dma_start3A_558 : memref<1x64xi32, #tpu.memory_space<vmem>> -> memref<64xi32, #tpu.memory_space<vmem>>
        %dma_start3A_560 = arith.constant 0 : i32
        %dma_start3A_561 = arith.constant 0 : i32
        %dma_start3A_562 = tpu.memref_slice %arg3[%dma_start3A_560, %dma_start3A_561] : memref<1000000x32xf32, #tpu.memory_space<hbm>> -> memref<1000000x32xf32, #tpu.memory_space<hbm>>
        tpu.enqueue_indirect_dma source(%dma_start3A_562 : memref<1000000x32xf32, #tpu.memory_space<hbm>>) target(%dma_start3A_556 : memref<64x32xf32, #tpu.memory_space<vmem>>) offsets(%dma_start3A_559 : memref<64xi32, #tpu.memory_space<vmem>>) semaphore(%arg11 : memref<!tpu.dma_semaphore, #tpu.memory_space<semaphore_mem>>)
        %dma_start3A_563 = arith.constant 1 : i32
        %dma_start3A_564 = arith.constant 64 : i32
        %dma_start3A_565 = arith.constant 0 : i32
        %dma_start3A_566 = tpu.memref_slice %arg8[%dma_start3A_564, %dma_start3A_565] : memref<1280x32xf32, #tpu.memory_space<vmem>> -> memref<64x32xf32, #tpu.memory_space<vmem>>
        %dma_start3A_567 = arith.constant 0 : i32
        %dma_start3A_568 = tpu.memref_slice %arg6[%dma_start3A_563, %dma_start3A_567] : memref<20x64xi32, #tpu.memory_space<vmem>> -> memref<1x64xi32, #tpu.memory_space<vmem>>
        %dma_start3A_569 = tpu.memref_squeeze %dma_start3A_568 : memref<1x64xi32, #tpu.memory_space<vmem>> -> memref<64xi32, #tpu.memory_space<vmem>>
        %dma_start3A_570 = arith.constant 0 : i32
        %dma_start3A_571 = arith.constant 0 : i32
        %dma_start3A_572 = tpu.memref_slice %arg3[%dma_start3A_570, %dma_start3A_571] : memref<1000000x32xf32, #tpu.memory_space<hbm>> -> memref<1000000x32xf32, #tpu.memory_space<hbm>>
        tpu.enqueue_indirect_dma source(%dma_start3A_572 : memref<1000000x32xf32, #tpu.memory_space<hbm>>) target(%dma_start3A_566 : memref<64x32xf32, #tpu.memory_space<vmem>>) offsets(%dma_start3A_569 : memref<64xi32, #tpu.memory_space<vmem>>) semaphore(%arg11 : memref<!tpu.dma_semaphore, #tpu.memory_space<semaphore_mem>>)
        %dma_start3A_573 = arith.constant 2 : i32
        %dma_start3A_574 = arith.constant 128 : i32
        %dma_start3A_575 = arith.constant 0 : i32
        %dma_start3A_576 = tpu.memref_slice %arg8[%dma_start3A_574, %dma_start3A_575] : memref<1280x32xf32, #tpu.memory_space<vmem>> -> memref<64x32xf32, #tpu.memory_space<vmem>>
        %dma_start3A_577 = arith.constant 0 : i32
        %dma_start3A_578 = tpu.memref_slice %arg6[%dma_start3A_573, %dma_start3A_577] : memref<20x64xi32, #tpu.memory_space<vmem>> -> memref<1x64xi32, #tpu.memory_space<vmem>>
        %dma_start3A_579 = tpu.memref_squeeze %dma_start3A_578 : memref<1x64xi32, #tpu.memory_space<vmem>> -> memref<64xi32, #tpu.memory_space<vmem>>
        %dma_start3A_580 = arith.constant 0 : i32
        %dma_start3A_581 = arith.constant 0 : i32
        %dma_start3A_582 = tpu.memref_slice %arg3[%dma_start3A_580, %dma_start3A_581] : memref<1000000x32xf32, #tpu.memory_space<hbm>> -> memref<1000000x32xf32, #tpu.memory_space<hbm>>
        tpu.enqueue_indirect_dma source(%dma_start3A_582 : memref<1000000x32xf32, #tpu.memory_space<hbm>>) target(%dma_start3A_576 : memref<64x32xf32, #tpu.memory_space<vmem>>) offsets(%dma_start3A_579 : memref<64xi32, #tpu.memory_space<vmem>>) semaphore(%arg11 : memref<!tpu.dma_semaphore, #tpu.memory_space<semaphore_mem>>)
        %dma_start3A_583 = arith.constant 3 : i32
        %dma_start3A_584 = arith.constant 192 : i32
        %dma_start3A_585 = arith.constant 0 : i32
        %dma_start3A_586 = tpu.memref_slice %arg8[%dma_start3A_584, %dma_start3A_585] : memref<1280x32xf32, #tpu.memory_space<vmem>> -> memref<64x32xf32, #tpu.memory_space<vmem>>
        %dma_start3A_587 = arith.constant 0 : i32
        %dma_start3A_588 = tpu.memref_slice %arg6[%dma_start3A_583, %dma_start3A_587] : memref<20x64xi32, #tpu.memory_space<vmem>> -> memref<1x64xi32, #tpu.memory_space<vmem>>
        %dma_start3A_589 = tpu.memref_squeeze %dma_start3A_588 : memref<1x64xi32, #tpu.memory_space<vmem>> -> memref<64xi32, #tpu.memory_space<vmem>>
        %dma_start3A_590 = arith.constant 0 : i32
        %dma_start3A_591 = arith.constant 0 : i32
        %dma_start3A_592 = tpu.memref_slice %arg3[%dma_start3A_590, %dma_start3A_591] : memref<1000000x32xf32, #tpu.memory_space<hbm>> -> memref<1000000x32xf32, #tpu.memory_space<hbm>>
        tpu.enqueue_indirect_dma source(%dma_start3A_592 : memref<1000000x32xf32, #tpu.memory_space<hbm>>) target(%dma_start3A_586 : memref<64x32xf32, #tpu.memory_space<vmem>>) offsets(%dma_start3A_589 : memref<64xi32, #tpu.memory_space<vmem>>) semaphore(%arg11 : memref<!tpu.dma_semaphore, #tpu.memory_space<semaphore_mem>>)
        %dma_start3A_593 = arith.constant 4 : i32
        %dma_start3A_594 = arith.constant 256 : i32
        %dma_start3A_595 = arith.constant 0 : i32
        %dma_start3A_596 = tpu.memref_slice %arg8[%dma_start3A_594, %dma_start3A_595] : memref<1280x32xf32, #tpu.memory_space<vmem>> -> memref<64x32xf32, #tpu.memory_space<vmem>>
        %dma_start3A_597 = arith.constant 0 : i32
        %dma_start3A_598 = tpu.memref_slice %arg6[%dma_start3A_593, %dma_start3A_597] : memref<20x64xi32, #tpu.memory_space<vmem>> -> memref<1x64xi32, #tpu.memory_space<vmem>>
        %dma_start3A_599 = tpu.memref_squeeze %dma_start3A_598 : memref<1x64xi32, #tpu.memory_space<vmem>> -> memref<64xi32, #tpu.memory_space<vmem>>
        %dma_start3A_600 = arith.constant 0 : i32
        %dma_start3A_601 = arith.constant 0 : i32
        %dma_start3A_602 = tpu.memref_slice %arg3[%dma_start3A_600, %dma_start3A_601] : memref<1000000x32xf32, #tpu.memory_space<hbm>> -> memref<1000000x32xf32, #tpu.memory_space<hbm>>
        tpu.enqueue_indirect_dma source(%dma_start3A_602 : memref<1000000x32xf32, #tpu.memory_space<hbm>>) target(%dma_start3A_596 : memref<64x32xf32, #tpu.memory_space<vmem>>) offsets(%dma_start3A_599 : memref<64xi32, #tpu.memory_space<vmem>>) semaphore(%arg11 : memref<!tpu.dma_semaphore, #tpu.memory_space<semaphore_mem>>)
        %dma_start3A_603 = arith.constant 5 : i32
        %dma_start3A_604 = arith.constant 320 : i32
        %dma_start3A_605 = arith.constant 0 : i32
        %dma_start3A_606 = tpu.memref_slice %arg8[%dma_start3A_604, %dma_start3A_605] : memref<1280x32xf32, #tpu.memory_space<vmem>> -> memref<64x32xf32, #tpu.memory_space<vmem>>
        %dma_start3A_607 = arith.constant 0 : i32
        %dma_start3A_608 = tpu.memref_slice %arg6[%dma_start3A_603, %dma_start3A_607] : memref<20x64xi32, #tpu.memory_space<vmem>> -> memref<1x64xi32, #tpu.memory_space<vmem>>
        %dma_start3A_609 = tpu.memref_squeeze %dma_start3A_608 : memref<1x64xi32, #tpu.memory_space<vmem>> -> memref<64xi32, #tpu.memory_space<vmem>>
        %dma_start3A_610 = arith.constant 0 : i32
        %dma_start3A_611 = arith.constant 0 : i32
        %dma_start3A_612 = tpu.memref_slice %arg3[%dma_start3A_610, %dma_start3A_611] : memref<1000000x32xf32, #tpu.memory_space<hbm>> -> memref<1000000x32xf32, #tpu.memory_space<hbm>>
        tpu.enqueue_indirect_dma source(%dma_start3A_612 : memref<1000000x32xf32, #tpu.memory_space<hbm>>) target(%dma_start3A_606 : memref<64x32xf32, #tpu.memory_space<vmem>>) offsets(%dma_start3A_609 : memref<64xi32, #tpu.memory_space<vmem>>) semaphore(%arg11 : memref<!tpu.dma_semaphore, #tpu.memory_space<semaphore_mem>>)
        %dma_start3A_613 = arith.constant 6 : i32
        %dma_start3A_614 = arith.constant 384 : i32
        %dma_start3A_615 = arith.constant 0 : i32
        %dma_start3A_616 = tpu.memref_slice %arg8[%dma_start3A_614, %dma_start3A_615] : memref<1280x32xf32, #tpu.memory_space<vmem>> -> memref<64x32xf32, #tpu.memory_space<vmem>>
        %dma_start3A_617 = arith.constant 0 : i32
        %dma_start3A_618 = tpu.memref_slice %arg6[%dma_start3A_613, %dma_start3A_617] : memref<20x64xi32, #tpu.memory_space<vmem>> -> memref<1x64xi32, #tpu.memory_space<vmem>>
        %dma_start3A_619 = tpu.memref_squeeze %dma_start3A_618 : memref<1x64xi32, #tpu.memory_space<vmem>> -> memref<64xi32, #tpu.memory_space<vmem>>
        %dma_start3A_620 = arith.constant 0 : i32
        %dma_start3A_621 = arith.constant 0 : i32
        %dma_start3A_622 = tpu.memref_slice %arg3[%dma_start3A_620, %dma_start3A_621] : memref<1000000x32xf32, #tpu.memory_space<hbm>> -> memref<1000000x32xf32, #tpu.memory_space<hbm>>
        tpu.enqueue_indirect_dma source(%dma_start3A_622 : memref<1000000x32xf32, #tpu.memory_space<hbm>>) target(%dma_start3A_616 : memref<64x32xf32, #tpu.memory_space<vmem>>) offsets(%dma_start3A_619 : memref<64xi32, #tpu.memory_space<vmem>>) semaphore(%arg11 : memref<!tpu.dma_semaphore, #tpu.memory_space<semaphore_mem>>)
        %dma_start3A_623 = arith.constant 7 : i32
        %dma_start3A_624 = arith.constant 448 : i32
        %dma_start3A_625 = arith.constant 0 : i32
        %dma_start3A_626 = tpu.memref_slice %arg8[%dma_start3A_624, %dma_start3A_625] : memref<1280x32xf32, #tpu.memory_space<vmem>> -> memref<64x32xf32, #tpu.memory_space<vmem>>
        %dma_start3A_627 = arith.constant 0 : i32
        %dma_start3A_628 = tpu.memref_slice %arg6[%dma_start3A_623, %dma_start3A_627] : memref<20x64xi32, #tpu.memory_space<vmem>> -> memref<1x64xi32, #tpu.memory_space<vmem>>
        %dma_start3A_629 = tpu.memref_squeeze %dma_start3A_628 : memref<1x64xi32, #tpu.memory_space<vmem>> -> memref<64xi32, #tpu.memory_space<vmem>>
        %dma_start3A_630 = arith.constant 0 : i32
        %dma_start3A_631 = arith.constant 0 : i32
        %dma_start3A_632 = tpu.memref_slice %arg3[%dma_start3A_630, %dma_start3A_631] : memref<1000000x32xf32, #tpu.memory_space<hbm>> -> memref<1000000x32xf32, #tpu.memory_space<hbm>>
        tpu.enqueue_indirect_dma source(%dma_start3A_632 : memref<1000000x32xf32, #tpu.memory_space<hbm>>) target(%dma_start3A_626 : memref<64x32xf32, #tpu.memory_space<vmem>>) offsets(%dma_start3A_629 : memref<64xi32, #tpu.memory_space<vmem>>) semaphore(%arg11 : memref<!tpu.dma_semaphore, #tpu.memory_space<semaphore_mem>>)
        %dma_start3A_633 = arith.constant 8 : i32
        %dma_start3A_634 = arith.constant 512 : i32
        %dma_start3A_635 = arith.constant 0 : i32
        %dma_start3A_636 = tpu.memref_slice %arg8[%dma_start3A_634, %dma_start3A_635] : memref<1280x32xf32, #tpu.memory_space<vmem>> -> memref<64x32xf32, #tpu.memory_space<vmem>>
        %dma_start3A_637 = arith.constant 0 : i32
        %dma_start3A_638 = tpu.memref_slice %arg6[%dma_start3A_633, %dma_start3A_637] : memref<20x64xi32, #tpu.memory_space<vmem>> -> memref<1x64xi32, #tpu.memory_space<vmem>>
        %dma_start3A_639 = tpu.memref_squeeze %dma_start3A_638 : memref<1x64xi32, #tpu.memory_space<vmem>> -> memref<64xi32, #tpu.memory_space<vmem>>
        %dma_start3A_640 = arith.constant 0 : i32
        %dma_start3A_641 = arith.constant 0 : i32
        %dma_start3A_642 = tpu.memref_slice %arg3[%dma_start3A_640, %dma_start3A_641] : memref<1000000x32xf32, #tpu.memory_space<hbm>> -> memref<1000000x32xf32, #tpu.memory_space<hbm>>
        tpu.enqueue_indirect_dma source(%dma_start3A_642 : memref<1000000x32xf32, #tpu.memory_space<hbm>>) target(%dma_start3A_636 : memref<64x32xf32, #tpu.memory_space<vmem>>) offsets(%dma_start3A_639 : memref<64xi32, #tpu.memory_space<vmem>>) semaphore(%arg11 : memref<!tpu.dma_semaphore, #tpu.memory_space<semaphore_mem>>)
        %dma_start3A_643 = arith.constant 9 : i32
        %dma_start3A_644 = arith.constant 576 : i32
        %dma_start3A_645 = arith.constant 0 : i32
        %dma_start3A_646 = tpu.memref_slice %arg8[%dma_start3A_644, %dma_start3A_645] : memref<1280x32xf32, #tpu.memory_space<vmem>> -> memref<64x32xf32, #tpu.memory_space<vmem>>
        %dma_start3A_647 = arith.constant 0 : i32
        %dma_start3A_648 = tpu.memref_slice %arg6[%dma_start3A_643, %dma_start3A_647] : memref<20x64xi32, #tpu.memory_space<vmem>> -> memref<1x64xi32, #tpu.memory_space<vmem>>
        %dma_start3A_649 = tpu.memref_squeeze %dma_start3A_648 : memref<1x64xi32, #tpu.memory_space<vmem>> -> memref<64xi32, #tpu.memory_space<vmem>>
        %dma_start3A_650 = arith.constant 0 : i32
        %dma_start3A_651 = arith.constant 0 : i32
        %dma_start3A_652 = tpu.memref_slice %arg3[%dma_start3A_650, %dma_start3A_651] : memref<1000000x32xf32, #tpu.memory_space<hbm>> -> memref<1000000x32xf32, #tpu.memory_space<hbm>>
        tpu.enqueue_indirect_dma source(%dma_start3A_652 : memref<1000000x32xf32, #tpu.memory_space<hbm>>) target(%dma_start3A_646 : memref<64x32xf32, #tpu.memory_space<vmem>>) offsets(%dma_start3A_649 : memref<64xi32, #tpu.memory_space<vmem>>) semaphore(%arg11 : memref<!tpu.dma_semaphore, #tpu.memory_space<semaphore_mem>>)
        %dma_start3A_653 = arith.constant 10 : i32
        %dma_start3A_654 = arith.constant 640 : i32
        %dma_start3A_655 = arith.constant 0 : i32
        %dma_start3A_656 = tpu.memref_slice %arg8[%dma_start3A_654, %dma_start3A_655] : memref<1280x32xf32, #tpu.memory_space<vmem>> -> memref<64x32xf32, #tpu.memory_space<vmem>>
        %dma_start3A_657 = arith.constant 0 : i32
        %dma_start3A_658 = tpu.memref_slice %arg6[%dma_start3A_653, %dma_start3A_657] : memref<20x64xi32, #tpu.memory_space<vmem>> -> memref<1x64xi32, #tpu.memory_space<vmem>>
        %dma_start3A_659 = tpu.memref_squeeze %dma_start3A_658 : memref<1x64xi32, #tpu.memory_space<vmem>> -> memref<64xi32, #tpu.memory_space<vmem>>
        %dma_start3A_660 = arith.constant 0 : i32
        %dma_start3A_661 = arith.constant 0 : i32
        %dma_start3A_662 = tpu.memref_slice %arg3[%dma_start3A_660, %dma_start3A_661] : memref<1000000x32xf32, #tpu.memory_space<hbm>> -> memref<1000000x32xf32, #tpu.memory_space<hbm>>
        tpu.enqueue_indirect_dma source(%dma_start3A_662 : memref<1000000x32xf32, #tpu.memory_space<hbm>>) target(%dma_start3A_656 : memref<64x32xf32, #tpu.memory_space<vmem>>) offsets(%dma_start3A_659 : memref<64xi32, #tpu.memory_space<vmem>>) semaphore(%arg11 : memref<!tpu.dma_semaphore, #tpu.memory_space<semaphore_mem>>)
        %dma_start3A_663 = arith.constant 11 : i32
        %dma_start3A_664 = arith.constant 704 : i32
        %dma_start3A_665 = arith.constant 0 : i32
        %dma_start3A_666 = tpu.memref_slice %arg8[%dma_start3A_664, %dma_start3A_665] : memref<1280x32xf32, #tpu.memory_space<vmem>> -> memref<64x32xf32, #tpu.memory_space<vmem>>
        %dma_start3A_667 = arith.constant 0 : i32
        %dma_start3A_668 = tpu.memref_slice %arg6[%dma_start3A_663, %dma_start3A_667] : memref<20x64xi32, #tpu.memory_space<vmem>> -> memref<1x64xi32, #tpu.memory_space<vmem>>
        %dma_start3A_669 = tpu.memref_squeeze %dma_start3A_668 : memref<1x64xi32, #tpu.memory_space<vmem>> -> memref<64xi32, #tpu.memory_space<vmem>>
        %dma_start3A_670 = arith.constant 0 : i32
        %dma_start3A_671 = arith.constant 0 : i32
        %dma_start3A_672 = tpu.memref_slice %arg3[%dma_start3A_670, %dma_start3A_671] : memref<1000000x32xf32, #tpu.memory_space<hbm>> -> memref<1000000x32xf32, #tpu.memory_space<hbm>>
        tpu.enqueue_indirect_dma source(%dma_start3A_672 : memref<1000000x32xf32, #tpu.memory_space<hbm>>) target(%dma_start3A_666 : memref<64x32xf32, #tpu.memory_space<vmem>>) offsets(%dma_start3A_669 : memref<64xi32, #tpu.memory_space<vmem>>) semaphore(%arg11 : memref<!tpu.dma_semaphore, #tpu.memory_space<semaphore_mem>>)
        %dma_start3A_673 = arith.constant 12 : i32
        %dma_start3A_674 = arith.constant 768 : i32
        %dma_start3A_675 = arith.constant 0 : i32
        %dma_start3A_676 = tpu.memref_slice %arg8[%dma_start3A_674, %dma_start3A_675] : memref<1280x32xf32, #tpu.memory_space<vmem>> -> memref<64x32xf32, #tpu.memory_space<vmem>>
        %dma_start3A_677 = arith.constant 0 : i32
        %dma_start3A_678 = tpu.memref_slice %arg6[%dma_start3A_673, %dma_start3A_677] : memref<20x64xi32, #tpu.memory_space<vmem>> -> memref<1x64xi32, #tpu.memory_space<vmem>>
        %dma_start3A_679 = tpu.memref_squeeze %dma_start3A_678 : memref<1x64xi32, #tpu.memory_space<vmem>> -> memref<64xi32, #tpu.memory_space<vmem>>
        %dma_start3A_680 = arith.constant 0 : i32
        %dma_start3A_681 = arith.constant 0 : i32
        %dma_start3A_682 = tpu.memref_slice %arg3[%dma_start3A_680, %dma_start3A_681] : memref<1000000x32xf32, #tpu.memory_space<hbm>> -> memref<1000000x32xf32, #tpu.memory_space<hbm>>
        tpu.enqueue_indirect_dma source(%dma_start3A_682 : memref<1000000x32xf32, #tpu.memory_space<hbm>>) target(%dma_start3A_676 : memref<64x32xf32, #tpu.memory_space<vmem>>) offsets(%dma_start3A_679 : memref<64xi32, #tpu.memory_space<vmem>>) semaphore(%arg11 : memref<!tpu.dma_semaphore, #tpu.memory_space<semaphore_mem>>)
        %dma_start3A_683 = arith.constant 13 : i32
        %dma_start3A_684 = arith.constant 832 : i32
        %dma_start3A_685 = arith.constant 0 : i32
        %dma_start3A_686 = tpu.memref_slice %arg8[%dma_start3A_684, %dma_start3A_685] : memref<1280x32xf32, #tpu.memory_space<vmem>> -> memref<64x32xf32, #tpu.memory_space<vmem>>
        %dma_start3A_687 = arith.constant 0 : i32
        %dma_start3A_688 = tpu.memref_slice %arg6[%dma_start3A_683, %dma_start3A_687] : memref<20x64xi32, #tpu.memory_space<vmem>> -> memref<1x64xi32, #tpu.memory_space<vmem>>
        %dma_start3A_689 = tpu.memref_squeeze %dma_start3A_688 : memref<1x64xi32, #tpu.memory_space<vmem>> -> memref<64xi32, #tpu.memory_space<vmem>>
        %dma_start3A_690 = arith.constant 0 : i32
        %dma_start3A_691 = arith.constant 0 : i32
        %dma_start3A_692 = tpu.memref_slice %arg3[%dma_start3A_690, %dma_start3A_691] : memref<1000000x32xf32, #tpu.memory_space<hbm>> -> memref<1000000x32xf32, #tpu.memory_space<hbm>>
        tpu.enqueue_indirect_dma source(%dma_start3A_692 : memref<1000000x32xf32, #tpu.memory_space<hbm>>) target(%dma_start3A_686 : memref<64x32xf32, #tpu.memory_space<vmem>>) offsets(%dma_start3A_689 : memref<64xi32, #tpu.memory_space<vmem>>) semaphore(%arg11 : memref<!tpu.dma_semaphore, #tpu.memory_space<semaphore_mem>>)
        %dma_start3A_693 = arith.constant 14 : i32
        %dma_start3A_694 = arith.constant 896 : i32
        %dma_start3A_695 = arith.constant 0 : i32
        %dma_start3A_696 = tpu.memref_slice %arg8[%dma_start3A_694, %dma_start3A_695] : memref<1280x32xf32, #tpu.memory_space<vmem>> -> memref<64x32xf32, #tpu.memory_space<vmem>>
        %dma_start3A_697 = arith.constant 0 : i32
        %dma_start3A_698 = tpu.memref_slice %arg6[%dma_start3A_693, %dma_start3A_697] : memref<20x64xi32, #tpu.memory_space<vmem>> -> memref<1x64xi32, #tpu.memory_space<vmem>>
        %dma_start3A_699 = tpu.memref_squeeze %dma_start3A_698 : memref<1x64xi32, #tpu.memory_space<vmem>> -> memref<64xi32, #tpu.memory_space<vmem>>
        %dma_start3A_700 = arith.constant 0 : i32
        %dma_start3A_701 = arith.constant 0 : i32
        %dma_start3A_702 = tpu.memref_slice %arg3[%dma_start3A_700, %dma_start3A_701] : memref<1000000x32xf32, #tpu.memory_space<hbm>> -> memref<1000000x32xf32, #tpu.memory_space<hbm>>
        tpu.enqueue_indirect_dma source(%dma_start3A_702 : memref<1000000x32xf32, #tpu.memory_space<hbm>>) target(%dma_start3A_696 : memref<64x32xf32, #tpu.memory_space<vmem>>) offsets(%dma_start3A_699 : memref<64xi32, #tpu.memory_space<vmem>>) semaphore(%arg11 : memref<!tpu.dma_semaphore, #tpu.memory_space<semaphore_mem>>)
        %dma_start3A_703 = arith.constant 15 : i32
        %dma_start3A_704 = arith.constant 960 : i32
        %dma_start3A_705 = arith.constant 0 : i32
        %dma_start3A_706 = tpu.memref_slice %arg8[%dma_start3A_704, %dma_start3A_705] : memref<1280x32xf32, #tpu.memory_space<vmem>> -> memref<64x32xf32, #tpu.memory_space<vmem>>
        %dma_start3A_707 = arith.constant 0 : i32
        %dma_start3A_708 = tpu.memref_slice %arg6[%dma_start3A_703, %dma_start3A_707] : memref<20x64xi32, #tpu.memory_space<vmem>> -> memref<1x64xi32, #tpu.memory_space<vmem>>
        %dma_start3A_709 = tpu.memref_squeeze %dma_start3A_708 : memref<1x64xi32, #tpu.memory_space<vmem>> -> memref<64xi32, #tpu.memory_space<vmem>>
        %dma_start3A_710 = arith.constant 0 : i32
        %dma_start3A_711 = arith.constant 0 : i32
        %dma_start3A_712 = tpu.memref_slice %arg3[%dma_start3A_710, %dma_start3A_711] : memref<1000000x32xf32, #tpu.memory_space<hbm>> -> memref<1000000x32xf32, #tpu.memory_space<hbm>>
        tpu.enqueue_indirect_dma source(%dma_start3A_712 : memref<1000000x32xf32, #tpu.memory_space<hbm>>) target(%dma_start3A_706 : memref<64x32xf32, #tpu.memory_space<vmem>>) offsets(%dma_start3A_709 : memref<64xi32, #tpu.memory_space<vmem>>) semaphore(%arg11 : memref<!tpu.dma_semaphore, #tpu.memory_space<semaphore_mem>>)
        %dma_start3A_713 = arith.constant 16 : i32
        %dma_start3A_714 = arith.constant 1024 : i32
        %dma_start3A_715 = arith.constant 0 : i32
        %dma_start3A_716 = tpu.memref_slice %arg8[%dma_start3A_714, %dma_start3A_715] : memref<1280x32xf32, #tpu.memory_space<vmem>> -> memref<64x32xf32, #tpu.memory_space<vmem>>
        %dma_start3A_717 = arith.constant 0 : i32
        %dma_start3A_718 = tpu.memref_slice %arg6[%dma_start3A_713, %dma_start3A_717] : memref<20x64xi32, #tpu.memory_space<vmem>> -> memref<1x64xi32, #tpu.memory_space<vmem>>
        %dma_start3A_719 = tpu.memref_squeeze %dma_start3A_718 : memref<1x64xi32, #tpu.memory_space<vmem>> -> memref<64xi32, #tpu.memory_space<vmem>>
        %dma_start3A_720 = arith.constant 0 : i32
        %dma_start3A_721 = arith.constant 0 : i32
        %dma_start3A_722 = tpu.memref_slice %arg3[%dma_start3A_720, %dma_start3A_721] : memref<1000000x32xf32, #tpu.memory_space<hbm>> -> memref<1000000x32xf32, #tpu.memory_space<hbm>>
        tpu.enqueue_indirect_dma source(%dma_start3A_722 : memref<1000000x32xf32, #tpu.memory_space<hbm>>) target(%dma_start3A_716 : memref<64x32xf32, #tpu.memory_space<vmem>>) offsets(%dma_start3A_719 : memref<64xi32, #tpu.memory_space<vmem>>) semaphore(%arg11 : memref<!tpu.dma_semaphore, #tpu.memory_space<semaphore_mem>>)
        %dma_start3A_723 = arith.constant 17 : i32
        %dma_start3A_724 = arith.constant 1088 : i32
        %dma_start3A_725 = arith.constant 0 : i32
        %dma_start3A_726 = tpu.memref_slice %arg8[%dma_start3A_724, %dma_start3A_725] : memref<1280x32xf32, #tpu.memory_space<vmem>> -> memref<64x32xf32, #tpu.memory_space<vmem>>
        %dma_start3A_727 = arith.constant 0 : i32
        %dma_start3A_728 = tpu.memref_slice %arg6[%dma_start3A_723, %dma_start3A_727] : memref<20x64xi32, #tpu.memory_space<vmem>> -> memref<1x64xi32, #tpu.memory_space<vmem>>
        %dma_start3A_729 = tpu.memref_squeeze %dma_start3A_728 : memref<1x64xi32, #tpu.memory_space<vmem>> -> memref<64xi32, #tpu.memory_space<vmem>>
        %dma_start3A_730 = arith.constant 0 : i32
        %dma_start3A_731 = arith.constant 0 : i32
        %dma_start3A_732 = tpu.memref_slice %arg3[%dma_start3A_730, %dma_start3A_731] : memref<1000000x32xf32, #tpu.memory_space<hbm>> -> memref<1000000x32xf32, #tpu.memory_space<hbm>>
        tpu.enqueue_indirect_dma source(%dma_start3A_732 : memref<1000000x32xf32, #tpu.memory_space<hbm>>) target(%dma_start3A_726 : memref<64x32xf32, #tpu.memory_space<vmem>>) offsets(%dma_start3A_729 : memref<64xi32, #tpu.memory_space<vmem>>) semaphore(%arg11 : memref<!tpu.dma_semaphore, #tpu.memory_space<semaphore_mem>>)
        %dma_start3A_733 = arith.constant 18 : i32
        %dma_start3A_734 = arith.constant 1152 : i32
        %dma_start3A_735 = arith.constant 0 : i32
        %dma_start3A_736 = tpu.memref_slice %arg8[%dma_start3A_734, %dma_start3A_735] : memref<1280x32xf32, #tpu.memory_space<vmem>> -> memref<64x32xf32, #tpu.memory_space<vmem>>
        %dma_start3A_737 = arith.constant 0 : i32
        %dma_start3A_738 = tpu.memref_slice %arg6[%dma_start3A_733, %dma_start3A_737] : memref<20x64xi32, #tpu.memory_space<vmem>> -> memref<1x64xi32, #tpu.memory_space<vmem>>
        %dma_start3A_739 = tpu.memref_squeeze %dma_start3A_738 : memref<1x64xi32, #tpu.memory_space<vmem>> -> memref<64xi32, #tpu.memory_space<vmem>>
        %dma_start3A_740 = arith.constant 0 : i32
        %dma_start3A_741 = arith.constant 0 : i32
        %dma_start3A_742 = tpu.memref_slice %arg3[%dma_start3A_740, %dma_start3A_741] : memref<1000000x32xf32, #tpu.memory_space<hbm>> -> memref<1000000x32xf32, #tpu.memory_space<hbm>>
        tpu.enqueue_indirect_dma source(%dma_start3A_742 : memref<1000000x32xf32, #tpu.memory_space<hbm>>) target(%dma_start3A_736 : memref<64x32xf32, #tpu.memory_space<vmem>>) offsets(%dma_start3A_739 : memref<64xi32, #tpu.memory_space<vmem>>) semaphore(%arg11 : memref<!tpu.dma_semaphore, #tpu.memory_space<semaphore_mem>>)
        %dma_start3A_743 = arith.constant 19 : i32
        %dma_start3A_744 = arith.constant 1216 : i32
        %dma_start3A_745 = arith.constant 0 : i32
        %dma_start3A_746 = tpu.memref_slice %arg8[%dma_start3A_744, %dma_start3A_745] : memref<1280x32xf32, #tpu.memory_space<vmem>> -> memref<64x32xf32, #tpu.memory_space<vmem>>
        %dma_start3A_747 = arith.constant 0 : i32
        %dma_start3A_748 = tpu.memref_slice %arg6[%dma_start3A_743, %dma_start3A_747] : memref<20x64xi32, #tpu.memory_space<vmem>> -> memref<1x64xi32, #tpu.memory_space<vmem>>
        %dma_start3A_749 = tpu.memref_squeeze %dma_start3A_748 : memref<1x64xi32, #tpu.memory_space<vmem>> -> memref<64xi32, #tpu.memory_space<vmem>>
        %dma_start3A_750 = arith.constant 0 : i32
        %dma_start3A_751 = arith.constant 0 : i32
        %dma_start3A_752 = tpu.memref_slice %arg3[%dma_start3A_750, %dma_start3A_751] : memref<1000000x32xf32, #tpu.memory_space<hbm>> -> memref<1000000x32xf32, #tpu.memory_space<hbm>>
        tpu.enqueue_indirect_dma source(%dma_start3A_752 : memref<1000000x32xf32, #tpu.memory_space<hbm>>) target(%dma_start3A_746 : memref<64x32xf32, #tpu.memory_space<vmem>>) offsets(%dma_start3A_749 : memref<64xi32, #tpu.memory_space<vmem>>) semaphore(%arg11 : memref<!tpu.dma_semaphore, #tpu.memory_space<semaphore_mem>>)
      } else {
      }
      %add3A_250 = arith.addi %mul3A_2, %mul3A_244 : i32
      %dma_wait3A = arith.constant 0 : i32
      %dma_wait3A_251 = arith.constant 0 : i32
      %dma_wait3A_252 = arith.constant 0 : i32
      %dma_wait3A_253 = tpu.memref_slice %arg7[%dma_wait3A_251, %dma_wait3A_252] : memref<1280x32xf32, #tpu.memory_space<vmem>> -> memref<64x32xf32, #tpu.memory_space<vmem>>
      %dma_wait3A_254 = arith.constant 0 : i32
      %dma_wait3A_255 = tpu.memref_slice %arg5[%dma_wait3A, %dma_wait3A_254] : memref<20x64xi32, #tpu.memory_space<vmem>> -> memref<1x64xi32, #tpu.memory_space<vmem>>
      %dma_wait3A_256 = tpu.memref_squeeze %dma_wait3A_255 : memref<1x64xi32, #tpu.memory_space<vmem>> -> memref<64xi32, #tpu.memory_space<vmem>>
      %dma_wait3A_257 = arith.constant 0 : i32
      %dma_wait3A_258 = arith.constant 0 : i32
      %dma_wait3A_259 = tpu.memref_slice %arg3[%dma_wait3A_257, %dma_wait3A_258] : memref<1000000x32xf32, #tpu.memory_space<hbm>> -> memref<1000000x32xf32, #tpu.memory_space<hbm>>
      tpu.wait_indirect_dma semaphore(%arg10 : memref<!tpu.dma_semaphore, #tpu.memory_space<semaphore_mem>>) src(%dma_wait3A_259 : memref<1000000x32xf32, #tpu.memory_space<hbm>>) dst(%dma_wait3A_253 : memref<64x32xf32, #tpu.memory_space<vmem>>)
      %dma_wait3A_260 = arith.constant 1 : i32
      %dma_wait3A_261 = arith.constant 64 : i32
      %dma_wait3A_262 = arith.constant 0 : i32
      %dma_wait3A_263 = tpu.memref_slice %arg7[%dma_wait3A_261, %dma_wait3A_262] : memref<1280x32xf32, #tpu.memory_space<vmem>> -> memref<64x32xf32, #tpu.memory_space<vmem>>
      %dma_wait3A_264 = arith.constant 0 : i32
      %dma_wait3A_265 = tpu.memref_slice %arg5[%dma_wait3A_260, %dma_wait3A_264] : memref<20x64xi32, #tpu.memory_space<vmem>> -> memref<1x64xi32, #tpu.memory_space<vmem>>
      %dma_wait3A_266 = tpu.memref_squeeze %dma_wait3A_265 : memref<1x64xi32, #tpu.memory_space<vmem>> -> memref<64xi32, #tpu.memory_space<vmem>>
      %dma_wait3A_267 = arith.constant 0 : i32
      %dma_wait3A_268 = arith.constant 0 : i32
      %dma_wait3A_269 = tpu.memref_slice %arg3[%dma_wait3A_267, %dma_wait3A_268] : memref<1000000x32xf32, #tpu.memory_space<hbm>> -> memref<1000000x32xf32, #tpu.memory_space<hbm>>
      tpu.wait_indirect_dma semaphore(%arg10 : memref<!tpu.dma_semaphore, #tpu.memory_space<semaphore_mem>>) src(%dma_wait3A_269 : memref<1000000x32xf32, #tpu.memory_space<hbm>>) dst(%dma_wait3A_263 : memref<64x32xf32, #tpu.memory_space<vmem>>)
      %dma_wait3A_270 = arith.constant 2 : i32
      %dma_wait3A_271 = arith.constant 128 : i32
      %dma_wait3A_272 = arith.constant 0 : i32
      %dma_wait3A_273 = tpu.memref_slice %arg7[%dma_wait3A_271, %dma_wait3A_272] : memref<1280x32xf32, #tpu.memory_space<vmem>> -> memref<64x32xf32, #tpu.memory_space<vmem>>
      %dma_wait3A_274 = arith.constant 0 : i32
      %dma_wait3A_275 = tpu.memref_slice %arg5[%dma_wait3A_270, %dma_wait3A_274] : memref<20x64xi32, #tpu.memory_space<vmem>> -> memref<1x64xi32, #tpu.memory_space<vmem>>
      %dma_wait3A_276 = tpu.memref_squeeze %dma_wait3A_275 : memref<1x64xi32, #tpu.memory_space<vmem>> -> memref<64xi32, #tpu.memory_space<vmem>>
      %dma_wait3A_277 = arith.constant 0 : i32
      %dma_wait3A_278 = arith.constant 0 : i32
      %dma_wait3A_279 = tpu.memref_slice %arg3[%dma_wait3A_277, %dma_wait3A_278] : memref<1000000x32xf32, #tpu.memory_space<hbm>> -> memref<1000000x32xf32, #tpu.memory_space<hbm>>
      tpu.wait_indirect_dma semaphore(%arg10 : memref<!tpu.dma_semaphore, #tpu.memory_space<semaphore_mem>>) src(%dma_wait3A_279 : memref<1000000x32xf32, #tpu.memory_space<hbm>>) dst(%dma_wait3A_273 : memref<64x32xf32, #tpu.memory_space<vmem>>)
      %dma_wait3A_280 = arith.constant 3 : i32
      %dma_wait3A_281 = arith.constant 192 : i32
      %dma_wait3A_282 = arith.constant 0 : i32
      %dma_wait3A_283 = tpu.memref_slice %arg7[%dma_wait3A_281, %dma_wait3A_282] : memref<1280x32xf32, #tpu.memory_space<vmem>> -> memref<64x32xf32, #tpu.memory_space<vmem>>
      %dma_wait3A_284 = arith.constant 0 : i32
      %dma_wait3A_285 = tpu.memref_slice %arg5[%dma_wait3A_280, %dma_wait3A_284] : memref<20x64xi32, #tpu.memory_space<vmem>> -> memref<1x64xi32, #tpu.memory_space<vmem>>
      %dma_wait3A_286 = tpu.memref_squeeze %dma_wait3A_285 : memref<1x64xi32, #tpu.memory_space<vmem>> -> memref<64xi32, #tpu.memory_space<vmem>>
      %dma_wait3A_287 = arith.constant 0 : i32
      %dma_wait3A_288 = arith.constant 0 : i32
      %dma_wait3A_289 = tpu.memref_slice %arg3[%dma_wait3A_287, %dma_wait3A_288] : memref<1000000x32xf32, #tpu.memory_space<hbm>> -> memref<1000000x32xf32, #tpu.memory_space<hbm>>
      tpu.wait_indirect_dma semaphore(%arg10 : memref<!tpu.dma_semaphore, #tpu.memory_space<semaphore_mem>>) src(%dma_wait3A_289 : memref<1000000x32xf32, #tpu.memory_space<hbm>>) dst(%dma_wait3A_283 : memref<64x32xf32, #tpu.memory_space<vmem>>)
      %dma_wait3A_290 = arith.constant 4 : i32
      %dma_wait3A_291 = arith.constant 256 : i32
      %dma_wait3A_292 = arith.constant 0 : i32
      %dma_wait3A_293 = tpu.memref_slice %arg7[%dma_wait3A_291, %dma_wait3A_292] : memref<1280x32xf32, #tpu.memory_space<vmem>> -> memref<64x32xf32, #tpu.memory_space<vmem>>
      %dma_wait3A_294 = arith.constant 0 : i32
      %dma_wait3A_295 = tpu.memref_slice %arg5[%dma_wait3A_290, %dma_wait3A_294] : memref<20x64xi32, #tpu.memory_space<vmem>> -> memref<1x64xi32, #tpu.memory_space<vmem>>
      %dma_wait3A_296 = tpu.memref_squeeze %dma_wait3A_295 : memref<1x64xi32, #tpu.memory_space<vmem>> -> memref<64xi32, #tpu.memory_space<vmem>>
      %dma_wait3A_297 = arith.constant 0 : i32
      %dma_wait3A_298 = arith.constant 0 : i32
      %dma_wait3A_299 = tpu.memref_slice %arg3[%dma_wait3A_297, %dma_wait3A_298] : memref<1000000x32xf32, #tpu.memory_space<hbm>> -> memref<1000000x32xf32, #tpu.memory_space<hbm>>
      tpu.wait_indirect_dma semaphore(%arg10 : memref<!tpu.dma_semaphore, #tpu.memory_space<semaphore_mem>>) src(%dma_wait3A_299 : memref<1000000x32xf32, #tpu.memory_space<hbm>>) dst(%dma_wait3A_293 : memref<64x32xf32, #tpu.memory_space<vmem>>)
      %dma_wait3A_300 = arith.constant 5 : i32
      %dma_wait3A_301 = arith.constant 320 : i32
      %dma_wait3A_302 = arith.constant 0 : i32
      %dma_wait3A_303 = tpu.memref_slice %arg7[%dma_wait3A_301, %dma_wait3A_302] : memref<1280x32xf32, #tpu.memory_space<vmem>> -> memref<64x32xf32, #tpu.memory_space<vmem>>
      %dma_wait3A_304 = arith.constant 0 : i32
      %dma_wait3A_305 = tpu.memref_slice %arg5[%dma_wait3A_300, %dma_wait3A_304] : memref<20x64xi32, #tpu.memory_space<vmem>> -> memref<1x64xi32, #tpu.memory_space<vmem>>
      %dma_wait3A_306 = tpu.memref_squeeze %dma_wait3A_305 : memref<1x64xi32, #tpu.memory_space<vmem>> -> memref<64xi32, #tpu.memory_space<vmem>>
      %dma_wait3A_307 = arith.constant 0 : i32
      %dma_wait3A_308 = arith.constant 0 : i32
      %dma_wait3A_309 = tpu.memref_slice %arg3[%dma_wait3A_307, %dma_wait3A_308] : memref<1000000x32xf32, #tpu.memory_space<hbm>> -> memref<1000000x32xf32, #tpu.memory_space<hbm>>
      tpu.wait_indirect_dma semaphore(%arg10 : memref<!tpu.dma_semaphore, #tpu.memory_space<semaphore_mem>>) src(%dma_wait3A_309 : memref<1000000x32xf32, #tpu.memory_space<hbm>>) dst(%dma_wait3A_303 : memref<64x32xf32, #tpu.memory_space<vmem>>)
      %dma_wait3A_310 = arith.constant 6 : i32
      %dma_wait3A_311 = arith.constant 384 : i32
      %dma_wait3A_312 = arith.constant 0 : i32
      %dma_wait3A_313 = tpu.memref_slice %arg7[%dma_wait3A_311, %dma_wait3A_312] : memref<1280x32xf32, #tpu.memory_space<vmem>> -> memref<64x32xf32, #tpu.memory_space<vmem>>
      %dma_wait3A_314 = arith.constant 0 : i32
      %dma_wait3A_315 = tpu.memref_slice %arg5[%dma_wait3A_310, %dma_wait3A_314] : memref<20x64xi32, #tpu.memory_space<vmem>> -> memref<1x64xi32, #tpu.memory_space<vmem>>
      %dma_wait3A_316 = tpu.memref_squeeze %dma_wait3A_315 : memref<1x64xi32, #tpu.memory_space<vmem>> -> memref<64xi32, #tpu.memory_space<vmem>>
      %dma_wait3A_317 = arith.constant 0 : i32
      %dma_wait3A_318 = arith.constant 0 : i32
      %dma_wait3A_319 = tpu.memref_slice %arg3[%dma_wait3A_317, %dma_wait3A_318] : memref<1000000x32xf32, #tpu.memory_space<hbm>> -> memref<1000000x32xf32, #tpu.memory_space<hbm>>
      tpu.wait_indirect_dma semaphore(%arg10 : memref<!tpu.dma_semaphore, #tpu.memory_space<semaphore_mem>>) src(%dma_wait3A_319 : memref<1000000x32xf32, #tpu.memory_space<hbm>>) dst(%dma_wait3A_313 : memref<64x32xf32, #tpu.memory_space<vmem>>)
      %dma_wait3A_320 = arith.constant 7 : i32
      %dma_wait3A_321 = arith.constant 448 : i32
      %dma_wait3A_322 = arith.constant 0 : i32
      %dma_wait3A_323 = tpu.memref_slice %arg7[%dma_wait3A_321, %dma_wait3A_322] : memref<1280x32xf32, #tpu.memory_space<vmem>> -> memref<64x32xf32, #tpu.memory_space<vmem>>
      %dma_wait3A_324 = arith.constant 0 : i32
      %dma_wait3A_325 = tpu.memref_slice %arg5[%dma_wait3A_320, %dma_wait3A_324] : memref<20x64xi32, #tpu.memory_space<vmem>> -> memref<1x64xi32, #tpu.memory_space<vmem>>
      %dma_wait3A_326 = tpu.memref_squeeze %dma_wait3A_325 : memref<1x64xi32, #tpu.memory_space<vmem>> -> memref<64xi32, #tpu.memory_space<vmem>>
      %dma_wait3A_327 = arith.constant 0 : i32
      %dma_wait3A_328 = arith.constant 0 : i32
      %dma_wait3A_329 = tpu.memref_slice %arg3[%dma_wait3A_327, %dma_wait3A_328] : memref<1000000x32xf32, #tpu.memory_space<hbm>> -> memref<1000000x32xf32, #tpu.memory_space<hbm>>
      tpu.wait_indirect_dma semaphore(%arg10 : memref<!tpu.dma_semaphore, #tpu.memory_space<semaphore_mem>>) src(%dma_wait3A_329 : memref<1000000x32xf32, #tpu.memory_space<hbm>>) dst(%dma_wait3A_323 : memref<64x32xf32, #tpu.memory_space<vmem>>)
      %dma_wait3A_330 = arith.constant 8 : i32
      %dma_wait3A_331 = arith.constant 512 : i32
      %dma_wait3A_332 = arith.constant 0 : i32
      %dma_wait3A_333 = tpu.memref_slice %arg7[%dma_wait3A_331, %dma_wait3A_332] : memref<1280x32xf32, #tpu.memory_space<vmem>> -> memref<64x32xf32, #tpu.memory_space<vmem>>
      %dma_wait3A_334 = arith.constant 0 : i32
      %dma_wait3A_335 = tpu.memref_slice %arg5[%dma_wait3A_330, %dma_wait3A_334] : memref<20x64xi32, #tpu.memory_space<vmem>> -> memref<1x64xi32, #tpu.memory_space<vmem>>
      %dma_wait3A_336 = tpu.memref_squeeze %dma_wait3A_335 : memref<1x64xi32, #tpu.memory_space<vmem>> -> memref<64xi32, #tpu.memory_space<vmem>>
      %dma_wait3A_337 = arith.constant 0 : i32
      %dma_wait3A_338 = arith.constant 0 : i32
      %dma_wait3A_339 = tpu.memref_slice %arg3[%dma_wait3A_337, %dma_wait3A_338] : memref<1000000x32xf32, #tpu.memory_space<hbm>> -> memref<1000000x32xf32, #tpu.memory_space<hbm>>
      tpu.wait_indirect_dma semaphore(%arg10 : memref<!tpu.dma_semaphore, #tpu.memory_space<semaphore_mem>>) src(%dma_wait3A_339 : memref<1000000x32xf32, #tpu.memory_space<hbm>>) dst(%dma_wait3A_333 : memref<64x32xf32, #tpu.memory_space<vmem>>)
      %dma_wait3A_340 = arith.constant 9 : i32
      %dma_wait3A_341 = arith.constant 576 : i32
      %dma_wait3A_342 = arith.constant 0 : i32
      %dma_wait3A_343 = tpu.memref_slice %arg7[%dma_wait3A_341, %dma_wait3A_342] : memref<1280x32xf32, #tpu.memory_space<vmem>> -> memref<64x32xf32, #tpu.memory_space<vmem>>
      %dma_wait3A_344 = arith.constant 0 : i32
      %dma_wait3A_345 = tpu.memref_slice %arg5[%dma_wait3A_340, %dma_wait3A_344] : memref<20x64xi32, #tpu.memory_space<vmem>> -> memref<1x64xi32, #tpu.memory_space<vmem>>
      %dma_wait3A_346 = tpu.memref_squeeze %dma_wait3A_345 : memref<1x64xi32, #tpu.memory_space<vmem>> -> memref<64xi32, #tpu.memory_space<vmem>>
      %dma_wait3A_347 = arith.constant 0 : i32
      %dma_wait3A_348 = arith.constant 0 : i32
      %dma_wait3A_349 = tpu.memref_slice %arg3[%dma_wait3A_347, %dma_wait3A_348] : memref<1000000x32xf32, #tpu.memory_space<hbm>> -> memref<1000000x32xf32, #tpu.memory_space<hbm>>
      tpu.wait_indirect_dma semaphore(%arg10 : memref<!tpu.dma_semaphore, #tpu.memory_space<semaphore_mem>>) src(%dma_wait3A_349 : memref<1000000x32xf32, #tpu.memory_space<hbm>>) dst(%dma_wait3A_343 : memref<64x32xf32, #tpu.memory_space<vmem>>)
      %dma_wait3A_350 = arith.constant 10 : i32
      %dma_wait3A_351 = arith.constant 640 : i32
      %dma_wait3A_352 = arith.constant 0 : i32
      %dma_wait3A_353 = tpu.memref_slice %arg7[%dma_wait3A_351, %dma_wait3A_352] : memref<1280x32xf32, #tpu.memory_space<vmem>> -> memref<64x32xf32, #tpu.memory_space<vmem>>
      %dma_wait3A_354 = arith.constant 0 : i32
      %dma_wait3A_355 = tpu.memref_slice %arg5[%dma_wait3A_350, %dma_wait3A_354] : memref<20x64xi32, #tpu.memory_space<vmem>> -> memref<1x64xi32, #tpu.memory_space<vmem>>
      %dma_wait3A_356 = tpu.memref_squeeze %dma_wait3A_355 : memref<1x64xi32, #tpu.memory_space<vmem>> -> memref<64xi32, #tpu.memory_space<vmem>>
      %dma_wait3A_357 = arith.constant 0 : i32
      %dma_wait3A_358 = arith.constant 0 : i32
      %dma_wait3A_359 = tpu.memref_slice %arg3[%dma_wait3A_357, %dma_wait3A_358] : memref<1000000x32xf32, #tpu.memory_space<hbm>> -> memref<1000000x32xf32, #tpu.memory_space<hbm>>
      tpu.wait_indirect_dma semaphore(%arg10 : memref<!tpu.dma_semaphore, #tpu.memory_space<semaphore_mem>>) src(%dma_wait3A_359 : memref<1000000x32xf32, #tpu.memory_space<hbm>>) dst(%dma_wait3A_353 : memref<64x32xf32, #tpu.memory_space<vmem>>)
      %dma_wait3A_360 = arith.constant 11 : i32
      %dma_wait3A_361 = arith.constant 704 : i32
      %dma_wait3A_362 = arith.constant 0 : i32
      %dma_wait3A_363 = tpu.memref_slice %arg7[%dma_wait3A_361, %dma_wait3A_362] : memref<1280x32xf32, #tpu.memory_space<vmem>> -> memref<64x32xf32, #tpu.memory_space<vmem>>
      %dma_wait3A_364 = arith.constant 0 : i32
      %dma_wait3A_365 = tpu.memref_slice %arg5[%dma_wait3A_360, %dma_wait3A_364] : memref<20x64xi32, #tpu.memory_space<vmem>> -> memref<1x64xi32, #tpu.memory_space<vmem>>
      %dma_wait3A_366 = tpu.memref_squeeze %dma_wait3A_365 : memref<1x64xi32, #tpu.memory_space<vmem>> -> memref<64xi32, #tpu.memory_space<vmem>>
      %dma_wait3A_367 = arith.constant 0 : i32
      %dma_wait3A_368 = arith.constant 0 : i32
      %dma_wait3A_369 = tpu.memref_slice %arg3[%dma_wait3A_367, %dma_wait3A_368] : memref<1000000x32xf32, #tpu.memory_space<hbm>> -> memref<1000000x32xf32, #tpu.memory_space<hbm>>
      tpu.wait_indirect_dma semaphore(%arg10 : memref<!tpu.dma_semaphore, #tpu.memory_space<semaphore_mem>>) src(%dma_wait3A_369 : memref<1000000x32xf32, #tpu.memory_space<hbm>>) dst(%dma_wait3A_363 : memref<64x32xf32, #tpu.memory_space<vmem>>)
      %dma_wait3A_370 = arith.constant 12 : i32
      %dma_wait3A_371 = arith.constant 768 : i32
      %dma_wait3A_372 = arith.constant 0 : i32
      %dma_wait3A_373 = tpu.memref_slice %arg7[%dma_wait3A_371, %dma_wait3A_372] : memref<1280x32xf32, #tpu.memory_space<vmem>> -> memref<64x32xf32, #tpu.memory_space<vmem>>
      %dma_wait3A_374 = arith.constant 0 : i32
      %dma_wait3A_375 = tpu.memref_slice %arg5[%dma_wait3A_370, %dma_wait3A_374] : memref<20x64xi32, #tpu.memory_space<vmem>> -> memref<1x64xi32, #tpu.memory_space<vmem>>
      %dma_wait3A_376 = tpu.memref_squeeze %dma_wait3A_375 : memref<1x64xi32, #tpu.memory_space<vmem>> -> memref<64xi32, #tpu.memory_space<vmem>>
      %dma_wait3A_377 = arith.constant 0 : i32
      %dma_wait3A_378 = arith.constant 0 : i32
      %dma_wait3A_379 = tpu.memref_slice %arg3[%dma_wait3A_377, %dma_wait3A_378] : memref<1000000x32xf32, #tpu.memory_space<hbm>> -> memref<1000000x32xf32, #tpu.memory_space<hbm>>
      tpu.wait_indirect_dma semaphore(%arg10 : memref<!tpu.dma_semaphore, #tpu.memory_space<semaphore_mem>>) src(%dma_wait3A_379 : memref<1000000x32xf32, #tpu.memory_space<hbm>>) dst(%dma_wait3A_373 : memref<64x32xf32, #tpu.memory_space<vmem>>)
      %dma_wait3A_380 = arith.constant 13 : i32
      %dma_wait3A_381 = arith.constant 832 : i32
      %dma_wait3A_382 = arith.constant 0 : i32
      %dma_wait3A_383 = tpu.memref_slice %arg7[%dma_wait3A_381, %dma_wait3A_382] : memref<1280x32xf32, #tpu.memory_space<vmem>> -> memref<64x32xf32, #tpu.memory_space<vmem>>
      %dma_wait3A_384 = arith.constant 0 : i32
      %dma_wait3A_385 = tpu.memref_slice %arg5[%dma_wait3A_380, %dma_wait3A_384] : memref<20x64xi32, #tpu.memory_space<vmem>> -> memref<1x64xi32, #tpu.memory_space<vmem>>
      %dma_wait3A_386 = tpu.memref_squeeze %dma_wait3A_385 : memref<1x64xi32, #tpu.memory_space<vmem>> -> memref<64xi32, #tpu.memory_space<vmem>>
      %dma_wait3A_387 = arith.constant 0 : i32
      %dma_wait3A_388 = arith.constant 0 : i32
      %dma_wait3A_389 = tpu.memref_slice %arg3[%dma_wait3A_387, %dma_wait3A_388] : memref<1000000x32xf32, #tpu.memory_space<hbm>> -> memref<1000000x32xf32, #tpu.memory_space<hbm>>
      tpu.wait_indirect_dma semaphore(%arg10 : memref<!tpu.dma_semaphore, #tpu.memory_space<semaphore_mem>>) src(%dma_wait3A_389 : memref<1000000x32xf32, #tpu.memory_space<hbm>>) dst(%dma_wait3A_383 : memref<64x32xf32, #tpu.memory_space<vmem>>)
      %dma_wait3A_390 = arith.constant 14 : i32
      %dma_wait3A_391 = arith.constant 896 : i32
      %dma_wait3A_392 = arith.constant 0 : i32
      %dma_wait3A_393 = tpu.memref_slice %arg7[%dma_wait3A_391, %dma_wait3A_392] : memref<1280x32xf32, #tpu.memory_space<vmem>> -> memref<64x32xf32, #tpu.memory_space<vmem>>
      %dma_wait3A_394 = arith.constant 0 : i32
      %dma_wait3A_395 = tpu.memref_slice %arg5[%dma_wait3A_390, %dma_wait3A_394] : memref<20x64xi32, #tpu.memory_space<vmem>> -> memref<1x64xi32, #tpu.memory_space<vmem>>
      %dma_wait3A_396 = tpu.memref_squeeze %dma_wait3A_395 : memref<1x64xi32, #tpu.memory_space<vmem>> -> memref<64xi32, #tpu.memory_space<vmem>>
      %dma_wait3A_397 = arith.constant 0 : i32
      %dma_wait3A_398 = arith.constant 0 : i32
      %dma_wait3A_399 = tpu.memref_slice %arg3[%dma_wait3A_397, %dma_wait3A_398] : memref<1000000x32xf32, #tpu.memory_space<hbm>> -> memref<1000000x32xf32, #tpu.memory_space<hbm>>
      tpu.wait_indirect_dma semaphore(%arg10 : memref<!tpu.dma_semaphore, #tpu.memory_space<semaphore_mem>>) src(%dma_wait3A_399 : memref<1000000x32xf32, #tpu.memory_space<hbm>>) dst(%dma_wait3A_393 : memref<64x32xf32, #tpu.memory_space<vmem>>)
      %dma_wait3A_400 = arith.constant 15 : i32
      %dma_wait3A_401 = arith.constant 960 : i32
      %dma_wait3A_402 = arith.constant 0 : i32
      %dma_wait3A_403 = tpu.memref_slice %arg7[%dma_wait3A_401, %dma_wait3A_402] : memref<1280x32xf32, #tpu.memory_space<vmem>> -> memref<64x32xf32, #tpu.memory_space<vmem>>
      %dma_wait3A_404 = arith.constant 0 : i32
      %dma_wait3A_405 = tpu.memref_slice %arg5[%dma_wait3A_400, %dma_wait3A_404] : memref<20x64xi32, #tpu.memory_space<vmem>> -> memref<1x64xi32, #tpu.memory_space<vmem>>
      %dma_wait3A_406 = tpu.memref_squeeze %dma_wait3A_405 : memref<1x64xi32, #tpu.memory_space<vmem>> -> memref<64xi32, #tpu.memory_space<vmem>>
      %dma_wait3A_407 = arith.constant 0 : i32
      %dma_wait3A_408 = arith.constant 0 : i32
      %dma_wait3A_409 = tpu.memref_slice %arg3[%dma_wait3A_407, %dma_wait3A_408] : memref<1000000x32xf32, #tpu.memory_space<hbm>> -> memref<1000000x32xf32, #tpu.memory_space<hbm>>
      tpu.wait_indirect_dma semaphore(%arg10 : memref<!tpu.dma_semaphore, #tpu.memory_space<semaphore_mem>>) src(%dma_wait3A_409 : memref<1000000x32xf32, #tpu.memory_space<hbm>>) dst(%dma_wait3A_403 : memref<64x32xf32, #tpu.memory_space<vmem>>)
      %dma_wait3A_410 = arith.constant 16 : i32
      %dma_wait3A_411 = arith.constant 1024 : i32
      %dma_wait3A_412 = arith.constant 0 : i32
      %dma_wait3A_413 = tpu.memref_slice %arg7[%dma_wait3A_411, %dma_wait3A_412] : memref<1280x32xf32, #tpu.memory_space<vmem>> -> memref<64x32xf32, #tpu.memory_space<vmem>>
      %dma_wait3A_414 = arith.constant 0 : i32
      %dma_wait3A_415 = tpu.memref_slice %arg5[%dma_wait3A_410, %dma_wait3A_414] : memref<20x64xi32, #tpu.memory_space<vmem>> -> memref<1x64xi32, #tpu.memory_space<vmem>>
      %dma_wait3A_416 = tpu.memref_squeeze %dma_wait3A_415 : memref<1x64xi32, #tpu.memory_space<vmem>> -> memref<64xi32, #tpu.memory_space<vmem>>
      %dma_wait3A_417 = arith.constant 0 : i32
      %dma_wait3A_418 = arith.constant 0 : i32
      %dma_wait3A_419 = tpu.memref_slice %arg3[%dma_wait3A_417, %dma_wait3A_418] : memref<1000000x32xf32, #tpu.memory_space<hbm>> -> memref<1000000x32xf32, #tpu.memory_space<hbm>>
      tpu.wait_indirect_dma semaphore(%arg10 : memref<!tpu.dma_semaphore, #tpu.memory_space<semaphore_mem>>) src(%dma_wait3A_419 : memref<1000000x32xf32, #tpu.memory_space<hbm>>) dst(%dma_wait3A_413 : memref<64x32xf32, #tpu.memory_space<vmem>>)
      %dma_wait3A_420 = arith.constant 17 : i32
      %dma_wait3A_421 = arith.constant 1088 : i32
      %dma_wait3A_422 = arith.constant 0 : i32
      %dma_wait3A_423 = tpu.memref_slice %arg7[%dma_wait3A_421, %dma_wait3A_422] : memref<1280x32xf32, #tpu.memory_space<vmem>> -> memref<64x32xf32, #tpu.memory_space<vmem>>
      %dma_wait3A_424 = arith.constant 0 : i32
      %dma_wait3A_425 = tpu.memref_slice %arg5[%dma_wait3A_420, %dma_wait3A_424] : memref<20x64xi32, #tpu.memory_space<vmem>> -> memref<1x64xi32, #tpu.memory_space<vmem>>
      %dma_wait3A_426 = tpu.memref_squeeze %dma_wait3A_425 : memref<1x64xi32, #tpu.memory_space<vmem>> -> memref<64xi32, #tpu.memory_space<vmem>>
      %dma_wait3A_427 = arith.constant 0 : i32
      %dma_wait3A_428 = arith.constant 0 : i32
      %dma_wait3A_429 = tpu.memref_slice %arg3[%dma_wait3A_427, %dma_wait3A_428] : memref<1000000x32xf32, #tpu.memory_space<hbm>> -> memref<1000000x32xf32, #tpu.memory_space<hbm>>
      tpu.wait_indirect_dma semaphore(%arg10 : memref<!tpu.dma_semaphore, #tpu.memory_space<semaphore_mem>>) src(%dma_wait3A_429 : memref<1000000x32xf32, #tpu.memory_space<hbm>>) dst(%dma_wait3A_423 : memref<64x32xf32, #tpu.memory_space<vmem>>)
      %dma_wait3A_430 = arith.constant 18 : i32
      %dma_wait3A_431 = arith.constant 1152 : i32
      %dma_wait3A_432 = arith.constant 0 : i32
      %dma_wait3A_433 = tpu.memref_slice %arg7[%dma_wait3A_431, %dma_wait3A_432] : memref<1280x32xf32, #tpu.memory_space<vmem>> -> memref<64x32xf32, #tpu.memory_space<vmem>>
      %dma_wait3A_434 = arith.constant 0 : i32
      %dma_wait3A_435 = tpu.memref_slice %arg5[%dma_wait3A_430, %dma_wait3A_434] : memref<20x64xi32, #tpu.memory_space<vmem>> -> memref<1x64xi32, #tpu.memory_space<vmem>>
      %dma_wait3A_436 = tpu.memref_squeeze %dma_wait3A_435 : memref<1x64xi32, #tpu.memory_space<vmem>> -> memref<64xi32, #tpu.memory_space<vmem>>
      %dma_wait3A_437 = arith.constant 0 : i32
      %dma_wait3A_438 = arith.constant 0 : i32
      %dma_wait3A_439 = tpu.memref_slice %arg3[%dma_wait3A_437, %dma_wait3A_438] : memref<1000000x32xf32, #tpu.memory_space<hbm>> -> memref<1000000x32xf32, #tpu.memory_space<hbm>>
      tpu.wait_indirect_dma semaphore(%arg10 : memref<!tpu.dma_semaphore, #tpu.memory_space<semaphore_mem>>) src(%dma_wait3A_439 : memref<1000000x32xf32, #tpu.memory_space<hbm>>) dst(%dma_wait3A_433 : memref<64x32xf32, #tpu.memory_space<vmem>>)
      %dma_wait3A_440 = arith.constant 19 : i32
      %dma_wait3A_441 = arith.constant 1216 : i32
      %dma_wait3A_442 = arith.constant 0 : i32
      %dma_wait3A_443 = tpu.memref_slice %arg7[%dma_wait3A_441, %dma_wait3A_442] : memref<1280x32xf32, #tpu.memory_space<vmem>> -> memref<64x32xf32, #tpu.memory_space<vmem>>
      %dma_wait3A_444 = arith.constant 0 : i32
      %dma_wait3A_445 = tpu.memref_slice %arg5[%dma_wait3A_440, %dma_wait3A_444] : memref<20x64xi32, #tpu.memory_space<vmem>> -> memref<1x64xi32, #tpu.memory_space<vmem>>
      %dma_wait3A_446 = tpu.memref_squeeze %dma_wait3A_445 : memref<1x64xi32, #tpu.memory_space<vmem>> -> memref<64xi32, #tpu.memory_space<vmem>>
      %dma_wait3A_447 = arith.constant 0 : i32
      %dma_wait3A_448 = arith.constant 0 : i32
      %dma_wait3A_449 = tpu.memref_slice %arg3[%dma_wait3A_447, %dma_wait3A_448] : memref<1000000x32xf32, #tpu.memory_space<hbm>> -> memref<1000000x32xf32, #tpu.memory_space<hbm>>
      tpu.wait_indirect_dma semaphore(%arg10 : memref<!tpu.dma_semaphore, #tpu.memory_space<semaphore_mem>>) src(%dma_wait3A_449 : memref<1000000x32xf32, #tpu.memory_space<hbm>>) dst(%dma_wait3A_443 : memref<64x32xf32, #tpu.memory_space<vmem>>)
      %scan3A_450 = arith.constant 0 : i32
      %scan3A_451 = arith.constant 0 : i32
      %scan3A_452 = arith.constant 64 : i32
      %scan3A_453 = arith.addi %scan3A_451, %scan3A_452 : i32
      %scan3A_454 = arith.constant 2 : i32
      scf.for %scan3A_505 = %scan3A_451 to %scan3A_453 step %scan3A_454  : i32 {
        %get3A = arith.index_cast %scan3A_505 : i32 to index
        %get3A_506 = arith.constant 0 : index
        %get3A_507 = tpu.vector_load %arg7[%get3A, %get3A_506] {strides = array<i32>} : memref<1280x32xf32, #tpu.memory_space<vmem>>, vector<16xf32>,
        %get3A_508 = arith.index_cast %scan3A_505 : i32 to index
        %get3A_509 = arith.constant 16 : index
        %get3A_510 = tpu.vector_load %arg7[%get3A_508, %get3A_509] {strides = array<i32>} : memref<1280x32xf32, #tpu.memory_space<vmem>>, vector<16xf32>,
        %add3A_511 = arith.constant 64 : i32
        %add3A_512 = arith.addi %add3A_511, %scan3A_505 : i32
        %get3A_513 = arith.index_cast %add3A_512 : i32 to index
        %get3A_514 = arith.constant 0 : index
        %get3A_515 = tpu.vector_load %arg7[%get3A_513, %get3A_514] {strides = array<i32>} : memref<1280x32xf32, #tpu.memory_space<vmem>>, vector<16xf32>,
        %add3A_516 = arith.addf %get3A_507, %get3A_515 : vector<16xf32>
        %add3A_517 = arith.constant 64 : i32
        %add3A_518 = arith.addi %add3A_517, %scan3A_505 : i32
        %get3A_519 = arith.index_cast %add3A_518 : i32 to index
        %get3A_520 = arith.constant 16 : index
        %get3A_521 = tpu.vector_load %arg7[%get3A_519, %get3A_520] {strides = array<i32>} : memref<1280x32xf32, #tpu.memory_space<vmem>>, vector<16xf32>,
        %add3A_522 = arith.addf %get3A_510, %get3A_521 : vector<16xf32>
        %add3A_523 = arith.constant 128 : i32
        %add3A_524 = arith.addi %add3A_523, %scan3A_505 : i32
        %get3A_525 = arith.index_cast %add3A_524 : i32 to index
        %get3A_526 = arith.constant 0 : index
        %get3A_527 = tpu.vector_load %arg7[%get3A_525, %get3A_526] {strides = array<i32>} : memref<1280x32xf32, #tpu.memory_space<vmem>>, vector<16xf32>,
        %add3A_528 = arith.addf %add3A_516, %get3A_527 : vector<16xf32>
        %add3A_529 = arith.constant 128 : i32
        %add3A_530 = arith.addi %add3A_529, %scan3A_505 : i32
        %get3A_531 = arith.index_cast %add3A_530 : i32 to index
        %get3A_532 = arith.constant 16 : index
        %get3A_533 = tpu.vector_load %arg7[%get3A_531, %get3A_532] {strides = array<i32>} : memref<1280x32xf32, #tpu.memory_space<vmem>>, vector<16xf32>,
        %add3A_534 = arith.addf %add3A_522, %get3A_533 : vector<16xf32>
        %add3A_535 = arith.constant 192 : i32
        %add3A_536 = arith.addi %add3A_535, %scan3A_505 : i32
        %get3A_537 = arith.index_cast %add3A_536 : i32 to index
        %get3A_538 = arith.constant 0 : index
        %get3A_539 = tpu.vector_load %arg7[%get3A_537, %get3A_538] {strides = array<i32>} : memref<1280x32xf32, #tpu.memory_space<vmem>>, vector<16xf32>,
        %add3A_540 = arith.addf %add3A_528, %get3A_539 : vector<16xf32>
        %add3A_541 = arith.constant 192 : i32
        %add3A_542 = arith.addi %add3A_541, %scan3A_505 : i32
        %get3A_543 = arith.index_cast %add3A_542 : i32 to index
        %get3A_544 = arith.constant 16 : index
        %get3A_545 = tpu.vector_load %arg7[%get3A_543, %get3A_544] {strides = array<i32>} : memref<1280x32xf32, #tpu.memory_space<vmem>>, vector<16xf32>,
        %add3A_546 = arith.addf %add3A_534, %get3A_545 : vector<16xf32>
        %add3A_547 = arith.constant 256 : i32
        %add3A_548 = arith.addi %add3A_547, %scan3A_505 : i32
        %get3A_549 = arith.index_cast %add3A_548 : i32 to index
        %get3A_550 = arith.constant 0 : index
        %get3A_551 = tpu.vector_load %arg7[%get3A_549, %get3A_550] {strides = array<i32>} : memref<1280x32xf32, #tpu.memory_space<vmem>>, vector<16xf32>,
        %add3A_552 = arith.addf %add3A_540, %get3A_551 : vector<16xf32>
        %add3A_553 = arith.constant 256 : i32
        %add3A_554 = arith.addi %add3A_553, %scan3A_505 : i32
        %get3A_555 = arith.index_cast %add3A_554 : i32 to index
        %get3A_556 = arith.constant 16 : index
        %get3A_557 = tpu.vector_load %arg7[%get3A_555, %get3A_556] {strides = array<i32>} : memref<1280x32xf32, #tpu.memory_space<vmem>>, vector<16xf32>,
        %add3A_558 = arith.addf %add3A_546, %get3A_557 : vector<16xf32>
        %add3A_559 = arith.constant 320 : i32
        %add3A_560 = arith.addi %add3A_559, %scan3A_505 : i32
        %get3A_561 = arith.index_cast %add3A_560 : i32 to index
        %get3A_562 = arith.constant 0 : index
        %get3A_563 = tpu.vector_load %arg7[%get3A_561, %get3A_562] {strides = array<i32>} : memref<1280x32xf32, #tpu.memory_space<vmem>>, vector<16xf32>,
        %add3A_564 = arith.addf %add3A_552, %get3A_563 : vector<16xf32>
        %add3A_565 = arith.constant 320 : i32
        %add3A_566 = arith.addi %add3A_565, %scan3A_505 : i32
        %get3A_567 = arith.index_cast %add3A_566 : i32 to index
        %get3A_568 = arith.constant 16 : index
        %get3A_569 = tpu.vector_load %arg7[%get3A_567, %get3A_568] {strides = array<i32>} : memref<1280x32xf32, #tpu.memory_space<vmem>>, vector<16xf32>,
        %add3A_570 = arith.addf %add3A_558, %get3A_569 : vector<16xf32>
        %add3A_571 = arith.constant 384 : i32
        %add3A_572 = arith.addi %add3A_571, %scan3A_505 : i32
        %get3A_573 = arith.index_cast %add3A_572 : i32 to index
        %get3A_574 = arith.constant 0 : index
        %get3A_575 = tpu.vector_load %arg7[%get3A_573, %get3A_574] {strides = array<i32>} : memref<1280x32xf32, #tpu.memory_space<vmem>>, vector<16xf32>,
        %add3A_576 = arith.addf %add3A_564, %get3A_575 : vector<16xf32>
        %add3A_577 = arith.constant 384 : i32
        %add3A_578 = arith.addi %add3A_577, %scan3A_505 : i32
        %get3A_579 = arith.index_cast %add3A_578 : i32 to index
        %get3A_580 = arith.constant 16 : index
        %get3A_581 = tpu.vector_load %arg7[%get3A_579, %get3A_580] {strides = array<i32>} : memref<1280x32xf32, #tpu.memory_space<vmem>>, vector<16xf32>,
        %add3A_582 = arith.addf %add3A_570, %get3A_581 : vector<16xf32>
        %add3A_583 = arith.constant 448 : i32
        %add3A_584 = arith.addi %add3A_583, %scan3A_505 : i32
        %get3A_585 = arith.index_cast %add3A_584 : i32 to index
        %get3A_586 = arith.constant 0 : index
        %get3A_587 = tpu.vector_load %arg7[%get3A_585, %get3A_586] {strides = array<i32>} : memref<1280x32xf32, #tpu.memory_space<vmem>>, vector<16xf32>,
        %add3A_588 = arith.addf %add3A_576, %get3A_587 : vector<16xf32>
        %add3A_589 = arith.constant 448 : i32
        %add3A_590 = arith.addi %add3A_589, %scan3A_505 : i32
        %get3A_591 = arith.index_cast %add3A_590 : i32 to index
        %get3A_592 = arith.constant 16 : index
        %get3A_593 = tpu.vector_load %arg7[%get3A_591, %get3A_592] {strides = array<i32>} : memref<1280x32xf32, #tpu.memory_space<vmem>>, vector<16xf32>,
        %add3A_594 = arith.addf %add3A_582, %get3A_593 : vector<16xf32>
        %add3A_595 = arith.constant 512 : i32
        %add3A_596 = arith.addi %add3A_595, %scan3A_505 : i32
        %get3A_597 = arith.index_cast %add3A_596 : i32 to index
        %get3A_598 = arith.constant 0 : index
        %get3A_599 = tpu.vector_load %arg7[%get3A_597, %get3A_598] {strides = array<i32>} : memref<1280x32xf32, #tpu.memory_space<vmem>>, vector<16xf32>,
        %add3A_600 = arith.addf %add3A_588, %get3A_599 : vector<16xf32>
        %add3A_601 = arith.constant 512 : i32
        %add3A_602 = arith.addi %add3A_601, %scan3A_505 : i32
        %get3A_603 = arith.index_cast %add3A_602 : i32 to index
        %get3A_604 = arith.constant 16 : index
        %get3A_605 = tpu.vector_load %arg7[%get3A_603, %get3A_604] {strides = array<i32>} : memref<1280x32xf32, #tpu.memory_space<vmem>>, vector<16xf32>,
        %add3A_606 = arith.addf %add3A_594, %get3A_605 : vector<16xf32>
        %add3A_607 = arith.constant 576 : i32
        %add3A_608 = arith.addi %add3A_607, %scan3A_505 : i32
        %get3A_609 = arith.index_cast %add3A_608 : i32 to index
        %get3A_610 = arith.constant 0 : index
        %get3A_611 = tpu.vector_load %arg7[%get3A_609, %get3A_610] {strides = array<i32>} : memref<1280x32xf32, #tpu.memory_space<vmem>>, vector<16xf32>,
        %add3A_612 = arith.addf %add3A_600, %get3A_611 : vector<16xf32>
        %add3A_613 = arith.constant 576 : i32
        %add3A_614 = arith.addi %add3A_613, %scan3A_505 : i32
        %get3A_615 = arith.index_cast %add3A_614 : i32 to index
        %get3A_616 = arith.constant 16 : index
        %get3A_617 = tpu.vector_load %arg7[%get3A_615, %get3A_616] {strides = array<i32>} : memref<1280x32xf32, #tpu.memory_space<vmem>>, vector<16xf32>,
        %add3A_618 = arith.addf %add3A_606, %get3A_617 : vector<16xf32>
        %add3A_619 = arith.constant 640 : i32
        %add3A_620 = arith.addi %add3A_619, %scan3A_505 : i32
        %get3A_621 = arith.index_cast %add3A_620 : i32 to index
        %get3A_622 = arith.constant 0 : index
        %get3A_623 = tpu.vector_load %arg7[%get3A_621, %get3A_622] {strides = array<i32>} : memref<1280x32xf32, #tpu.memory_space<vmem>>, vector<16xf32>,
        %add3A_624 = arith.addf %add3A_612, %get3A_623 : vector<16xf32>
        %add3A_625 = arith.constant 640 : i32
        %add3A_626 = arith.addi %add3A_625, %scan3A_505 : i32
        %get3A_627 = arith.index_cast %add3A_626 : i32 to index
        %get3A_628 = arith.constant 16 : index
        %get3A_629 = tpu.vector_load %arg7[%get3A_627, %get3A_628] {strides = array<i32>} : memref<1280x32xf32, #tpu.memory_space<vmem>>, vector<16xf32>,
        %add3A_630 = arith.addf %add3A_618, %get3A_629 : vector<16xf32>
        %add3A_631 = arith.constant 704 : i32
        %add3A_632 = arith.addi %add3A_631, %scan3A_505 : i32
        %get3A_633 = arith.index_cast %add3A_632 : i32 to index
        %get3A_634 = arith.constant 0 : index
        %get3A_635 = tpu.vector_load %arg7[%get3A_633, %get3A_634] {strides = array<i32>} : memref<1280x32xf32, #tpu.memory_space<vmem>>, vector<16xf32>,
        %add3A_636 = arith.addf %add3A_624, %get3A_635 : vector<16xf32>
        %add3A_637 = arith.constant 704 : i32
        %add3A_638 = arith.addi %add3A_637, %scan3A_505 : i32
        %get3A_639 = arith.index_cast %add3A_638 : i32 to index
        %get3A_640 = arith.constant 16 : index
        %get3A_641 = tpu.vector_load %arg7[%get3A_639, %get3A_640] {strides = array<i32>} : memref<1280x32xf32, #tpu.memory_space<vmem>>, vector<16xf32>,
        %add3A_642 = arith.addf %add3A_630, %get3A_641 : vector<16xf32>
        %add3A_643 = arith.constant 768 : i32
        %add3A_644 = arith.addi %add3A_643, %scan3A_505 : i32
        %get3A_645 = arith.index_cast %add3A_644 : i32 to index
        %get3A_646 = arith.constant 0 : index
        %get3A_647 = tpu.vector_load %arg7[%get3A_645, %get3A_646] {strides = array<i32>} : memref<1280x32xf32, #tpu.memory_space<vmem>>, vector<16xf32>,
        %add3A_648 = arith.addf %add3A_636, %get3A_647 : vector<16xf32>
        %add3A_649 = arith.constant 768 : i32
        %add3A_650 = arith.addi %add3A_649, %scan3A_505 : i32
        %get3A_651 = arith.index_cast %add3A_650 : i32 to index
        %get3A_652 = arith.constant 16 : index
        %get3A_653 = tpu.vector_load %arg7[%get3A_651, %get3A_652] {strides = array<i32>} : memref<1280x32xf32, #tpu.memory_space<vmem>>, vector<16xf32>,
        %add3A_654 = arith.addf %add3A_642, %get3A_653 : vector<16xf32>
        %add3A_655 = arith.constant 832 : i32
        %add3A_656 = arith.addi %add3A_655, %scan3A_505 : i32
        %get3A_657 = arith.index_cast %add3A_656 : i32 to index
        %get3A_658 = arith.constant 0 : index
        %get3A_659 = tpu.vector_load %arg7[%get3A_657, %get3A_658] {strides = array<i32>} : memref<1280x32xf32, #tpu.memory_space<vmem>>, vector<16xf32>,
        %add3A_660 = arith.addf %add3A_648, %get3A_659 : vector<16xf32>
        %add3A_661 = arith.constant 832 : i32
        %add3A_662 = arith.addi %add3A_661, %scan3A_505 : i32
        %get3A_663 = arith.index_cast %add3A_662 : i32 to index
        %get3A_664 = arith.constant 16 : index
        %get3A_665 = tpu.vector_load %arg7[%get3A_663, %get3A_664] {strides = array<i32>} : memref<1280x32xf32, #tpu.memory_space<vmem>>, vector<16xf32>,
        %add3A_666 = arith.addf %add3A_654, %get3A_665 : vector<16xf32>
        %add3A_667 = arith.constant 896 : i32
        %add3A_668 = arith.addi %add3A_667, %scan3A_505 : i32
        %get3A_669 = arith.index_cast %add3A_668 : i32 to index
        %get3A_670 = arith.constant 0 : index
        %get3A_671 = tpu.vector_load %arg7[%get3A_669, %get3A_670] {strides = array<i32>} : memref<1280x32xf32, #tpu.memory_space<vmem>>, vector<16xf32>,
        %add3A_672 = arith.addf %add3A_660, %get3A_671 : vector<16xf32>
        %add3A_673 = arith.constant 896 : i32
        %add3A_674 = arith.addi %add3A_673, %scan3A_505 : i32
        %get3A_675 = arith.index_cast %add3A_674 : i32 to index
        %get3A_676 = arith.constant 16 : index
        %get3A_677 = tpu.vector_load %arg7[%get3A_675, %get3A_676] {strides = array<i32>} : memref<1280x32xf32, #tpu.memory_space<vmem>>, vector<16xf32>,
        %add3A_678 = arith.addf %add3A_666, %get3A_677 : vector<16xf32>
        %add3A_679 = arith.constant 960 : i32
        %add3A_680 = arith.addi %add3A_679, %scan3A_505 : i32
        %get3A_681 = arith.index_cast %add3A_680 : i32 to index
        %get3A_682 = arith.constant 0 : index
        %get3A_683 = tpu.vector_load %arg7[%get3A_681, %get3A_682] {strides = array<i32>} : memref<1280x32xf32, #tpu.memory_space<vmem>>, vector<16xf32>,
        %add3A_684 = arith.addf %add3A_672, %get3A_683 : vector<16xf32>
        %add3A_685 = arith.constant 960 : i32
        %add3A_686 = arith.addi %add3A_685, %scan3A_505 : i32
        %get3A_687 = arith.index_cast %add3A_686 : i32 to index
        %get3A_688 = arith.constant 16 : index
        %get3A_689 = tpu.vector_load %arg7[%get3A_687, %get3A_688] {strides = array<i32>} : memref<1280x32xf32, #tpu.memory_space<vmem>>, vector<16xf32>,
        %add3A_690 = arith.addf %add3A_678, %get3A_689 : vector<16xf32>
        %add3A_691 = arith.constant 1024 : i32
        %add3A_692 = arith.addi %add3A_691, %scan3A_505 : i32
        %get3A_693 = arith.index_cast %add3A_692 : i32 to index
        %get3A_694 = arith.constant 0 : index
        %get3A_695 = tpu.vector_load %arg7[%get3A_693, %get3A_694] {strides = array<i32>} : memref<1280x32xf32, #tpu.memory_space<vmem>>, vector<16xf32>,
        %add3A_696 = arith.addf %add3A_684, %get3A_695 : vector<16xf32>
        %add3A_697 = arith.constant 1024 : i32
        %add3A_698 = arith.addi %add3A_697, %scan3A_505 : i32
        %get3A_699 = arith.index_cast %add3A_698 : i32 to index
        %get3A_700 = arith.constant 16 : index
        %get3A_701 = tpu.vector_load %arg7[%get3A_699, %get3A_700] {strides = array<i32>} : memref<1280x32xf32, #tpu.memory_space<vmem>>, vector<16xf32>,
        %add3A_702 = arith.addf %add3A_690, %get3A_701 : vector<16xf32>
        %add3A_703 = arith.constant 1088 : i32
        %add3A_704 = arith.addi %add3A_703, %scan3A_505 : i32
        %get3A_705 = arith.index_cast %add3A_704 : i32 to index
        %get3A_706 = arith.constant 0 : index
        %get3A_707 = tpu.vector_load %arg7[%get3A_705, %get3A_706] {strides = array<i32>} : memref<1280x32xf32, #tpu.memory_space<vmem>>, vector<16xf32>,
        %add3A_708 = arith.addf %add3A_696, %get3A_707 : vector<16xf32>
        %add3A_709 = arith.constant 1088 : i32
        %add3A_710 = arith.addi %add3A_709, %scan3A_505 : i32
        %get3A_711 = arith.index_cast %add3A_710 : i32 to index
        %get3A_712 = arith.constant 16 : index
        %get3A_713 = tpu.vector_load %arg7[%get3A_711, %get3A_712] {strides = array<i32>} : memref<1280x32xf32, #tpu.memory_space<vmem>>, vector<16xf32>,
        %add3A_714 = arith.addf %add3A_702, %get3A_713 : vector<16xf32>
        %add3A_715 = arith.constant 1152 : i32
        %add3A_716 = arith.addi %add3A_715, %scan3A_505 : i32
        %get3A_717 = arith.index_cast %add3A_716 : i32 to index
        %get3A_718 = arith.constant 0 : index
        %get3A_719 = tpu.vector_load %arg7[%get3A_717, %get3A_718] {strides = array<i32>} : memref<1280x32xf32, #tpu.memory_space<vmem>>, vector<16xf32>,
        %add3A_720 = arith.addf %add3A_708, %get3A_719 : vector<16xf32>
        %add3A_721 = arith.constant 1152 : i32
        %add3A_722 = arith.addi %add3A_721, %scan3A_505 : i32
        %get3A_723 = arith.index_cast %add3A_722 : i32 to index
        %get3A_724 = arith.constant 16 : index
        %get3A_725 = tpu.vector_load %arg7[%get3A_723, %get3A_724] {strides = array<i32>} : memref<1280x32xf32, #tpu.memory_space<vmem>>, vector<16xf32>,
        %add3A_726 = arith.addf %add3A_714, %get3A_725 : vector<16xf32>
        %add3A_727 = arith.constant 1216 : i32
        %add3A_728 = arith.addi %add3A_727, %scan3A_505 : i32
        %get3A_729 = arith.index_cast %add3A_728 : i32 to index
        %get3A_730 = arith.constant 0 : index
        %get3A_731 = tpu.vector_load %arg7[%get3A_729, %get3A_730] {strides = array<i32>} : memref<1280x32xf32, #tpu.memory_space<vmem>>, vector<16xf32>,
        %add3A_732 = arith.addf %add3A_720, %get3A_731 : vector<16xf32>
        %add3A_733 = arith.constant 1216 : i32
        %add3A_734 = arith.addi %add3A_733, %scan3A_505 : i32
        %get3A_735 = arith.index_cast %add3A_734 : i32 to index
        %get3A_736 = arith.constant 16 : index
        %get3A_737 = tpu.vector_load %arg7[%get3A_735, %get3A_736] {strides = array<i32>} : memref<1280x32xf32, #tpu.memory_space<vmem>>, vector<16xf32>,
        %add3A_738 = arith.addf %add3A_726, %get3A_737 : vector<16xf32>
        %iota3A = tpu.iota {dimensions = array<i32: 0>} : vector<16xi32>
        %broadcast_in_dim3A = arith.constant 0 : i32
        %broadcast_in_dim3A_739 = vector.broadcast %broadcast_in_dim3A : i32 to vector<16xi32>
        %add3A_740 = vector.broadcast %scan3A_505 : i32 to vector<16xi32>
        %add3A_741 = arith.addi %broadcast_in_dim3A_739, %add3A_740 : vector<16xi32>
        tpu.vector_store_idx %arg9[%iota3A, %add3A_741], %add3A_732 : memref<32x65xf32, #tpu.memory_space<vmem>>[vector<16xi32>, vector<16xi32>], vector<16xf32>,
        %add3A_742 = arith.constant 16 : i32
        %add3A_743 = vector.broadcast %add3A_742 : i32 to vector<16xi32>
        %add3A_744 = arith.addi %iota3A, %add3A_743 : vector<16xi32>
        tpu.vector_store_idx %arg9[%add3A_744, %add3A_741], %add3A_738 : memref<32x65xf32, #tpu.memory_space<vmem>>[vector<16xi32>, vector<16xi32>], vector<16xf32>,
        %scan3A_745 = arith.constant 1 : i32
        %scan3A_746 = arith.addi %scan3A_505, %scan3A_745 : i32
        %get3A_747 = arith.index_cast %scan3A_746 : i32 to index
        %get3A_748 = arith.constant 0 : index
        %get3A_749 = tpu.vector_load %arg7[%get3A_747, %get3A_748] {strides = array<i32>} : memref<1280x32xf32, #tpu.memory_space<vmem>>, vector<16xf32>,
        %get3A_750 = arith.index_cast %scan3A_746 : i32 to index
        %get3A_751 = arith.constant 16 : index
        %get3A_752 = tpu.vector_load %arg7[%get3A_750, %get3A_751] {strides = array<i32>} : memref<1280x32xf32, #tpu.memory_space<vmem>>, vector<16xf32>,
        %add3A_753 = arith.constant 64 : i32
        %add3A_754 = arith.addi %add3A_753, %scan3A_746 : i32
        %get3A_755 = arith.index_cast %add3A_754 : i32 to index
        %get3A_756 = arith.constant 0 : index
        %get3A_757 = tpu.vector_load %arg7[%get3A_755, %get3A_756] {strides = array<i32>} : memref<1280x32xf32, #tpu.memory_space<vmem>>, vector<16xf32>,
        %add3A_758 = arith.addf %get3A_749, %get3A_757 : vector<16xf32>
        %add3A_759 = arith.constant 64 : i32
        %add3A_760 = arith.addi %add3A_759, %scan3A_746 : i32
        %get3A_761 = arith.index_cast %add3A_760 : i32 to index
        %get3A_762 = arith.constant 16 : index
        %get3A_763 = tpu.vector_load %arg7[%get3A_761, %get3A_762] {strides = array<i32>} : memref<1280x32xf32, #tpu.memory_space<vmem>>, vector<16xf32>,
        %add3A_764 = arith.addf %get3A_752, %get3A_763 : vector<16xf32>
        %add3A_765 = arith.constant 128 : i32
        %add3A_766 = arith.addi %add3A_765, %scan3A_746 : i32
        %get3A_767 = arith.index_cast %add3A_766 : i32 to index
        %get3A_768 = arith.constant 0 : index
        %get3A_769 = tpu.vector_load %arg7[%get3A_767, %get3A_768] {strides = array<i32>} : memref<1280x32xf32, #tpu.memory_space<vmem>>, vector<16xf32>,
        %add3A_770 = arith.addf %add3A_758, %get3A_769 : vector<16xf32>
        %add3A_771 = arith.constant 128 : i32
        %add3A_772 = arith.addi %add3A_771, %scan3A_746 : i32
        %get3A_773 = arith.index_cast %add3A_772 : i32 to index
        %get3A_774 = arith.constant 16 : index
        %get3A_775 = tpu.vector_load %arg7[%get3A_773, %get3A_774] {strides = array<i32>} : memref<1280x32xf32, #tpu.memory_space<vmem>>, vector<16xf32>,
        %add3A_776 = arith.addf %add3A_764, %get3A_775 : vector<16xf32>
        %add3A_777 = arith.constant 192 : i32
        %add3A_778 = arith.addi %add3A_777, %scan3A_746 : i32
        %get3A_779 = arith.index_cast %add3A_778 : i32 to index
        %get3A_780 = arith.constant 0 : index
        %get3A_781 = tpu.vector_load %arg7[%get3A_779, %get3A_780] {strides = array<i32>} : memref<1280x32xf32, #tpu.memory_space<vmem>>, vector<16xf32>,
        %add3A_782 = arith.addf %add3A_770, %get3A_781 : vector<16xf32>
        %add3A_783 = arith.constant 192 : i32
        %add3A_784 = arith.addi %add3A_783, %scan3A_746 : i32
        %get3A_785 = arith.index_cast %add3A_784 : i32 to index
        %get3A_786 = arith.constant 16 : index
        %get3A_787 = tpu.vector_load %arg7[%get3A_785, %get3A_786] {strides = array<i32>} : memref<1280x32xf32, #tpu.memory_space<vmem>>, vector<16xf32>,
        %add3A_788 = arith.addf %add3A_776, %get3A_787 : vector<16xf32>
        %add3A_789 = arith.constant 256 : i32
        %add3A_790 = arith.addi %add3A_789, %scan3A_746 : i32
        %get3A_791 = arith.index_cast %add3A_790 : i32 to index
        %get3A_792 = arith.constant 0 : index
        %get3A_793 = tpu.vector_load %arg7[%get3A_791, %get3A_792] {strides = array<i32>} : memref<1280x32xf32, #tpu.memory_space<vmem>>, vector<16xf32>,
        %add3A_794 = arith.addf %add3A_782, %get3A_793 : vector<16xf32>
        %add3A_795 = arith.constant 256 : i32
        %add3A_796 = arith.addi %add3A_795, %scan3A_746 : i32
        %get3A_797 = arith.index_cast %add3A_796 : i32 to index
        %get3A_798 = arith.constant 16 : index
        %get3A_799 = tpu.vector_load %arg7[%get3A_797, %get3A_798] {strides = array<i32>} : memref<1280x32xf32, #tpu.memory_space<vmem>>, vector<16xf32>,
        %add3A_800 = arith.addf %add3A_788, %get3A_799 : vector<16xf32>
        %add3A_801 = arith.constant 320 : i32
        %add3A_802 = arith.addi %add3A_801, %scan3A_746 : i32
        %get3A_803 = arith.index_cast %add3A_802 : i32 to index
        %get3A_804 = arith.constant 0 : index
        %get3A_805 = tpu.vector_load %arg7[%get3A_803, %get3A_804] {strides = array<i32>} : memref<1280x32xf32, #tpu.memory_space<vmem>>, vector<16xf32>,
        %add3A_806 = arith.addf %add3A_794, %get3A_805 : vector<16xf32>
        %add3A_807 = arith.constant 320 : i32
        %add3A_808 = arith.addi %add3A_807, %scan3A_746 : i32
        %get3A_809 = arith.index_cast %add3A_808 : i32 to index
        %get3A_810 = arith.constant 16 : index
        %get3A_811 = tpu.vector_load %arg7[%get3A_809, %get3A_810] {strides = array<i32>} : memref<1280x32xf32, #tpu.memory_space<vmem>>, vector<16xf32>,
        %add3A_812 = arith.addf %add3A_800, %get3A_811 : vector<16xf32>
        %add3A_813 = arith.constant 384 : i32
        %add3A_814 = arith.addi %add3A_813, %scan3A_746 : i32
        %get3A_815 = arith.index_cast %add3A_814 : i32 to index
        %get3A_816 = arith.constant 0 : index
        %get3A_817 = tpu.vector_load %arg7[%get3A_815, %get3A_816] {strides = array<i32>} : memref<1280x32xf32, #tpu.memory_space<vmem>>, vector<16xf32>,
        %add3A_818 = arith.addf %add3A_806, %get3A_817 : vector<16xf32>
        %add3A_819 = arith.constant 384 : i32
        %add3A_820 = arith.addi %add3A_819, %scan3A_746 : i32
        %get3A_821 = arith.index_cast %add3A_820 : i32 to index
        %get3A_822 = arith.constant 16 : index
        %get3A_823 = tpu.vector_load %arg7[%get3A_821, %get3A_822] {strides = array<i32>} : memref<1280x32xf32, #tpu.memory_space<vmem>>, vector<16xf32>,
        %add3A_824 = arith.addf %add3A_812, %get3A_823 : vector<16xf32>
        %add3A_825 = arith.constant 448 : i32
        %add3A_826 = arith.addi %add3A_825, %scan3A_746 : i32
        %get3A_827 = arith.index_cast %add3A_826 : i32 to index
        %get3A_828 = arith.constant 0 : index
        %get3A_829 = tpu.vector_load %arg7[%get3A_827, %get3A_828] {strides = array<i32>} : memref<1280x32xf32, #tpu.memory_space<vmem>>, vector<16xf32>,
        %add3A_830 = arith.addf %add3A_818, %get3A_829 : vector<16xf32>
        %add3A_831 = arith.constant 448 : i32
        %add3A_832 = arith.addi %add3A_831, %scan3A_746 : i32
        %get3A_833 = arith.index_cast %add3A_832 : i32 to index
        %get3A_834 = arith.constant 16 : index
        %get3A_835 = tpu.vector_load %arg7[%get3A_833, %get3A_834] {strides = array<i32>} : memref<1280x32xf32, #tpu.memory_space<vmem>>, vector<16xf32>,
        %add3A_836 = arith.addf %add3A_824, %get3A_835 : vector<16xf32>
        %add3A_837 = arith.constant 512 : i32
        %add3A_838 = arith.addi %add3A_837, %scan3A_746 : i32
        %get3A_839 = arith.index_cast %add3A_838 : i32 to index
        %get3A_840 = arith.constant 0 : index
        %get3A_841 = tpu.vector_load %arg7[%get3A_839, %get3A_840] {strides = array<i32>} : memref<1280x32xf32, #tpu.memory_space<vmem>>, vector<16xf32>,
        %add3A_842 = arith.addf %add3A_830, %get3A_841 : vector<16xf32>
        %add3A_843 = arith.constant 512 : i32
        %add3A_844 = arith.addi %add3A_843, %scan3A_746 : i32
        %get3A_845 = arith.index_cast %add3A_844 : i32 to index
        %get3A_846 = arith.constant 16 : index
        %get3A_847 = tpu.vector_load %arg7[%get3A_845, %get3A_846] {strides = array<i32>} : memref<1280x32xf32, #tpu.memory_space<vmem>>, vector<16xf32>,
        %add3A_848 = arith.addf %add3A_836, %get3A_847 : vector<16xf32>
        %add3A_849 = arith.constant 576 : i32
        %add3A_850 = arith.addi %add3A_849, %scan3A_746 : i32
        %get3A_851 = arith.index_cast %add3A_850 : i32 to index
        %get3A_852 = arith.constant 0 : index
        %get3A_853 = tpu.vector_load %arg7[%get3A_851, %get3A_852] {strides = array<i32>} : memref<1280x32xf32, #tpu.memory_space<vmem>>, vector<16xf32>,
        %add3A_854 = arith.addf %add3A_842, %get3A_853 : vector<16xf32>
        %add3A_855 = arith.constant 576 : i32
        %add3A_856 = arith.addi %add3A_855, %scan3A_746 : i32
        %get3A_857 = arith.index_cast %add3A_856 : i32 to index
        %get3A_858 = arith.constant 16 : index
        %get3A_859 = tpu.vector_load %arg7[%get3A_857, %get3A_858] {strides = array<i32>} : memref<1280x32xf32, #tpu.memory_space<vmem>>, vector<16xf32>,
        %add3A_860 = arith.addf %add3A_848, %get3A_859 : vector<16xf32>
        %add3A_861 = arith.constant 640 : i32
        %add3A_862 = arith.addi %add3A_861, %scan3A_746 : i32
        %get3A_863 = arith.index_cast %add3A_862 : i32 to index
        %get3A_864 = arith.constant 0 : index
        %get3A_865 = tpu.vector_load %arg7[%get3A_863, %get3A_864] {strides = array<i32>} : memref<1280x32xf32, #tpu.memory_space<vmem>>, vector<16xf32>,
        %add3A_866 = arith.addf %add3A_854, %get3A_865 : vector<16xf32>
        %add3A_867 = arith.constant 640 : i32
        %add3A_868 = arith.addi %add3A_867, %scan3A_746 : i32
        %get3A_869 = arith.index_cast %add3A_868 : i32 to index
        %get3A_870 = arith.constant 16 : index
        %get3A_871 = tpu.vector_load %arg7[%get3A_869, %get3A_870] {strides = array<i32>} : memref<1280x32xf32, #tpu.memory_space<vmem>>, vector<16xf32>,
        %add3A_872 = arith.addf %add3A_860, %get3A_871 : vector<16xf32>
        %add3A_873 = arith.constant 704 : i32
        %add3A_874 = arith.addi %add3A_873, %scan3A_746 : i32
        %get3A_875 = arith.index_cast %add3A_874 : i32 to index
        %get3A_876 = arith.constant 0 : index
        %get3A_877 = tpu.vector_load %arg7[%get3A_875, %get3A_876] {strides = array<i32>} : memref<1280x32xf32, #tpu.memory_space<vmem>>, vector<16xf32>,
        %add3A_878 = arith.addf %add3A_866, %get3A_877 : vector<16xf32>
        %add3A_879 = arith.constant 704 : i32
        %add3A_880 = arith.addi %add3A_879, %scan3A_746 : i32
        %get3A_881 = arith.index_cast %add3A_880 : i32 to index
        %get3A_882 = arith.constant 16 : index
        %get3A_883 = tpu.vector_load %arg7[%get3A_881, %get3A_882] {strides = array<i32>} : memref<1280x32xf32, #tpu.memory_space<vmem>>, vector<16xf32>,
        %add3A_884 = arith.addf %add3A_872, %get3A_883 : vector<16xf32>
        %add3A_885 = arith.constant 768 : i32
        %add3A_886 = arith.addi %add3A_885, %scan3A_746 : i32
        %get3A_887 = arith.index_cast %add3A_886 : i32 to index
        %get3A_888 = arith.constant 0 : index
        %get3A_889 = tpu.vector_load %arg7[%get3A_887, %get3A_888] {strides = array<i32>} : memref<1280x32xf32, #tpu.memory_space<vmem>>, vector<16xf32>,
        %add3A_890 = arith.addf %add3A_878, %get3A_889 : vector<16xf32>
        %add3A_891 = arith.constant 768 : i32
        %add3A_892 = arith.addi %add3A_891, %scan3A_746 : i32
        %get3A_893 = arith.index_cast %add3A_892 : i32 to index
        %get3A_894 = arith.constant 16 : index
        %get3A_895 = tpu.vector_load %arg7[%get3A_893, %get3A_894] {strides = array<i32>} : memref<1280x32xf32, #tpu.memory_space<vmem>>, vector<16xf32>,
        %add3A_896 = arith.addf %add3A_884, %get3A_895 : vector<16xf32>
        %add3A_897 = arith.constant 832 : i32
        %add3A_898 = arith.addi %add3A_897, %scan3A_746 : i32
        %get3A_899 = arith.index_cast %add3A_898 : i32 to index
        %get3A_900 = arith.constant 0 : index
        %get3A_901 = tpu.vector_load %arg7[%get3A_899, %get3A_900] {strides = array<i32>} : memref<1280x32xf32, #tpu.memory_space<vmem>>, vector<16xf32>,
        %add3A_902 = arith.addf %add3A_890, %get3A_901 : vector<16xf32>
        %add3A_903 = arith.constant 832 : i32
        %add3A_904 = arith.addi %add3A_903, %scan3A_746 : i32
        %get3A_905 = arith.index_cast %add3A_904 : i32 to index
        %get3A_906 = arith.constant 16 : index
        %get3A_907 = tpu.vector_load %arg7[%get3A_905, %get3A_906] {strides = array<i32>} : memref<1280x32xf32, #tpu.memory_space<vmem>>, vector<16xf32>,
        %add3A_908 = arith.addf %add3A_896, %get3A_907 : vector<16xf32>
        %add3A_909 = arith.constant 896 : i32
        %add3A_910 = arith.addi %add3A_909, %scan3A_746 : i32
        %get3A_911 = arith.index_cast %add3A_910 : i32 to index
        %get3A_912 = arith.constant 0 : index
        %get3A_913 = tpu.vector_load %arg7[%get3A_911, %get3A_912] {strides = array<i32>} : memref<1280x32xf32, #tpu.memory_space<vmem>>, vector<16xf32>,
        %add3A_914 = arith.addf %add3A_902, %get3A_913 : vector<16xf32>
        %add3A_915 = arith.constant 896 : i32
        %add3A_916 = arith.addi %add3A_915, %scan3A_746 : i32
        %get3A_917 = arith.index_cast %add3A_916 : i32 to index
        %get3A_918 = arith.constant 16 : index
        %get3A_919 = tpu.vector_load %arg7[%get3A_917, %get3A_918] {strides = array<i32>} : memref<1280x32xf32, #tpu.memory_space<vmem>>, vector<16xf32>,
        %add3A_920 = arith.addf %add3A_908, %get3A_919 : vector<16xf32>
        %add3A_921 = arith.constant 960 : i32
        %add3A_922 = arith.addi %add3A_921, %scan3A_746 : i32
        %get3A_923 = arith.index_cast %add3A_922 : i32 to index
        %get3A_924 = arith.constant 0 : index
        %get3A_925 = tpu.vector_load %arg7[%get3A_923, %get3A_924] {strides = array<i32>} : memref<1280x32xf32, #tpu.memory_space<vmem>>, vector<16xf32>,
        %add3A_926 = arith.addf %add3A_914, %get3A_925 : vector<16xf32>
        %add3A_927 = arith.constant 960 : i32
        %add3A_928 = arith.addi %add3A_927, %scan3A_746 : i32
        %get3A_929 = arith.index_cast %add3A_928 : i32 to index
        %get3A_930 = arith.constant 16 : index
        %get3A_931 = tpu.vector_load %arg7[%get3A_929, %get3A_930] {strides = array<i32>} : memref<1280x32xf32, #tpu.memory_space<vmem>>, vector<16xf32>,
        %add3A_932 = arith.addf %add3A_920, %get3A_931 : vector<16xf32>
        %add3A_933 = arith.constant 1024 : i32
        %add3A_934 = arith.addi %add3A_933, %scan3A_746 : i32
        %get3A_935 = arith.index_cast %add3A_934 : i32 to index
        %get3A_936 = arith.constant 0 : index
        %get3A_937 = tpu.vector_load %arg7[%get3A_935, %get3A_936] {strides = array<i32>} : memref<1280x32xf32, #tpu.memory_space<vmem>>, vector<16xf32>,
        %add3A_938 = arith.addf %add3A_926, %get3A_937 : vector<16xf32>
        %add3A_939 = arith.constant 1024 : i32
        %add3A_940 = arith.addi %add3A_939, %scan3A_746 : i32
        %get3A_941 = arith.index_cast %add3A_940 : i32 to index
        %get3A_942 = arith.constant 16 : index
        %get3A_943 = tpu.vector_load %arg7[%get3A_941, %get3A_942] {strides = array<i32>} : memref<1280x32xf32, #tpu.memory_space<vmem>>, vector<16xf32>,
        %add3A_944 = arith.addf %add3A_932, %get3A_943 : vector<16xf32>
        %add3A_945 = arith.constant 1088 : i32
        %add3A_946 = arith.addi %add3A_945, %scan3A_746 : i32
        %get3A_947 = arith.index_cast %add3A_946 : i32 to index
        %get3A_948 = arith.constant 0 : index
        %get3A_949 = tpu.vector_load %arg7[%get3A_947, %get3A_948] {strides = array<i32>} : memref<1280x32xf32, #tpu.memory_space<vmem>>, vector<16xf32>,
        %add3A_950 = arith.addf %add3A_938, %get3A_949 : vector<16xf32>
        %add3A_951 = arith.constant 1088 : i32
        %add3A_952 = arith.addi %add3A_951, %scan3A_746 : i32
        %get3A_953 = arith.index_cast %add3A_952 : i32 to index
        %get3A_954 = arith.constant 16 : index
        %get3A_955 = tpu.vector_load %arg7[%get3A_953, %get3A_954] {strides = array<i32>} : memref<1280x32xf32, #tpu.memory_space<vmem>>, vector<16xf32>,
        %add3A_956 = arith.addf %add3A_944, %get3A_955 : vector<16xf32>
        %add3A_957 = arith.constant 1152 : i32
        %add3A_958 = arith.addi %add3A_957, %scan3A_746 : i32
        %get3A_959 = arith.index_cast %add3A_958 : i32 to index
        %get3A_960 = arith.constant 0 : index
        %get3A_961 = tpu.vector_load %arg7[%get3A_959, %get3A_960] {strides = array<i32>} : memref<1280x32xf32, #tpu.memory_space<vmem>>, vector<16xf32>,
        %add3A_962 = arith.addf %add3A_950, %get3A_961 : vector<16xf32>
        %add3A_963 = arith.constant 1152 : i32
        %add3A_964 = arith.addi %add3A_963, %scan3A_746 : i32
        %get3A_965 = arith.index_cast %add3A_964 : i32 to index
        %get3A_966 = arith.constant 16 : index
        %get3A_967 = tpu.vector_load %arg7[%get3A_965, %get3A_966] {strides = array<i32>} : memref<1280x32xf32, #tpu.memory_space<vmem>>, vector<16xf32>,
        %add3A_968 = arith.addf %add3A_956, %get3A_967 : vector<16xf32>
        %add3A_969 = arith.constant 1216 : i32
        %add3A_970 = arith.addi %add3A_969, %scan3A_746 : i32
        %get3A_971 = arith.index_cast %add3A_970 : i32 to index
        %get3A_972 = arith.constant 0 : index
        %get3A_973 = tpu.vector_load %arg7[%get3A_971, %get3A_972] {strides = array<i32>} : memref<1280x32xf32, #tpu.memory_space<vmem>>, vector<16xf32>,
        %add3A_974 = arith.addf %add3A_962, %get3A_973 : vector<16xf32>
        %add3A_975 = arith.constant 1216 : i32
        %add3A_976 = arith.addi %add3A_975, %scan3A_746 : i32
        %get3A_977 = arith.index_cast %add3A_976 : i32 to index
        %get3A_978 = arith.constant 16 : index
        %get3A_979 = tpu.vector_load %arg7[%get3A_977, %get3A_978] {strides = array<i32>} : memref<1280x32xf32, #tpu.memory_space<vmem>>, vector<16xf32>,
        %add3A_980 = arith.addf %add3A_968, %get3A_979 : vector<16xf32>
        %iota3A_981 = tpu.iota {dimensions = array<i32: 0>} : vector<16xi32>
        %broadcast_in_dim3A_982 = arith.constant 0 : i32
        %broadcast_in_dim3A_983 = vector.broadcast %broadcast_in_dim3A_982 : i32 to vector<16xi32>
        %add3A_984 = vector.broadcast %scan3A_746 : i32 to vector<16xi32>
        %add3A_985 = arith.addi %broadcast_in_dim3A_983, %add3A_984 : vector<16xi32>
        tpu.vector_store_idx %arg9[%iota3A_981, %add3A_985], %add3A_974 : memref<32x65xf32, #tpu.memory_space<vmem>>[vector<16xi32>, vector<16xi32>], vector<16xf32>,
        %add3A_986 = arith.constant 16 : i32
        %add3A_987 = vector.broadcast %add3A_986 : i32 to vector<16xi32>
        %add3A_988 = arith.addi %iota3A_981, %add3A_987 : vector<16xi32>
        tpu.vector_store_idx %arg9[%add3A_988, %add3A_985], %add3A_980 : memref<32x65xf32, #tpu.memory_space<vmem>>[vector<16xi32>, vector<16xi32>], vector<16xf32>,
      }
      %scan3A_455 = arith.constant 64 : i32
      %jit3A_456 = arith.constant 64 : i32
      %div3A_457 = arith.divsi %add3A_250, %jit3A_456 : i32
      %sign3A_458 = arith.constant 0 : i32
      %sign3A_459 = arith.cmpi sgt, %add3A_250, %sign3A_458 : i32
      %sign3A_460 = arith.extui %sign3A_459 : i1 to i32
      %sign3A_461 = arith.constant 0 : i32
      %sign3A_462 = arith.cmpi slt, %add3A_250, %sign3A_461 : i32
      %sign3A_463 = arith.extui %sign3A_462 : i1 to i32
      %sign3A_464 = arith.subi %sign3A_460, %sign3A_463 : i32
      %sign3A_465 = arith.constant 0 : i32
      %sign3A_466 = arith.cmpi sgt, %jit3A_456, %sign3A_465 : i32
      %sign3A_467 = arith.extui %sign3A_466 : i1 to i32
      %sign3A_468 = arith.constant 0 : i32
      %sign3A_469 = arith.cmpi slt, %jit3A_456, %sign3A_468 : i32
      %sign3A_470 = arith.extui %sign3A_469 : i1 to i32
      %sign3A_471 = arith.subi %sign3A_467, %sign3A_470 : i32
      %ne3A_472 = arith.cmpi ne, %sign3A_464, %sign3A_471 : i32
      %rem3A_473 = arith.remsi %add3A_250, %jit3A_456 : i32
      %ne3A_474 = arith.constant 0 : i32
      %ne3A_475 = arith.cmpi ne, %rem3A_473, %ne3A_474 : i32
      %and3A_476 = arith.andi %ne3A_472, %ne3A_475 : i1
      %sub3A_477 = arith.constant 1 : i32
      %sub3A_478 = arith.subi %div3A_457, %sub3A_477 : i32
      %select_n3A_479 = arith.select %and3A_476, %sub3A_478, %div3A_457 : i32
      %jit3A_480 = arith.constant 64 : i32
      %eq3A_481 = arith.constant 0 : i32
      %eq3A_482 = arith.cmpi eq, %jit3A_480, %eq3A_481 : i32
      %jit3A_483 = arith.constant 1 : i32
      %select_n3A_484 = arith.select %eq3A_482, %jit3A_483, %jit3A_480 : i32
      %rem3A_485 = arith.remsi %add3A_250, %select_n3A_484 : i32
      %ne3A_486 = arith.constant 0 : i32
      %ne3A_487 = arith.cmpi ne, %rem3A_485, %ne3A_486 : i32
      %lt3A_488 = arith.constant 0 : i32
      %lt3A_489 = arith.cmpi slt, %rem3A_485, %lt3A_488 : i32
      %lt3A_490 = arith.constant 0 : i32
      %lt3A_491 = arith.cmpi slt, %select_n3A_484, %lt3A_490 : i32
      %ne3A_492 = arith.xori %lt3A_489, %lt3A_491 : i1
      %and3A_493 = arith.andi %ne3A_492, %ne3A_487 : i1
      %add3A_494 = arith.addi %rem3A_485, %select_n3A_484 : i32
      %select_n3A_495 = arith.select %and3A_493, %add3A_494, %rem3A_485 : i32
      %mul3A_496 = arith.constant 64 : i32
      %mul3A_497 = arith.muli %select_n3A_495, %mul3A_496 : i32
      "tpu.region"() ({
        %run_scoped3A = tpu.sem_alloc : memref<!tpu.dma_semaphore, #tpu.memory_space<semaphore_mem>>
        %dma_start3A_505 = arith.constant 0 : i32
        %dma_start3A_506 = arith.constant 0 : i32
        %dma_start3A_507 = tpu.memref_slice %arg9[%dma_start3A_505, %dma_start3A_506] : memref<32x65xf32, #tpu.memory_space<vmem>> -> memref<32x64xf32, #tpu.memory_space<vmem>>
        %dma_start3A_508 = arith.constant 0 : i32
        %dma_start3A_509 = tpu.memref_slice %arg4[%select_n3A_479, %dma_start3A_508, %mul3A_497] : memref<50x32x4096xf32, #tpu.memory_space<hbm>> -> memref<1x32x64xf32, #tpu.memory_space<hbm>>
        %dma_start3A_510 = tpu.memref_squeeze %dma_start3A_509 : memref<1x32x64xf32, #tpu.memory_space<hbm>> -> memref<32x64xf32, #tpu.memory_space<hbm>>
        %dma_start3A_511 = arith.constant 0 : i32
        %dma_start3A_512 = tpu.memref_slice %arg4[%select_n3A_479, %dma_start3A_511, %mul3A_497] : memref<50x32x4096xf32, #tpu.memory_space<hbm>> -> memref<1x32x64xf32, #tpu.memory_space<hbm>>
        %dma_start3A_513 = tpu.memref_squeeze %dma_start3A_512 : memref<1x32x64xf32, #tpu.memory_space<hbm>> -> memref<32x64xf32, #tpu.memory_space<hbm>>
        %dma_start3A_514 = arith.constant 0 : i32
        %dma_start3A_515 = arith.constant 0 : i32
        %dma_start3A_516 = tpu.memref_slice %arg9[%dma_start3A_514, %dma_start3A_515] : memref<32x65xf32, #tpu.memory_space<vmem>> -> memref<32x64xf32, #tpu.memory_space<vmem>>
        tpu.enqueue_dma source(%dma_start3A_516 : memref<32x64xf32, #tpu.memory_space<vmem>>) target(%dma_start3A_513 : memref<32x64xf32, #tpu.memory_space<hbm>>) target_semaphore(%run_scoped3A : memref<!tpu.dma_semaphore, #tpu.memory_space<semaphore_mem>>)
        %dma_wait3A_517 = arith.constant 0 : i32
        %dma_wait3A_518 = arith.constant 0 : i32
        %dma_wait3A_519 = tpu.memref_slice %arg9[%dma_wait3A_517, %dma_wait3A_518] : memref<32x65xf32, #tpu.memory_space<vmem>> -> memref<32x64xf32, #tpu.memory_space<vmem>>
        %dma_wait3A_520 = arith.constant 0 : i32
        %dma_wait3A_521 = tpu.memref_slice %arg4[%select_n3A_479, %dma_wait3A_520, %mul3A_497] : memref<50x32x4096xf32, #tpu.memory_space<hbm>> -> memref<1x32x64xf32, #tpu.memory_space<hbm>>
        %dma_wait3A_522 = tpu.memref_squeeze %dma_wait3A_521 : memref<1x32x64xf32, #tpu.memory_space<hbm>> -> memref<32x64xf32, #tpu.memory_space<hbm>>
        %dma_wait3A_523 = arith.constant 0 : i32
        %dma_wait3A_524 = tpu.memref_slice %arg4[%select_n3A_479, %dma_wait3A_523, %mul3A_497] : memref<50x32x4096xf32, #tpu.memory_space<hbm>> -> memref<1x32x64xf32, #tpu.memory_space<hbm>>
        %dma_wait3A_525 = tpu.memref_squeeze %dma_wait3A_524 : memref<1x32x64xf32, #tpu.memory_space<hbm>> -> memref<32x64xf32, #tpu.memory_space<hbm>>
        %dma_wait3A_526 = arith.constant 0 : i32
        %dma_wait3A_527 = arith.constant 0 : i32
        %dma_wait3A_528 = tpu.memref_slice %arg9[%dma_wait3A_526, %dma_wait3A_527] : memref<32x65xf32, #tpu.memory_space<vmem>> -> memref<32x64xf32, #tpu.memory_space<vmem>>
        tpu.wait_dma2 semaphore(%run_scoped3A : memref<!tpu.dma_semaphore, #tpu.memory_space<semaphore_mem>>) src(%dma_wait3A_528 : memref<32x64xf32, #tpu.memory_space<vmem>>) dst(%dma_wait3A_525 : memref<32x64xf32, #tpu.memory_space<hbm>>)
        tpu.yield
      }) : () -> ()
      %add3A_498 = arith.constant 1 : i32
      %add3A_499 = arith.addi %mul3A_244, %add3A_498 : i32
      %lt3A_500 = arith.constant 100 : i32
      %lt3A_501 = arith.cmpi slt, %add3A_499, %lt3A_500 : i32
      %convert_element_type3A_502 = arith.extui %lt3A_501 : i1 to i32
      %cond3A_503 = arith.constant 0 : i32
      %cond3A_504 = arith.cmpi ne, %convert_element_type3A_502, %cond3A_503 : i32
      scf.if %cond3A_504 {
        %add3A_505 = arith.constant 2 : i32
        %add3A_506 = arith.addi %mul3A_244, %add3A_505 : i32
        %lt3A_507 = arith.constant 100 : i32
        %lt3A_508 = arith.cmpi slt, %add3A_506, %lt3A_507 : i32
        %convert_element_type3A_509 = arith.extui %lt3A_508 : i1 to i32
        %cond3A_510 = arith.constant 0 : i32
        %cond3A_511 = arith.cmpi ne, %convert_element_type3A_509, %cond3A_510 : i32
        scf.if %cond3A_511 {
          %add3A_763 = arith.addi %mul3A_2, %mul3A_244 : i32
          %add3A_764 = arith.constant 2 : i32
          %add3A_765 = arith.addi %add3A_763, %add3A_764 : i32
          %jit3A_766 = arith.constant 64 : i32
          %div3A_767 = arith.divsi %add3A_765, %jit3A_766 : i32
          %sign3A_768 = arith.constant 0 : i32
          %sign3A_769 = arith.cmpi sgt, %add3A_765, %sign3A_768 : i32
          %sign3A_770 = arith.extui %sign3A_769 : i1 to i32
          %sign3A_771 = arith.constant 0 : i32
          %sign3A_772 = arith.cmpi slt, %add3A_765, %sign3A_771 : i32
          %sign3A_773 = arith.extui %sign3A_772 : i1 to i32
          %sign3A_774 = arith.subi %sign3A_770, %sign3A_773 : i32
          %sign3A_775 = arith.constant 0 : i32
          %sign3A_776 = arith.cmpi sgt, %jit3A_766, %sign3A_775 : i32
          %sign3A_777 = arith.extui %sign3A_776 : i1 to i32
          %sign3A_778 = arith.constant 0 : i32
          %sign3A_779 = arith.cmpi slt, %jit3A_766, %sign3A_778 : i32
          %sign3A_780 = arith.extui %sign3A_779 : i1 to i32
          %sign3A_781 = arith.subi %sign3A_777, %sign3A_780 : i32
          %ne3A_782 = arith.cmpi ne, %sign3A_774, %sign3A_781 : i32
          %rem3A_783 = arith.remsi %add3A_765, %jit3A_766 : i32
          %ne3A_784 = arith.constant 0 : i32
          %ne3A_785 = arith.cmpi ne, %rem3A_783, %ne3A_784 : i32
          %and3A_786 = arith.andi %ne3A_782, %ne3A_785 : i1
          %sub3A_787 = arith.constant 1 : i32
          %sub3A_788 = arith.subi %div3A_767, %sub3A_787 : i32
          %select_n3A_789 = arith.select %and3A_786, %sub3A_788, %div3A_767 : i32
          %jit3A_790 = arith.constant 64 : i32
          %eq3A_791 = arith.constant 0 : i32
          %eq3A_792 = arith.cmpi eq, %jit3A_790, %eq3A_791 : i32
          %jit3A_793 = arith.constant 1 : i32
          %select_n3A_794 = arith.select %eq3A_792, %jit3A_793, %jit3A_790 : i32
          %rem3A_795 = arith.remsi %add3A_765, %select_n3A_794 : i32
          %ne3A_796 = arith.constant 0 : i32
          %ne3A_797 = arith.cmpi ne, %rem3A_795, %ne3A_796 : i32
          %lt3A_798 = arith.constant 0 : i32
          %lt3A_799 = arith.cmpi slt, %rem3A_795, %lt3A_798 : i32
          %lt3A_800 = arith.constant 0 : i32
          %lt3A_801 = arith.cmpi slt, %select_n3A_794, %lt3A_800 : i32
          %ne3A_802 = arith.xori %lt3A_799, %lt3A_801 : i1
          %and3A_803 = arith.andi %ne3A_802, %ne3A_797 : i1
          %add3A_804 = arith.addi %rem3A_795, %select_n3A_794 : i32
          %select_n3A_805 = arith.select %and3A_803, %add3A_804, %rem3A_795 : i32
          %mul3A_806 = arith.constant 64 : i32
          %mul3A_807 = arith.muli %select_n3A_805, %mul3A_806 : i32
          %mul3A_808 = arith.constant 4096 : i32
          %mul3A_809 = arith.muli %select_n3A_789, %mul3A_808 : i32
          %add3A_810 = arith.addi %mul3A_809, %mul3A_807 : i32
          "tpu.region"() ({
            %run_scoped3A = tpu.sem_alloc : memref<!tpu.dma_semaphore, #tpu.memory_space<semaphore_mem>>
            %dma_start3A_1011 = arith.constant 0 : i32
            %dma_start3A_1012 = tpu.memref_slice %arg2[%dma_start3A_1011, %add3A_810] : memref<20x204800xi32, #tpu.memory_space<hbm>> -> memref<20x64xi32, #tpu.memory_space<hbm>>
            %dma_start3A_1013 = arith.constant 0 : i32
            %dma_start3A_1014 = tpu.memref_slice %arg2[%dma_start3A_1013, %add3A_810] : memref<20x204800xi32, #tpu.memory_space<hbm>> -> memref<20x64xi32, #tpu.memory_space<hbm>>
            tpu.enqueue_dma source(%dma_start3A_1014 : memref<20x64xi32, #tpu.memory_space<hbm>>) target(%arg5 : memref<20x64xi32, #tpu.memory_space<vmem>>) target_semaphore(%run_scoped3A : memref<!tpu.dma_semaphore, #tpu.memory_space<semaphore_mem>>)
            %dma_wait3A_1015 = arith.constant 0 : i32
            %dma_wait3A_1016 = tpu.memref_slice %arg2[%dma_wait3A_1015, %add3A_810] : memref<20x204800xi32, #tpu.memory_space<hbm>> -> memref<20x64xi32, #tpu.memory_space<hbm>>
            %dma_wait3A_1017 = arith.constant 0 : i32
            %dma_wait3A_1018 = tpu.memref_slice %arg2[%dma_wait3A_1017, %add3A_810] : memref<20x204800xi32, #tpu.memory_space<hbm>> -> memref<20x64xi32, #tpu.memory_space<hbm>>
            tpu.wait_dma2 semaphore(%run_scoped3A : memref<!tpu.dma_semaphore, #tpu.memory_space<semaphore_mem>>) src(%dma_wait3A_1018 : memref<20x64xi32, #tpu.memory_space<hbm>>) dst(%arg5 : memref<20x64xi32, #tpu.memory_space<vmem>>)
            tpu.yield
          }) : () -> ()
          %dma_start3A_811 = arith.constant 0 : i32
          %dma_start3A_812 = arith.constant 0 : i32
          %dma_start3A_813 = arith.constant 0 : i32
          %dma_start3A_814 = tpu.memref_slice %arg7[%dma_start3A_812, %dma_start3A_813] : memref<1280x32xf32, #tpu.memory_space<vmem>> -> memref<64x32xf32, #tpu.memory_space<vmem>>
          %dma_start3A_815 = arith.constant 0 : i32
          %dma_start3A_816 = tpu.memref_slice %arg5[%dma_start3A_811, %dma_start3A_815] : memref<20x64xi32, #tpu.memory_space<vmem>> -> memref<1x64xi32, #tpu.memory_space<vmem>>
          %dma_start3A_817 = tpu.memref_squeeze %dma_start3A_816 : memref<1x64xi32, #tpu.memory_space<vmem>> -> memref<64xi32, #tpu.memory_space<vmem>>
          %dma_start3A_818 = arith.constant 0 : i32
          %dma_start3A_819 = arith.constant 0 : i32
          %dma_start3A_820 = tpu.memref_slice %arg3[%dma_start3A_818, %dma_start3A_819] : memref<1000000x32xf32, #tpu.memory_space<hbm>> -> memref<1000000x32xf32, #tpu.memory_space<hbm>>
          tpu.enqueue_indirect_dma source(%dma_start3A_820 : memref<1000000x32xf32, #tpu.memory_space<hbm>>) target(%dma_start3A_814 : memref<64x32xf32, #tpu.memory_space<vmem>>) offsets(%dma_start3A_817 : memref<64xi32, #tpu.memory_space<vmem>>) semaphore(%arg10 : memref<!tpu.dma_semaphore, #tpu.memory_space<semaphore_mem>>)
          %dma_start3A_821 = arith.constant 1 : i32
          %dma_start3A_822 = arith.constant 64 : i32
          %dma_start3A_823 = arith.constant 0 : i32
          %dma_start3A_824 = tpu.memref_slice %arg7[%dma_start3A_822, %dma_start3A_823] : memref<1280x32xf32, #tpu.memory_space<vmem>> -> memref<64x32xf32, #tpu.memory_space<vmem>>
          %dma_start3A_825 = arith.constant 0 : i32
          %dma_start3A_826 = tpu.memref_slice %arg5[%dma_start3A_821, %dma_start3A_825] : memref<20x64xi32, #tpu.memory_space<vmem>> -> memref<1x64xi32, #tpu.memory_space<vmem>>
          %dma_start3A_827 = tpu.memref_squeeze %dma_start3A_826 : memref<1x64xi32, #tpu.memory_space<vmem>> -> memref<64xi32, #tpu.memory_space<vmem>>
          %dma_start3A_828 = arith.constant 0 : i32
          %dma_start3A_829 = arith.constant 0 : i32
          %dma_start3A_830 = tpu.memref_slice %arg3[%dma_start3A_828, %dma_start3A_829] : memref<1000000x32xf32, #tpu.memory_space<hbm>> -> memref<1000000x32xf32, #tpu.memory_space<hbm>>
          tpu.enqueue_indirect_dma source(%dma_start3A_830 : memref<1000000x32xf32, #tpu.memory_space<hbm>>) target(%dma_start3A_824 : memref<64x32xf32, #tpu.memory_space<vmem>>) offsets(%dma_start3A_827 : memref<64xi32, #tpu.memory_space<vmem>>) semaphore(%arg10 : memref<!tpu.dma_semaphore, #tpu.memory_space<semaphore_mem>>)
          %dma_start3A_831 = arith.constant 2 : i32
          %dma_start3A_832 = arith.constant 128 : i32
          %dma_start3A_833 = arith.constant 0 : i32
          %dma_start3A_834 = tpu.memref_slice %arg7[%dma_start3A_832, %dma_start3A_833] : memref<1280x32xf32, #tpu.memory_space<vmem>> -> memref<64x32xf32, #tpu.memory_space<vmem>>
          %dma_start3A_835 = arith.constant 0 : i32
          %dma_start3A_836 = tpu.memref_slice %arg5[%dma_start3A_831, %dma_start3A_835] : memref<20x64xi32, #tpu.memory_space<vmem>> -> memref<1x64xi32, #tpu.memory_space<vmem>>
          %dma_start3A_837 = tpu.memref_squeeze %dma_start3A_836 : memref<1x64xi32, #tpu.memory_space<vmem>> -> memref<64xi32, #tpu.memory_space<vmem>>
          %dma_start3A_838 = arith.constant 0 : i32
          %dma_start3A_839 = arith.constant 0 : i32
          %dma_start3A_840 = tpu.memref_slice %arg3[%dma_start3A_838, %dma_start3A_839] : memref<1000000x32xf32, #tpu.memory_space<hbm>> -> memref<1000000x32xf32, #tpu.memory_space<hbm>>
          tpu.enqueue_indirect_dma source(%dma_start3A_840 : memref<1000000x32xf32, #tpu.memory_space<hbm>>) target(%dma_start3A_834 : memref<64x32xf32, #tpu.memory_space<vmem>>) offsets(%dma_start3A_837 : memref<64xi32, #tpu.memory_space<vmem>>) semaphore(%arg10 : memref<!tpu.dma_semaphore, #tpu.memory_space<semaphore_mem>>)
          %dma_start3A_841 = arith.constant 3 : i32
          %dma_start3A_842 = arith.constant 192 : i32
          %dma_start3A_843 = arith.constant 0 : i32
          %dma_start3A_844 = tpu.memref_slice %arg7[%dma_start3A_842, %dma_start3A_843] : memref<1280x32xf32, #tpu.memory_space<vmem>> -> memref<64x32xf32, #tpu.memory_space<vmem>>
          %dma_start3A_845 = arith.constant 0 : i32
          %dma_start3A_846 = tpu.memref_slice %arg5[%dma_start3A_841, %dma_start3A_845] : memref<20x64xi32, #tpu.memory_space<vmem>> -> memref<1x64xi32, #tpu.memory_space<vmem>>
          %dma_start3A_847 = tpu.memref_squeeze %dma_start3A_846 : memref<1x64xi32, #tpu.memory_space<vmem>> -> memref<64xi32, #tpu.memory_space<vmem>>
          %dma_start3A_848 = arith.constant 0 : i32
          %dma_start3A_849 = arith.constant 0 : i32
          %dma_start3A_850 = tpu.memref_slice %arg3[%dma_start3A_848, %dma_start3A_849] : memref<1000000x32xf32, #tpu.memory_space<hbm>> -> memref<1000000x32xf32, #tpu.memory_space<hbm>>
          tpu.enqueue_indirect_dma source(%dma_start3A_850 : memref<1000000x32xf32, #tpu.memory_space<hbm>>) target(%dma_start3A_844 : memref<64x32xf32, #tpu.memory_space<vmem>>) offsets(%dma_start3A_847 : memref<64xi32, #tpu.memory_space<vmem>>) semaphore(%arg10 : memref<!tpu.dma_semaphore, #tpu.memory_space<semaphore_mem>>)
          %dma_start3A_851 = arith.constant 4 : i32
          %dma_start3A_852 = arith.constant 256 : i32
          %dma_start3A_853 = arith.constant 0 : i32
          %dma_start3A_854 = tpu.memref_slice %arg7[%dma_start3A_852, %dma_start3A_853] : memref<1280x32xf32, #tpu.memory_space<vmem>> -> memref<64x32xf32, #tpu.memory_space<vmem>>
          %dma_start3A_855 = arith.constant 0 : i32
          %dma_start3A_856 = tpu.memref_slice %arg5[%dma_start3A_851, %dma_start3A_855] : memref<20x64xi32, #tpu.memory_space<vmem>> -> memref<1x64xi32, #tpu.memory_space<vmem>>
          %dma_start3A_857 = tpu.memref_squeeze %dma_start3A_856 : memref<1x64xi32, #tpu.memory_space<vmem>> -> memref<64xi32, #tpu.memory_space<vmem>>
          %dma_start3A_858 = arith.constant 0 : i32
          %dma_start3A_859 = arith.constant 0 : i32
          %dma_start3A_860 = tpu.memref_slice %arg3[%dma_start3A_858, %dma_start3A_859] : memref<1000000x32xf32, #tpu.memory_space<hbm>> -> memref<1000000x32xf32, #tpu.memory_space<hbm>>
          tpu.enqueue_indirect_dma source(%dma_start3A_860 : memref<1000000x32xf32, #tpu.memory_space<hbm>>) target(%dma_start3A_854 : memref<64x32xf32, #tpu.memory_space<vmem>>) offsets(%dma_start3A_857 : memref<64xi32, #tpu.memory_space<vmem>>) semaphore(%arg10 : memref<!tpu.dma_semaphore, #tpu.memory_space<semaphore_mem>>)
          %dma_start3A_861 = arith.constant 5 : i32
          %dma_start3A_862 = arith.constant 320 : i32
          %dma_start3A_863 = arith.constant 0 : i32
          %dma_start3A_864 = tpu.memref_slice %arg7[%dma_start3A_862, %dma_start3A_863] : memref<1280x32xf32, #tpu.memory_space<vmem>> -> memref<64x32xf32, #tpu.memory_space<vmem>>
          %dma_start3A_865 = arith.constant 0 : i32
          %dma_start3A_866 = tpu.memref_slice %arg5[%dma_start3A_861, %dma_start3A_865] : memref<20x64xi32, #tpu.memory_space<vmem>> -> memref<1x64xi32, #tpu.memory_space<vmem>>
          %dma_start3A_867 = tpu.memref_squeeze %dma_start3A_866 : memref<1x64xi32, #tpu.memory_space<vmem>> -> memref<64xi32, #tpu.memory_space<vmem>>
          %dma_start3A_868 = arith.constant 0 : i32
          %dma_start3A_869 = arith.constant 0 : i32
          %dma_start3A_870 = tpu.memref_slice %arg3[%dma_start3A_868, %dma_start3A_869] : memref<1000000x32xf32, #tpu.memory_space<hbm>> -> memref<1000000x32xf32, #tpu.memory_space<hbm>>
          tpu.enqueue_indirect_dma source(%dma_start3A_870 : memref<1000000x32xf32, #tpu.memory_space<hbm>>) target(%dma_start3A_864 : memref<64x32xf32, #tpu.memory_space<vmem>>) offsets(%dma_start3A_867 : memref<64xi32, #tpu.memory_space<vmem>>) semaphore(%arg10 : memref<!tpu.dma_semaphore, #tpu.memory_space<semaphore_mem>>)
          %dma_start3A_871 = arith.constant 6 : i32
          %dma_start3A_872 = arith.constant 384 : i32
          %dma_start3A_873 = arith.constant 0 : i32
          %dma_start3A_874 = tpu.memref_slice %arg7[%dma_start3A_872, %dma_start3A_873] : memref<1280x32xf32, #tpu.memory_space<vmem>> -> memref<64x32xf32, #tpu.memory_space<vmem>>
          %dma_start3A_875 = arith.constant 0 : i32
          %dma_start3A_876 = tpu.memref_slice %arg5[%dma_start3A_871, %dma_start3A_875] : memref<20x64xi32, #tpu.memory_space<vmem>> -> memref<1x64xi32, #tpu.memory_space<vmem>>
          %dma_start3A_877 = tpu.memref_squeeze %dma_start3A_876 : memref<1x64xi32, #tpu.memory_space<vmem>> -> memref<64xi32, #tpu.memory_space<vmem>>
          %dma_start3A_878 = arith.constant 0 : i32
          %dma_start3A_879 = arith.constant 0 : i32
          %dma_start3A_880 = tpu.memref_slice %arg3[%dma_start3A_878, %dma_start3A_879] : memref<1000000x32xf32, #tpu.memory_space<hbm>> -> memref<1000000x32xf32, #tpu.memory_space<hbm>>
          tpu.enqueue_indirect_dma source(%dma_start3A_880 : memref<1000000x32xf32, #tpu.memory_space<hbm>>) target(%dma_start3A_874 : memref<64x32xf32, #tpu.memory_space<vmem>>) offsets(%dma_start3A_877 : memref<64xi32, #tpu.memory_space<vmem>>) semaphore(%arg10 : memref<!tpu.dma_semaphore, #tpu.memory_space<semaphore_mem>>)
          %dma_start3A_881 = arith.constant 7 : i32
          %dma_start3A_882 = arith.constant 448 : i32
          %dma_start3A_883 = arith.constant 0 : i32
          %dma_start3A_884 = tpu.memref_slice %arg7[%dma_start3A_882, %dma_start3A_883] : memref<1280x32xf32, #tpu.memory_space<vmem>> -> memref<64x32xf32, #tpu.memory_space<vmem>>
          %dma_start3A_885 = arith.constant 0 : i32
          %dma_start3A_886 = tpu.memref_slice %arg5[%dma_start3A_881, %dma_start3A_885] : memref<20x64xi32, #tpu.memory_space<vmem>> -> memref<1x64xi32, #tpu.memory_space<vmem>>
          %dma_start3A_887 = tpu.memref_squeeze %dma_start3A_886 : memref<1x64xi32, #tpu.memory_space<vmem>> -> memref<64xi32, #tpu.memory_space<vmem>>
          %dma_start3A_888 = arith.constant 0 : i32
          %dma_start3A_889 = arith.constant 0 : i32
          %dma_start3A_890 = tpu.memref_slice %arg3[%dma_start3A_888, %dma_start3A_889] : memref<1000000x32xf32, #tpu.memory_space<hbm>> -> memref<1000000x32xf32, #tpu.memory_space<hbm>>
          tpu.enqueue_indirect_dma source(%dma_start3A_890 : memref<1000000x32xf32, #tpu.memory_space<hbm>>) target(%dma_start3A_884 : memref<64x32xf32, #tpu.memory_space<vmem>>) offsets(%dma_start3A_887 : memref<64xi32, #tpu.memory_space<vmem>>) semaphore(%arg10 : memref<!tpu.dma_semaphore, #tpu.memory_space<semaphore_mem>>)
          %dma_start3A_891 = arith.constant 8 : i32
          %dma_start3A_892 = arith.constant 512 : i32
          %dma_start3A_893 = arith.constant 0 : i32
          %dma_start3A_894 = tpu.memref_slice %arg7[%dma_start3A_892, %dma_start3A_893] : memref<1280x32xf32, #tpu.memory_space<vmem>> -> memref<64x32xf32, #tpu.memory_space<vmem>>
          %dma_start3A_895 = arith.constant 0 : i32
          %dma_start3A_896 = tpu.memref_slice %arg5[%dma_start3A_891, %dma_start3A_895] : memref<20x64xi32, #tpu.memory_space<vmem>> -> memref<1x64xi32, #tpu.memory_space<vmem>>
          %dma_start3A_897 = tpu.memref_squeeze %dma_start3A_896 : memref<1x64xi32, #tpu.memory_space<vmem>> -> memref<64xi32, #tpu.memory_space<vmem>>
          %dma_start3A_898 = arith.constant 0 : i32
          %dma_start3A_899 = arith.constant 0 : i32
          %dma_start3A_900 = tpu.memref_slice %arg3[%dma_start3A_898, %dma_start3A_899] : memref<1000000x32xf32, #tpu.memory_space<hbm>> -> memref<1000000x32xf32, #tpu.memory_space<hbm>>
          tpu.enqueue_indirect_dma source(%dma_start3A_900 : memref<1000000x32xf32, #tpu.memory_space<hbm>>) target(%dma_start3A_894 : memref<64x32xf32, #tpu.memory_space<vmem>>) offsets(%dma_start3A_897 : memref<64xi32, #tpu.memory_space<vmem>>) semaphore(%arg10 : memref<!tpu.dma_semaphore, #tpu.memory_space<semaphore_mem>>)
          %dma_start3A_901 = arith.constant 9 : i32
          %dma_start3A_902 = arith.constant 576 : i32
          %dma_start3A_903 = arith.constant 0 : i32
          %dma_start3A_904 = tpu.memref_slice %arg7[%dma_start3A_902, %dma_start3A_903] : memref<1280x32xf32, #tpu.memory_space<vmem>> -> memref<64x32xf32, #tpu.memory_space<vmem>>
          %dma_start3A_905 = arith.constant 0 : i32
          %dma_start3A_906 = tpu.memref_slice %arg5[%dma_start3A_901, %dma_start3A_905] : memref<20x64xi32, #tpu.memory_space<vmem>> -> memref<1x64xi32, #tpu.memory_space<vmem>>
          %dma_start3A_907 = tpu.memref_squeeze %dma_start3A_906 : memref<1x64xi32, #tpu.memory_space<vmem>> -> memref<64xi32, #tpu.memory_space<vmem>>
          %dma_start3A_908 = arith.constant 0 : i32
          %dma_start3A_909 = arith.constant 0 : i32
          %dma_start3A_910 = tpu.memref_slice %arg3[%dma_start3A_908, %dma_start3A_909] : memref<1000000x32xf32, #tpu.memory_space<hbm>> -> memref<1000000x32xf32, #tpu.memory_space<hbm>>
          tpu.enqueue_indirect_dma source(%dma_start3A_910 : memref<1000000x32xf32, #tpu.memory_space<hbm>>) target(%dma_start3A_904 : memref<64x32xf32, #tpu.memory_space<vmem>>) offsets(%dma_start3A_907 : memref<64xi32, #tpu.memory_space<vmem>>) semaphore(%arg10 : memref<!tpu.dma_semaphore, #tpu.memory_space<semaphore_mem>>)
          %dma_start3A_911 = arith.constant 10 : i32
          %dma_start3A_912 = arith.constant 640 : i32
          %dma_start3A_913 = arith.constant 0 : i32
          %dma_start3A_914 = tpu.memref_slice %arg7[%dma_start3A_912, %dma_start3A_913] : memref<1280x32xf32, #tpu.memory_space<vmem>> -> memref<64x32xf32, #tpu.memory_space<vmem>>
          %dma_start3A_915 = arith.constant 0 : i32
          %dma_start3A_916 = tpu.memref_slice %arg5[%dma_start3A_911, %dma_start3A_915] : memref<20x64xi32, #tpu.memory_space<vmem>> -> memref<1x64xi32, #tpu.memory_space<vmem>>
          %dma_start3A_917 = tpu.memref_squeeze %dma_start3A_916 : memref<1x64xi32, #tpu.memory_space<vmem>> -> memref<64xi32, #tpu.memory_space<vmem>>
          %dma_start3A_918 = arith.constant 0 : i32
          %dma_start3A_919 = arith.constant 0 : i32
          %dma_start3A_920 = tpu.memref_slice %arg3[%dma_start3A_918, %dma_start3A_919] : memref<1000000x32xf32, #tpu.memory_space<hbm>> -> memref<1000000x32xf32, #tpu.memory_space<hbm>>
          tpu.enqueue_indirect_dma source(%dma_start3A_920 : memref<1000000x32xf32, #tpu.memory_space<hbm>>) target(%dma_start3A_914 : memref<64x32xf32, #tpu.memory_space<vmem>>) offsets(%dma_start3A_917 : memref<64xi32, #tpu.memory_space<vmem>>) semaphore(%arg10 : memref<!tpu.dma_semaphore, #tpu.memory_space<semaphore_mem>>)
          %dma_start3A_921 = arith.constant 11 : i32
          %dma_start3A_922 = arith.constant 704 : i32
          %dma_start3A_923 = arith.constant 0 : i32
          %dma_start3A_924 = tpu.memref_slice %arg7[%dma_start3A_922, %dma_start3A_923] : memref<1280x32xf32, #tpu.memory_space<vmem>> -> memref<64x32xf32, #tpu.memory_space<vmem>>
          %dma_start3A_925 = arith.constant 0 : i32
          %dma_start3A_926 = tpu.memref_slice %arg5[%dma_start3A_921, %dma_start3A_925] : memref<20x64xi32, #tpu.memory_space<vmem>> -> memref<1x64xi32, #tpu.memory_space<vmem>>
          %dma_start3A_927 = tpu.memref_squeeze %dma_start3A_926 : memref<1x64xi32, #tpu.memory_space<vmem>> -> memref<64xi32, #tpu.memory_space<vmem>>
          %dma_start3A_928 = arith.constant 0 : i32
          %dma_start3A_929 = arith.constant 0 : i32
          %dma_start3A_930 = tpu.memref_slice %arg3[%dma_start3A_928, %dma_start3A_929] : memref<1000000x32xf32, #tpu.memory_space<hbm>> -> memref<1000000x32xf32, #tpu.memory_space<hbm>>
          tpu.enqueue_indirect_dma source(%dma_start3A_930 : memref<1000000x32xf32, #tpu.memory_space<hbm>>) target(%dma_start3A_924 : memref<64x32xf32, #tpu.memory_space<vmem>>) offsets(%dma_start3A_927 : memref<64xi32, #tpu.memory_space<vmem>>) semaphore(%arg10 : memref<!tpu.dma_semaphore, #tpu.memory_space<semaphore_mem>>)
          %dma_start3A_931 = arith.constant 12 : i32
          %dma_start3A_932 = arith.constant 768 : i32
          %dma_start3A_933 = arith.constant 0 : i32
          %dma_start3A_934 = tpu.memref_slice %arg7[%dma_start3A_932, %dma_start3A_933] : memref<1280x32xf32, #tpu.memory_space<vmem>> -> memref<64x32xf32, #tpu.memory_space<vmem>>
          %dma_start3A_935 = arith.constant 0 : i32
          %dma_start3A_936 = tpu.memref_slice %arg5[%dma_start3A_931, %dma_start3A_935] : memref<20x64xi32, #tpu.memory_space<vmem>> -> memref<1x64xi32, #tpu.memory_space<vmem>>
          %dma_start3A_937 = tpu.memref_squeeze %dma_start3A_936 : memref<1x64xi32, #tpu.memory_space<vmem>> -> memref<64xi32, #tpu.memory_space<vmem>>
          %dma_start3A_938 = arith.constant 0 : i32
          %dma_start3A_939 = arith.constant 0 : i32
          %dma_start3A_940 = tpu.memref_slice %arg3[%dma_start3A_938, %dma_start3A_939] : memref<1000000x32xf32, #tpu.memory_space<hbm>> -> memref<1000000x32xf32, #tpu.memory_space<hbm>>
          tpu.enqueue_indirect_dma source(%dma_start3A_940 : memref<1000000x32xf32, #tpu.memory_space<hbm>>) target(%dma_start3A_934 : memref<64x32xf32, #tpu.memory_space<vmem>>) offsets(%dma_start3A_937 : memref<64xi32, #tpu.memory_space<vmem>>) semaphore(%arg10 : memref<!tpu.dma_semaphore, #tpu.memory_space<semaphore_mem>>)
          %dma_start3A_941 = arith.constant 13 : i32
          %dma_start3A_942 = arith.constant 832 : i32
          %dma_start3A_943 = arith.constant 0 : i32
          %dma_start3A_944 = tpu.memref_slice %arg7[%dma_start3A_942, %dma_start3A_943] : memref<1280x32xf32, #tpu.memory_space<vmem>> -> memref<64x32xf32, #tpu.memory_space<vmem>>
          %dma_start3A_945 = arith.constant 0 : i32
          %dma_start3A_946 = tpu.memref_slice %arg5[%dma_start3A_941, %dma_start3A_945] : memref<20x64xi32, #tpu.memory_space<vmem>> -> memref<1x64xi32, #tpu.memory_space<vmem>>
          %dma_start3A_947 = tpu.memref_squeeze %dma_start3A_946 : memref<1x64xi32, #tpu.memory_space<vmem>> -> memref<64xi32, #tpu.memory_space<vmem>>
          %dma_start3A_948 = arith.constant 0 : i32
          %dma_start3A_949 = arith.constant 0 : i32
          %dma_start3A_950 = tpu.memref_slice %arg3[%dma_start3A_948, %dma_start3A_949] : memref<1000000x32xf32, #tpu.memory_space<hbm>> -> memref<1000000x32xf32, #tpu.memory_space<hbm>>
          tpu.enqueue_indirect_dma source(%dma_start3A_950 : memref<1000000x32xf32, #tpu.memory_space<hbm>>) target(%dma_start3A_944 : memref<64x32xf32, #tpu.memory_space<vmem>>) offsets(%dma_start3A_947 : memref<64xi32, #tpu.memory_space<vmem>>) semaphore(%arg10 : memref<!tpu.dma_semaphore, #tpu.memory_space<semaphore_mem>>)
          %dma_start3A_951 = arith.constant 14 : i32
          %dma_start3A_952 = arith.constant 896 : i32
          %dma_start3A_953 = arith.constant 0 : i32
          %dma_start3A_954 = tpu.memref_slice %arg7[%dma_start3A_952, %dma_start3A_953] : memref<1280x32xf32, #tpu.memory_space<vmem>> -> memref<64x32xf32, #tpu.memory_space<vmem>>
          %dma_start3A_955 = arith.constant 0 : i32
          %dma_start3A_956 = tpu.memref_slice %arg5[%dma_start3A_951, %dma_start3A_955] : memref<20x64xi32, #tpu.memory_space<vmem>> -> memref<1x64xi32, #tpu.memory_space<vmem>>
          %dma_start3A_957 = tpu.memref_squeeze %dma_start3A_956 : memref<1x64xi32, #tpu.memory_space<vmem>> -> memref<64xi32, #tpu.memory_space<vmem>>
          %dma_start3A_958 = arith.constant 0 : i32
          %dma_start3A_959 = arith.constant 0 : i32
          %dma_start3A_960 = tpu.memref_slice %arg3[%dma_start3A_958, %dma_start3A_959] : memref<1000000x32xf32, #tpu.memory_space<hbm>> -> memref<1000000x32xf32, #tpu.memory_space<hbm>>
          tpu.enqueue_indirect_dma source(%dma_start3A_960 : memref<1000000x32xf32, #tpu.memory_space<hbm>>) target(%dma_start3A_954 : memref<64x32xf32, #tpu.memory_space<vmem>>) offsets(%dma_start3A_957 : memref<64xi32, #tpu.memory_space<vmem>>) semaphore(%arg10 : memref<!tpu.dma_semaphore, #tpu.memory_space<semaphore_mem>>)
          %dma_start3A_961 = arith.constant 15 : i32
          %dma_start3A_962 = arith.constant 960 : i32
          %dma_start3A_963 = arith.constant 0 : i32
          %dma_start3A_964 = tpu.memref_slice %arg7[%dma_start3A_962, %dma_start3A_963] : memref<1280x32xf32, #tpu.memory_space<vmem>> -> memref<64x32xf32, #tpu.memory_space<vmem>>
          %dma_start3A_965 = arith.constant 0 : i32
          %dma_start3A_966 = tpu.memref_slice %arg5[%dma_start3A_961, %dma_start3A_965] : memref<20x64xi32, #tpu.memory_space<vmem>> -> memref<1x64xi32, #tpu.memory_space<vmem>>
          %dma_start3A_967 = tpu.memref_squeeze %dma_start3A_966 : memref<1x64xi32, #tpu.memory_space<vmem>> -> memref<64xi32, #tpu.memory_space<vmem>>
          %dma_start3A_968 = arith.constant 0 : i32
          %dma_start3A_969 = arith.constant 0 : i32
          %dma_start3A_970 = tpu.memref_slice %arg3[%dma_start3A_968, %dma_start3A_969] : memref<1000000x32xf32, #tpu.memory_space<hbm>> -> memref<1000000x32xf32, #tpu.memory_space<hbm>>
          tpu.enqueue_indirect_dma source(%dma_start3A_970 : memref<1000000x32xf32, #tpu.memory_space<hbm>>) target(%dma_start3A_964 : memref<64x32xf32, #tpu.memory_space<vmem>>) offsets(%dma_start3A_967 : memref<64xi32, #tpu.memory_space<vmem>>) semaphore(%arg10 : memref<!tpu.dma_semaphore, #tpu.memory_space<semaphore_mem>>)
          %dma_start3A_971 = arith.constant 16 : i32
          %dma_start3A_972 = arith.constant 1024 : i32
          %dma_start3A_973 = arith.constant 0 : i32
          %dma_start3A_974 = tpu.memref_slice %arg7[%dma_start3A_972, %dma_start3A_973] : memref<1280x32xf32, #tpu.memory_space<vmem>> -> memref<64x32xf32, #tpu.memory_space<vmem>>
          %dma_start3A_975 = arith.constant 0 : i32
          %dma_start3A_976 = tpu.memref_slice %arg5[%dma_start3A_971, %dma_start3A_975] : memref<20x64xi32, #tpu.memory_space<vmem>> -> memref<1x64xi32, #tpu.memory_space<vmem>>
          %dma_start3A_977 = tpu.memref_squeeze %dma_start3A_976 : memref<1x64xi32, #tpu.memory_space<vmem>> -> memref<64xi32, #tpu.memory_space<vmem>>
          %dma_start3A_978 = arith.constant 0 : i32
          %dma_start3A_979 = arith.constant 0 : i32
          %dma_start3A_980 = tpu.memref_slice %arg3[%dma_start3A_978, %dma_start3A_979] : memref<1000000x32xf32, #tpu.memory_space<hbm>> -> memref<1000000x32xf32, #tpu.memory_space<hbm>>
          tpu.enqueue_indirect_dma source(%dma_start3A_980 : memref<1000000x32xf32, #tpu.memory_space<hbm>>) target(%dma_start3A_974 : memref<64x32xf32, #tpu.memory_space<vmem>>) offsets(%dma_start3A_977 : memref<64xi32, #tpu.memory_space<vmem>>) semaphore(%arg10 : memref<!tpu.dma_semaphore, #tpu.memory_space<semaphore_mem>>)
          %dma_start3A_981 = arith.constant 17 : i32
          %dma_start3A_982 = arith.constant 1088 : i32
          %dma_start3A_983 = arith.constant 0 : i32
          %dma_start3A_984 = tpu.memref_slice %arg7[%dma_start3A_982, %dma_start3A_983] : memref<1280x32xf32, #tpu.memory_space<vmem>> -> memref<64x32xf32, #tpu.memory_space<vmem>>
          %dma_start3A_985 = arith.constant 0 : i32
          %dma_start3A_986 = tpu.memref_slice %arg5[%dma_start3A_981, %dma_start3A_985] : memref<20x64xi32, #tpu.memory_space<vmem>> -> memref<1x64xi32, #tpu.memory_space<vmem>>
          %dma_start3A_987 = tpu.memref_squeeze %dma_start3A_986 : memref<1x64xi32, #tpu.memory_space<vmem>> -> memref<64xi32, #tpu.memory_space<vmem>>
          %dma_start3A_988 = arith.constant 0 : i32
          %dma_start3A_989 = arith.constant 0 : i32
          %dma_start3A_990 = tpu.memref_slice %arg3[%dma_start3A_988, %dma_start3A_989] : memref<1000000x32xf32, #tpu.memory_space<hbm>> -> memref<1000000x32xf32, #tpu.memory_space<hbm>>
          tpu.enqueue_indirect_dma source(%dma_start3A_990 : memref<1000000x32xf32, #tpu.memory_space<hbm>>) target(%dma_start3A_984 : memref<64x32xf32, #tpu.memory_space<vmem>>) offsets(%dma_start3A_987 : memref<64xi32, #tpu.memory_space<vmem>>) semaphore(%arg10 : memref<!tpu.dma_semaphore, #tpu.memory_space<semaphore_mem>>)
          %dma_start3A_991 = arith.constant 18 : i32
          %dma_start3A_992 = arith.constant 1152 : i32
          %dma_start3A_993 = arith.constant 0 : i32
          %dma_start3A_994 = tpu.memref_slice %arg7[%dma_start3A_992, %dma_start3A_993] : memref<1280x32xf32, #tpu.memory_space<vmem>> -> memref<64x32xf32, #tpu.memory_space<vmem>>
          %dma_start3A_995 = arith.constant 0 : i32
          %dma_start3A_996 = tpu.memref_slice %arg5[%dma_start3A_991, %dma_start3A_995] : memref<20x64xi32, #tpu.memory_space<vmem>> -> memref<1x64xi32, #tpu.memory_space<vmem>>
          %dma_start3A_997 = tpu.memref_squeeze %dma_start3A_996 : memref<1x64xi32, #tpu.memory_space<vmem>> -> memref<64xi32, #tpu.memory_space<vmem>>
          %dma_start3A_998 = arith.constant 0 : i32
          %dma_start3A_999 = arith.constant 0 : i32
          %dma_start3A_1000 = tpu.memref_slice %arg3[%dma_start3A_998, %dma_start3A_999] : memref<1000000x32xf32, #tpu.memory_space<hbm>> -> memref<1000000x32xf32, #tpu.memory_space<hbm>>
          tpu.enqueue_indirect_dma source(%dma_start3A_1000 : memref<1000000x32xf32, #tpu.memory_space<hbm>>) target(%dma_start3A_994 : memref<64x32xf32, #tpu.memory_space<vmem>>) offsets(%dma_start3A_997 : memref<64xi32, #tpu.memory_space<vmem>>) semaphore(%arg10 : memref<!tpu.dma_semaphore, #tpu.memory_space<semaphore_mem>>)
          %dma_start3A_1001 = arith.constant 19 : i32
          %dma_start3A_1002 = arith.constant 1216 : i32
          %dma_start3A_1003 = arith.constant 0 : i32
          %dma_start3A_1004 = tpu.memref_slice %arg7[%dma_start3A_1002, %dma_start3A_1003] : memref<1280x32xf32, #tpu.memory_space<vmem>> -> memref<64x32xf32, #tpu.memory_space<vmem>>
          %dma_start3A_1005 = arith.constant 0 : i32
          %dma_start3A_1006 = tpu.memref_slice %arg5[%dma_start3A_1001, %dma_start3A_1005] : memref<20x64xi32, #tpu.memory_space<vmem>> -> memref<1x64xi32, #tpu.memory_space<vmem>>
          %dma_start3A_1007 = tpu.memref_squeeze %dma_start3A_1006 : memref<1x64xi32, #tpu.memory_space<vmem>> -> memref<64xi32, #tpu.memory_space<vmem>>
          %dma_start3A_1008 = arith.constant 0 : i32
          %dma_start3A_1009 = arith.constant 0 : i32
          %dma_start3A_1010 = tpu.memref_slice %arg3[%dma_start3A_1008, %dma_start3A_1009] : memref<1000000x32xf32, #tpu.memory_space<hbm>> -> memref<1000000x32xf32, #tpu.memory_space<hbm>>
          tpu.enqueue_indirect_dma source(%dma_start3A_1010 : memref<1000000x32xf32, #tpu.memory_space<hbm>>) target(%dma_start3A_1004 : memref<64x32xf32, #tpu.memory_space<vmem>>) offsets(%dma_start3A_1007 : memref<64xi32, #tpu.memory_space<vmem>>) semaphore(%arg10 : memref<!tpu.dma_semaphore, #tpu.memory_space<semaphore_mem>>)
        } else {
        }
        %add3A_512 = arith.addi %mul3A_2, %mul3A_244 : i32
        %add3A_513 = arith.constant 1 : i32
        %add3A_514 = arith.addi %add3A_512, %add3A_513 : i32
        %dma_wait3A_515 = arith.constant 0 : i32
        %dma_wait3A_516 = arith.constant 0 : i32
        %dma_wait3A_517 = arith.constant 0 : i32
        %dma_wait3A_518 = tpu.memref_slice %arg8[%dma_wait3A_516, %dma_wait3A_517] : memref<1280x32xf32, #tpu.memory_space<vmem>> -> memref<64x32xf32, #tpu.memory_space<vmem>>
        %dma_wait3A_519 = arith.constant 0 : i32
        %dma_wait3A_520 = tpu.memref_slice %arg6[%dma_wait3A_515, %dma_wait3A_519] : memref<20x64xi32, #tpu.memory_space<vmem>> -> memref<1x64xi32, #tpu.memory_space<vmem>>
        %dma_wait3A_521 = tpu.memref_squeeze %dma_wait3A_520 : memref<1x64xi32, #tpu.memory_space<vmem>> -> memref<64xi32, #tpu.memory_space<vmem>>
        %dma_wait3A_522 = arith.constant 0 : i32
        %dma_wait3A_523 = arith.constant 0 : i32
        %dma_wait3A_524 = tpu.memref_slice %arg3[%dma_wait3A_522, %dma_wait3A_523] : memref<1000000x32xf32, #tpu.memory_space<hbm>> -> memref<1000000x32xf32, #tpu.memory_space<hbm>>
        tpu.wait_indirect_dma semaphore(%arg11 : memref<!tpu.dma_semaphore, #tpu.memory_space<semaphore_mem>>) src(%dma_wait3A_524 : memref<1000000x32xf32, #tpu.memory_space<hbm>>) dst(%dma_wait3A_518 : memref<64x32xf32, #tpu.memory_space<vmem>>)
        %dma_wait3A_525 = arith.constant 1 : i32
        %dma_wait3A_526 = arith.constant 64 : i32
        %dma_wait3A_527 = arith.constant 0 : i32
        %dma_wait3A_528 = tpu.memref_slice %arg8[%dma_wait3A_526, %dma_wait3A_527] : memref<1280x32xf32, #tpu.memory_space<vmem>> -> memref<64x32xf32, #tpu.memory_space<vmem>>
        %dma_wait3A_529 = arith.constant 0 : i32
        %dma_wait3A_530 = tpu.memref_slice %arg6[%dma_wait3A_525, %dma_wait3A_529] : memref<20x64xi32, #tpu.memory_space<vmem>> -> memref<1x64xi32, #tpu.memory_space<vmem>>
        %dma_wait3A_531 = tpu.memref_squeeze %dma_wait3A_530 : memref<1x64xi32, #tpu.memory_space<vmem>> -> memref<64xi32, #tpu.memory_space<vmem>>
        %dma_wait3A_532 = arith.constant 0 : i32
        %dma_wait3A_533 = arith.constant 0 : i32
        %dma_wait3A_534 = tpu.memref_slice %arg3[%dma_wait3A_532, %dma_wait3A_533] : memref<1000000x32xf32, #tpu.memory_space<hbm>> -> memref<1000000x32xf32, #tpu.memory_space<hbm>>
        tpu.wait_indirect_dma semaphore(%arg11 : memref<!tpu.dma_semaphore, #tpu.memory_space<semaphore_mem>>) src(%dma_wait3A_534 : memref<1000000x32xf32, #tpu.memory_space<hbm>>) dst(%dma_wait3A_528 : memref<64x32xf32, #tpu.memory_space<vmem>>)
        %dma_wait3A_535 = arith.constant 2 : i32
        %dma_wait3A_536 = arith.constant 128 : i32
        %dma_wait3A_537 = arith.constant 0 : i32
        %dma_wait3A_538 = tpu.memref_slice %arg8[%dma_wait3A_536, %dma_wait3A_537] : memref<1280x32xf32, #tpu.memory_space<vmem>> -> memref<64x32xf32, #tpu.memory_space<vmem>>
        %dma_wait3A_539 = arith.constant 0 : i32
        %dma_wait3A_540 = tpu.memref_slice %arg6[%dma_wait3A_535, %dma_wait3A_539] : memref<20x64xi32, #tpu.memory_space<vmem>> -> memref<1x64xi32, #tpu.memory_space<vmem>>
        %dma_wait3A_541 = tpu.memref_squeeze %dma_wait3A_540 : memref<1x64xi32, #tpu.memory_space<vmem>> -> memref<64xi32, #tpu.memory_space<vmem>>
        %dma_wait3A_542 = arith.constant 0 : i32
        %dma_wait3A_543 = arith.constant 0 : i32
        %dma_wait3A_544 = tpu.memref_slice %arg3[%dma_wait3A_542, %dma_wait3A_543] : memref<1000000x32xf32, #tpu.memory_space<hbm>> -> memref<1000000x32xf32, #tpu.memory_space<hbm>>
        tpu.wait_indirect_dma semaphore(%arg11 : memref<!tpu.dma_semaphore, #tpu.memory_space<semaphore_mem>>) src(%dma_wait3A_544 : memref<1000000x32xf32, #tpu.memory_space<hbm>>) dst(%dma_wait3A_538 : memref<64x32xf32, #tpu.memory_space<vmem>>)
        %dma_wait3A_545 = arith.constant 3 : i32
        %dma_wait3A_546 = arith.constant 192 : i32
        %dma_wait3A_547 = arith.constant 0 : i32
        %dma_wait3A_548 = tpu.memref_slice %arg8[%dma_wait3A_546, %dma_wait3A_547] : memref<1280x32xf32, #tpu.memory_space<vmem>> -> memref<64x32xf32, #tpu.memory_space<vmem>>
        %dma_wait3A_549 = arith.constant 0 : i32
        %dma_wait3A_550 = tpu.memref_slice %arg6[%dma_wait3A_545, %dma_wait3A_549] : memref<20x64xi32, #tpu.memory_space<vmem>> -> memref<1x64xi32, #tpu.memory_space<vmem>>
        %dma_wait3A_551 = tpu.memref_squeeze %dma_wait3A_550 : memref<1x64xi32, #tpu.memory_space<vmem>> -> memref<64xi32, #tpu.memory_space<vmem>>
        %dma_wait3A_552 = arith.constant 0 : i32
        %dma_wait3A_553 = arith.constant 0 : i32
        %dma_wait3A_554 = tpu.memref_slice %arg3[%dma_wait3A_552, %dma_wait3A_553] : memref<1000000x32xf32, #tpu.memory_space<hbm>> -> memref<1000000x32xf32, #tpu.memory_space<hbm>>
        tpu.wait_indirect_dma semaphore(%arg11 : memref<!tpu.dma_semaphore, #tpu.memory_space<semaphore_mem>>) src(%dma_wait3A_554 : memref<1000000x32xf32, #tpu.memory_space<hbm>>) dst(%dma_wait3A_548 : memref<64x32xf32, #tpu.memory_space<vmem>>)
        %dma_wait3A_555 = arith.constant 4 : i32
        %dma_wait3A_556 = arith.constant 256 : i32
        %dma_wait3A_557 = arith.constant 0 : i32
        %dma_wait3A_558 = tpu.memref_slice %arg8[%dma_wait3A_556, %dma_wait3A_557] : memref<1280x32xf32, #tpu.memory_space<vmem>> -> memref<64x32xf32, #tpu.memory_space<vmem>>
        %dma_wait3A_559 = arith.constant 0 : i32
        %dma_wait3A_560 = tpu.memref_slice %arg6[%dma_wait3A_555, %dma_wait3A_559] : memref<20x64xi32, #tpu.memory_space<vmem>> -> memref<1x64xi32, #tpu.memory_space<vmem>>
        %dma_wait3A_561 = tpu.memref_squeeze %dma_wait3A_560 : memref<1x64xi32, #tpu.memory_space<vmem>> -> memref<64xi32, #tpu.memory_space<vmem>>
        %dma_wait3A_562 = arith.constant 0 : i32
        %dma_wait3A_563 = arith.constant 0 : i32
        %dma_wait3A_564 = tpu.memref_slice %arg3[%dma_wait3A_562, %dma_wait3A_563] : memref<1000000x32xf32, #tpu.memory_space<hbm>> -> memref<1000000x32xf32, #tpu.memory_space<hbm>>
        tpu.wait_indirect_dma semaphore(%arg11 : memref<!tpu.dma_semaphore, #tpu.memory_space<semaphore_mem>>) src(%dma_wait3A_564 : memref<1000000x32xf32, #tpu.memory_space<hbm>>) dst(%dma_wait3A_558 : memref<64x32xf32, #tpu.memory_space<vmem>>)
        %dma_wait3A_565 = arith.constant 5 : i32
        %dma_wait3A_566 = arith.constant 320 : i32
        %dma_wait3A_567 = arith.constant 0 : i32
        %dma_wait3A_568 = tpu.memref_slice %arg8[%dma_wait3A_566, %dma_wait3A_567] : memref<1280x32xf32, #tpu.memory_space<vmem>> -> memref<64x32xf32, #tpu.memory_space<vmem>>
        %dma_wait3A_569 = arith.constant 0 : i32
        %dma_wait3A_570 = tpu.memref_slice %arg6[%dma_wait3A_565, %dma_wait3A_569] : memref<20x64xi32, #tpu.memory_space<vmem>> -> memref<1x64xi32, #tpu.memory_space<vmem>>
        %dma_wait3A_571 = tpu.memref_squeeze %dma_wait3A_570 : memref<1x64xi32, #tpu.memory_space<vmem>> -> memref<64xi32, #tpu.memory_space<vmem>>
        %dma_wait3A_572 = arith.constant 0 : i32
        %dma_wait3A_573 = arith.constant 0 : i32
        %dma_wait3A_574 = tpu.memref_slice %arg3[%dma_wait3A_572, %dma_wait3A_573] : memref<1000000x32xf32, #tpu.memory_space<hbm>> -> memref<1000000x32xf32, #tpu.memory_space<hbm>>
        tpu.wait_indirect_dma semaphore(%arg11 : memref<!tpu.dma_semaphore, #tpu.memory_space<semaphore_mem>>) src(%dma_wait3A_574 : memref<1000000x32xf32, #tpu.memory_space<hbm>>) dst(%dma_wait3A_568 : memref<64x32xf32, #tpu.memory_space<vmem>>)
        %dma_wait3A_575 = arith.constant 6 : i32
        %dma_wait3A_576 = arith.constant 384 : i32
        %dma_wait3A_577 = arith.constant 0 : i32
        %dma_wait3A_578 = tpu.memref_slice %arg8[%dma_wait3A_576, %dma_wait3A_577] : memref<1280x32xf32, #tpu.memory_space<vmem>> -> memref<64x32xf32, #tpu.memory_space<vmem>>
        %dma_wait3A_579 = arith.constant 0 : i32
        %dma_wait3A_580 = tpu.memref_slice %arg6[%dma_wait3A_575, %dma_wait3A_579] : memref<20x64xi32, #tpu.memory_space<vmem>> -> memref<1x64xi32, #tpu.memory_space<vmem>>
        %dma_wait3A_581 = tpu.memref_squeeze %dma_wait3A_580 : memref<1x64xi32, #tpu.memory_space<vmem>> -> memref<64xi32, #tpu.memory_space<vmem>>
        %dma_wait3A_582 = arith.constant 0 : i32
        %dma_wait3A_583 = arith.constant 0 : i32
        %dma_wait3A_584 = tpu.memref_slice %arg3[%dma_wait3A_582, %dma_wait3A_583] : memref<1000000x32xf32, #tpu.memory_space<hbm>> -> memref<1000000x32xf32, #tpu.memory_space<hbm>>
        tpu.wait_indirect_dma semaphore(%arg11 : memref<!tpu.dma_semaphore, #tpu.memory_space<semaphore_mem>>) src(%dma_wait3A_584 : memref<1000000x32xf32, #tpu.memory_space<hbm>>) dst(%dma_wait3A_578 : memref<64x32xf32, #tpu.memory_space<vmem>>)
        %dma_wait3A_585 = arith.constant 7 : i32
        %dma_wait3A_586 = arith.constant 448 : i32
        %dma_wait3A_587 = arith.constant 0 : i32
        %dma_wait3A_588 = tpu.memref_slice %arg8[%dma_wait3A_586, %dma_wait3A_587] : memref<1280x32xf32, #tpu.memory_space<vmem>> -> memref<64x32xf32, #tpu.memory_space<vmem>>
        %dma_wait3A_589 = arith.constant 0 : i32
        %dma_wait3A_590 = tpu.memref_slice %arg6[%dma_wait3A_585, %dma_wait3A_589] : memref<20x64xi32, #tpu.memory_space<vmem>> -> memref<1x64xi32, #tpu.memory_space<vmem>>
        %dma_wait3A_591 = tpu.memref_squeeze %dma_wait3A_590 : memref<1x64xi32, #tpu.memory_space<vmem>> -> memref<64xi32, #tpu.memory_space<vmem>>
        %dma_wait3A_592 = arith.constant 0 : i32
        %dma_wait3A_593 = arith.constant 0 : i32
        %dma_wait3A_594 = tpu.memref_slice %arg3[%dma_wait3A_592, %dma_wait3A_593] : memref<1000000x32xf32, #tpu.memory_space<hbm>> -> memref<1000000x32xf32, #tpu.memory_space<hbm>>
        tpu.wait_indirect_dma semaphore(%arg11 : memref<!tpu.dma_semaphore, #tpu.memory_space<semaphore_mem>>) src(%dma_wait3A_594 : memref<1000000x32xf32, #tpu.memory_space<hbm>>) dst(%dma_wait3A_588 : memref<64x32xf32, #tpu.memory_space<vmem>>)
        %dma_wait3A_595 = arith.constant 8 : i32
        %dma_wait3A_596 = arith.constant 512 : i32
        %dma_wait3A_597 = arith.constant 0 : i32
        %dma_wait3A_598 = tpu.memref_slice %arg8[%dma_wait3A_596, %dma_wait3A_597] : memref<1280x32xf32, #tpu.memory_space<vmem>> -> memref<64x32xf32, #tpu.memory_space<vmem>>
        %dma_wait3A_599 = arith.constant 0 : i32
        %dma_wait3A_600 = tpu.memref_slice %arg6[%dma_wait3A_595, %dma_wait3A_599] : memref<20x64xi32, #tpu.memory_space<vmem>> -> memref<1x64xi32, #tpu.memory_space<vmem>>
        %dma_wait3A_601 = tpu.memref_squeeze %dma_wait3A_600 : memref<1x64xi32, #tpu.memory_space<vmem>> -> memref<64xi32, #tpu.memory_space<vmem>>
        %dma_wait3A_602 = arith.constant 0 : i32
        %dma_wait3A_603 = arith.constant 0 : i32
        %dma_wait3A_604 = tpu.memref_slice %arg3[%dma_wait3A_602, %dma_wait3A_603] : memref<1000000x32xf32, #tpu.memory_space<hbm>> -> memref<1000000x32xf32, #tpu.memory_space<hbm>>
        tpu.wait_indirect_dma semaphore(%arg11 : memref<!tpu.dma_semaphore, #tpu.memory_space<semaphore_mem>>) src(%dma_wait3A_604 : memref<1000000x32xf32, #tpu.memory_space<hbm>>) dst(%dma_wait3A_598 : memref<64x32xf32, #tpu.memory_space<vmem>>)
        %dma_wait3A_605 = arith.constant 9 : i32
        %dma_wait3A_606 = arith.constant 576 : i32
        %dma_wait3A_607 = arith.constant 0 : i32
        %dma_wait3A_608 = tpu.memref_slice %arg8[%dma_wait3A_606, %dma_wait3A_607] : memref<1280x32xf32, #tpu.memory_space<vmem>> -> memref<64x32xf32, #tpu.memory_space<vmem>>
        %dma_wait3A_609 = arith.constant 0 : i32
        %dma_wait3A_610 = tpu.memref_slice %arg6[%dma_wait3A_605, %dma_wait3A_609] : memref<20x64xi32, #tpu.memory_space<vmem>> -> memref<1x64xi32, #tpu.memory_space<vmem>>
        %dma_wait3A_611 = tpu.memref_squeeze %dma_wait3A_610 : memref<1x64xi32, #tpu.memory_space<vmem>> -> memref<64xi32, #tpu.memory_space<vmem>>
        %dma_wait3A_612 = arith.constant 0 : i32
        %dma_wait3A_613 = arith.constant 0 : i32
        %dma_wait3A_614 = tpu.memref_slice %arg3[%dma_wait3A_612, %dma_wait3A_613] : memref<1000000x32xf32, #tpu.memory_space<hbm>> -> memref<1000000x32xf32, #tpu.memory_space<hbm>>
        tpu.wait_indirect_dma semaphore(%arg11 : memref<!tpu.dma_semaphore, #tpu.memory_space<semaphore_mem>>) src(%dma_wait3A_614 : memref<1000000x32xf32, #tpu.memory_space<hbm>>) dst(%dma_wait3A_608 : memref<64x32xf32, #tpu.memory_space<vmem>>)
        %dma_wait3A_615 = arith.constant 10 : i32
        %dma_wait3A_616 = arith.constant 640 : i32
        %dma_wait3A_617 = arith.constant 0 : i32
        %dma_wait3A_618 = tpu.memref_slice %arg8[%dma_wait3A_616, %dma_wait3A_617] : memref<1280x32xf32, #tpu.memory_space<vmem>> -> memref<64x32xf32, #tpu.memory_space<vmem>>
        %dma_wait3A_619 = arith.constant 0 : i32
        %dma_wait3A_620 = tpu.memref_slice %arg6[%dma_wait3A_615, %dma_wait3A_619] : memref<20x64xi32, #tpu.memory_space<vmem>> -> memref<1x64xi32, #tpu.memory_space<vmem>>
        %dma_wait3A_621 = tpu.memref_squeeze %dma_wait3A_620 : memref<1x64xi32, #tpu.memory_space<vmem>> -> memref<64xi32, #tpu.memory_space<vmem>>
        %dma_wait3A_622 = arith.constant 0 : i32
        %dma_wait3A_623 = arith.constant 0 : i32
        %dma_wait3A_624 = tpu.memref_slice %arg3[%dma_wait3A_622, %dma_wait3A_623] : memref<1000000x32xf32, #tpu.memory_space<hbm>> -> memref<1000000x32xf32, #tpu.memory_space<hbm>>
        tpu.wait_indirect_dma semaphore(%arg11 : memref<!tpu.dma_semaphore, #tpu.memory_space<semaphore_mem>>) src(%dma_wait3A_624 : memref<1000000x32xf32, #tpu.memory_space<hbm>>) dst(%dma_wait3A_618 : memref<64x32xf32, #tpu.memory_space<vmem>>)
        %dma_wait3A_625 = arith.constant 11 : i32
        %dma_wait3A_626 = arith.constant 704 : i32
        %dma_wait3A_627 = arith.constant 0 : i32
        %dma_wait3A_628 = tpu.memref_slice %arg8[%dma_wait3A_626, %dma_wait3A_627] : memref<1280x32xf32, #tpu.memory_space<vmem>> -> memref<64x32xf32, #tpu.memory_space<vmem>>
        %dma_wait3A_629 = arith.constant 0 : i32
        %dma_wait3A_630 = tpu.memref_slice %arg6[%dma_wait3A_625, %dma_wait3A_629] : memref<20x64xi32, #tpu.memory_space<vmem>> -> memref<1x64xi32, #tpu.memory_space<vmem>>
        %dma_wait3A_631 = tpu.memref_squeeze %dma_wait3A_630 : memref<1x64xi32, #tpu.memory_space<vmem>> -> memref<64xi32, #tpu.memory_space<vmem>>
        %dma_wait3A_632 = arith.constant 0 : i32
        %dma_wait3A_633 = arith.constant 0 : i32
        %dma_wait3A_634 = tpu.memref_slice %arg3[%dma_wait3A_632, %dma_wait3A_633] : memref<1000000x32xf32, #tpu.memory_space<hbm>> -> memref<1000000x32xf32, #tpu.memory_space<hbm>>
        tpu.wait_indirect_dma semaphore(%arg11 : memref<!tpu.dma_semaphore, #tpu.memory_space<semaphore_mem>>) src(%dma_wait3A_634 : memref<1000000x32xf32, #tpu.memory_space<hbm>>) dst(%dma_wait3A_628 : memref<64x32xf32, #tpu.memory_space<vmem>>)
        %dma_wait3A_635 = arith.constant 12 : i32
        %dma_wait3A_636 = arith.constant 768 : i32
        %dma_wait3A_637 = arith.constant 0 : i32
        %dma_wait3A_638 = tpu.memref_slice %arg8[%dma_wait3A_636, %dma_wait3A_637] : memref<1280x32xf32, #tpu.memory_space<vmem>> -> memref<64x32xf32, #tpu.memory_space<vmem>>
        %dma_wait3A_639 = arith.constant 0 : i32
        %dma_wait3A_640 = tpu.memref_slice %arg6[%dma_wait3A_635, %dma_wait3A_639] : memref<20x64xi32, #tpu.memory_space<vmem>> -> memref<1x64xi32, #tpu.memory_space<vmem>>
        %dma_wait3A_641 = tpu.memref_squeeze %dma_wait3A_640 : memref<1x64xi32, #tpu.memory_space<vmem>> -> memref<64xi32, #tpu.memory_space<vmem>>
        %dma_wait3A_642 = arith.constant 0 : i32
        %dma_wait3A_643 = arith.constant 0 : i32
        %dma_wait3A_644 = tpu.memref_slice %arg3[%dma_wait3A_642, %dma_wait3A_643] : memref<1000000x32xf32, #tpu.memory_space<hbm>> -> memref<1000000x32xf32, #tpu.memory_space<hbm>>
        tpu.wait_indirect_dma semaphore(%arg11 : memref<!tpu.dma_semaphore, #tpu.memory_space<semaphore_mem>>) src(%dma_wait3A_644 : memref<1000000x32xf32, #tpu.memory_space<hbm>>) dst(%dma_wait3A_638 : memref<64x32xf32, #tpu.memory_space<vmem>>)
        %dma_wait3A_645 = arith.constant 13 : i32
        %dma_wait3A_646 = arith.constant 832 : i32
        %dma_wait3A_647 = arith.constant 0 : i32
        %dma_wait3A_648 = tpu.memref_slice %arg8[%dma_wait3A_646, %dma_wait3A_647] : memref<1280x32xf32, #tpu.memory_space<vmem>> -> memref<64x32xf32, #tpu.memory_space<vmem>>
        %dma_wait3A_649 = arith.constant 0 : i32
        %dma_wait3A_650 = tpu.memref_slice %arg6[%dma_wait3A_645, %dma_wait3A_649] : memref<20x64xi32, #tpu.memory_space<vmem>> -> memref<1x64xi32, #tpu.memory_space<vmem>>
        %dma_wait3A_651 = tpu.memref_squeeze %dma_wait3A_650 : memref<1x64xi32, #tpu.memory_space<vmem>> -> memref<64xi32, #tpu.memory_space<vmem>>
        %dma_wait3A_652 = arith.constant 0 : i32
        %dma_wait3A_653 = arith.constant 0 : i32
        %dma_wait3A_654 = tpu.memref_slice %arg3[%dma_wait3A_652, %dma_wait3A_653] : memref<1000000x32xf32, #tpu.memory_space<hbm>> -> memref<1000000x32xf32, #tpu.memory_space<hbm>>
        tpu.wait_indirect_dma semaphore(%arg11 : memref<!tpu.dma_semaphore, #tpu.memory_space<semaphore_mem>>) src(%dma_wait3A_654 : memref<1000000x32xf32, #tpu.memory_space<hbm>>) dst(%dma_wait3A_648 : memref<64x32xf32, #tpu.memory_space<vmem>>)
        %dma_wait3A_655 = arith.constant 14 : i32
        %dma_wait3A_656 = arith.constant 896 : i32
        %dma_wait3A_657 = arith.constant 0 : i32
        %dma_wait3A_658 = tpu.memref_slice %arg8[%dma_wait3A_656, %dma_wait3A_657] : memref<1280x32xf32, #tpu.memory_space<vmem>> -> memref<64x32xf32, #tpu.memory_space<vmem>>
        %dma_wait3A_659 = arith.constant 0 : i32
        %dma_wait3A_660 = tpu.memref_slice %arg6[%dma_wait3A_655, %dma_wait3A_659] : memref<20x64xi32, #tpu.memory_space<vmem>> -> memref<1x64xi32, #tpu.memory_space<vmem>>
        %dma_wait3A_661 = tpu.memref_squeeze %dma_wait3A_660 : memref<1x64xi32, #tpu.memory_space<vmem>> -> memref<64xi32, #tpu.memory_space<vmem>>
        %dma_wait3A_662 = arith.constant 0 : i32
        %dma_wait3A_663 = arith.constant 0 : i32
        %dma_wait3A_664 = tpu.memref_slice %arg3[%dma_wait3A_662, %dma_wait3A_663] : memref<1000000x32xf32, #tpu.memory_space<hbm>> -> memref<1000000x32xf32, #tpu.memory_space<hbm>>
        tpu.wait_indirect_dma semaphore(%arg11 : memref<!tpu.dma_semaphore, #tpu.memory_space<semaphore_mem>>) src(%dma_wait3A_664 : memref<1000000x32xf32, #tpu.memory_space<hbm>>) dst(%dma_wait3A_658 : memref<64x32xf32, #tpu.memory_space<vmem>>)
        %dma_wait3A_665 = arith.constant 15 : i32
        %dma_wait3A_666 = arith.constant 960 : i32
        %dma_wait3A_667 = arith.constant 0 : i32
        %dma_wait3A_668 = tpu.memref_slice %arg8[%dma_wait3A_666, %dma_wait3A_667] : memref<1280x32xf32, #tpu.memory_space<vmem>> -> memref<64x32xf32, #tpu.memory_space<vmem>>
        %dma_wait3A_669 = arith.constant 0 : i32
        %dma_wait3A_670 = tpu.memref_slice %arg6[%dma_wait3A_665, %dma_wait3A_669] : memref<20x64xi32, #tpu.memory_space<vmem>> -> memref<1x64xi32, #tpu.memory_space<vmem>>
        %dma_wait3A_671 = tpu.memref_squeeze %dma_wait3A_670 : memref<1x64xi32, #tpu.memory_space<vmem>> -> memref<64xi32, #tpu.memory_space<vmem>>
        %dma_wait3A_672 = arith.constant 0 : i32
        %dma_wait3A_673 = arith.constant 0 : i32
        %dma_wait3A_674 = tpu.memref_slice %arg3[%dma_wait3A_672, %dma_wait3A_673] : memref<1000000x32xf32, #tpu.memory_space<hbm>> -> memref<1000000x32xf32, #tpu.memory_space<hbm>>
        tpu.wait_indirect_dma semaphore(%arg11 : memref<!tpu.dma_semaphore, #tpu.memory_space<semaphore_mem>>) src(%dma_wait3A_674 : memref<1000000x32xf32, #tpu.memory_space<hbm>>) dst(%dma_wait3A_668 : memref<64x32xf32, #tpu.memory_space<vmem>>)
        %dma_wait3A_675 = arith.constant 16 : i32
        %dma_wait3A_676 = arith.constant 1024 : i32
        %dma_wait3A_677 = arith.constant 0 : i32
        %dma_wait3A_678 = tpu.memref_slice %arg8[%dma_wait3A_676, %dma_wait3A_677] : memref<1280x32xf32, #tpu.memory_space<vmem>> -> memref<64x32xf32, #tpu.memory_space<vmem>>
        %dma_wait3A_679 = arith.constant 0 : i32
        %dma_wait3A_680 = tpu.memref_slice %arg6[%dma_wait3A_675, %dma_wait3A_679] : memref<20x64xi32, #tpu.memory_space<vmem>> -> memref<1x64xi32, #tpu.memory_space<vmem>>
        %dma_wait3A_681 = tpu.memref_squeeze %dma_wait3A_680 : memref<1x64xi32, #tpu.memory_space<vmem>> -> memref<64xi32, #tpu.memory_space<vmem>>
        %dma_wait3A_682 = arith.constant 0 : i32
        %dma_wait3A_683 = arith.constant 0 : i32
        %dma_wait3A_684 = tpu.memref_slice %arg3[%dma_wait3A_682, %dma_wait3A_683] : memref<1000000x32xf32, #tpu.memory_space<hbm>> -> memref<1000000x32xf32, #tpu.memory_space<hbm>>
        tpu.wait_indirect_dma semaphore(%arg11 : memref<!tpu.dma_semaphore, #tpu.memory_space<semaphore_mem>>) src(%dma_wait3A_684 : memref<1000000x32xf32, #tpu.memory_space<hbm>>) dst(%dma_wait3A_678 : memref<64x32xf32, #tpu.memory_space<vmem>>)
        %dma_wait3A_685 = arith.constant 17 : i32
        %dma_wait3A_686 = arith.constant 1088 : i32
        %dma_wait3A_687 = arith.constant 0 : i32
        %dma_wait3A_688 = tpu.memref_slice %arg8[%dma_wait3A_686, %dma_wait3A_687] : memref<1280x32xf32, #tpu.memory_space<vmem>> -> memref<64x32xf32, #tpu.memory_space<vmem>>
        %dma_wait3A_689 = arith.constant 0 : i32
        %dma_wait3A_690 = tpu.memref_slice %arg6[%dma_wait3A_685, %dma_wait3A_689] : memref<20x64xi32, #tpu.memory_space<vmem>> -> memref<1x64xi32, #tpu.memory_space<vmem>>
        %dma_wait3A_691 = tpu.memref_squeeze %dma_wait3A_690 : memref<1x64xi32, #tpu.memory_space<vmem>> -> memref<64xi32, #tpu.memory_space<vmem>>
        %dma_wait3A_692 = arith.constant 0 : i32
        %dma_wait3A_693 = arith.constant 0 : i32
        %dma_wait3A_694 = tpu.memref_slice %arg3[%dma_wait3A_692, %dma_wait3A_693] : memref<1000000x32xf32, #tpu.memory_space<hbm>> -> memref<1000000x32xf32, #tpu.memory_space<hbm>>
        tpu.wait_indirect_dma semaphore(%arg11 : memref<!tpu.dma_semaphore, #tpu.memory_space<semaphore_mem>>) src(%dma_wait3A_694 : memref<1000000x32xf32, #tpu.memory_space<hbm>>) dst(%dma_wait3A_688 : memref<64x32xf32, #tpu.memory_space<vmem>>)
        %dma_wait3A_695 = arith.constant 18 : i32
        %dma_wait3A_696 = arith.constant 1152 : i32
        %dma_wait3A_697 = arith.constant 0 : i32
        %dma_wait3A_698 = tpu.memref_slice %arg8[%dma_wait3A_696, %dma_wait3A_697] : memref<1280x32xf32, #tpu.memory_space<vmem>> -> memref<64x32xf32, #tpu.memory_space<vmem>>
        %dma_wait3A_699 = arith.constant 0 : i32
        %dma_wait3A_700 = tpu.memref_slice %arg6[%dma_wait3A_695, %dma_wait3A_699] : memref<20x64xi32, #tpu.memory_space<vmem>> -> memref<1x64xi32, #tpu.memory_space<vmem>>
        %dma_wait3A_701 = tpu.memref_squeeze %dma_wait3A_700 : memref<1x64xi32, #tpu.memory_space<vmem>> -> memref<64xi32, #tpu.memory_space<vmem>>
        %dma_wait3A_702 = arith.constant 0 : i32
        %dma_wait3A_703 = arith.constant 0 : i32
        %dma_wait3A_704 = tpu.memref_slice %arg3[%dma_wait3A_702, %dma_wait3A_703] : memref<1000000x32xf32, #tpu.memory_space<hbm>> -> memref<1000000x32xf32, #tpu.memory_space<hbm>>
        tpu.wait_indirect_dma semaphore(%arg11 : memref<!tpu.dma_semaphore, #tpu.memory_space<semaphore_mem>>) src(%dma_wait3A_704 : memref<1000000x32xf32, #tpu.memory_space<hbm>>) dst(%dma_wait3A_698 : memref<64x32xf32, #tpu.memory_space<vmem>>)
        %dma_wait3A_705 = arith.constant 19 : i32
        %dma_wait3A_706 = arith.constant 1216 : i32
        %dma_wait3A_707 = arith.constant 0 : i32
        %dma_wait3A_708 = tpu.memref_slice %arg8[%dma_wait3A_706, %dma_wait3A_707] : memref<1280x32xf32, #tpu.memory_space<vmem>> -> memref<64x32xf32, #tpu.memory_space<vmem>>
        %dma_wait3A_709 = arith.constant 0 : i32
        %dma_wait3A_710 = tpu.memref_slice %arg6[%dma_wait3A_705, %dma_wait3A_709] : memref<20x64xi32, #tpu.memory_space<vmem>> -> memref<1x64xi32, #tpu.memory_space<vmem>>
        %dma_wait3A_711 = tpu.memref_squeeze %dma_wait3A_710 : memref<1x64xi32, #tpu.memory_space<vmem>> -> memref<64xi32, #tpu.memory_space<vmem>>
        %dma_wait3A_712 = arith.constant 0 : i32
        %dma_wait3A_713 = arith.constant 0 : i32
        %dma_wait3A_714 = tpu.memref_slice %arg3[%dma_wait3A_712, %dma_wait3A_713] : memref<1000000x32xf32, #tpu.memory_space<hbm>> -> memref<1000000x32xf32, #tpu.memory_space<hbm>>
        tpu.wait_indirect_dma semaphore(%arg11 : memref<!tpu.dma_semaphore, #tpu.memory_space<semaphore_mem>>) src(%dma_wait3A_714 : memref<1000000x32xf32, #tpu.memory_space<hbm>>) dst(%dma_wait3A_708 : memref<64x32xf32, #tpu.memory_space<vmem>>)
        %scan3A_715 = arith.constant 0 : i32
        %scan3A_716 = arith.constant 0 : i32
        %scan3A_717 = arith.constant 64 : i32
        %scan3A_718 = arith.addi %scan3A_716, %scan3A_717 : i32
        %scan3A_719 = arith.constant 2 : i32
        scf.for %scan3A_763 = %scan3A_716 to %scan3A_718 step %scan3A_719  : i32 {
          %get3A = arith.index_cast %scan3A_763 : i32 to index
          %get3A_764 = arith.constant 0 : index
          %get3A_765 = tpu.vector_load %arg8[%get3A, %get3A_764] {strides = array<i32>} : memref<1280x32xf32, #tpu.memory_space<vmem>>, vector<16xf32>,
          %get3A_766 = arith.index_cast %scan3A_763 : i32 to index
          %get3A_767 = arith.constant 16 : index
          %get3A_768 = tpu.vector_load %arg8[%get3A_766, %get3A_767] {strides = array<i32>} : memref<1280x32xf32, #tpu.memory_space<vmem>>, vector<16xf32>,
          %add3A_769 = arith.constant 64 : i32
          %add3A_770 = arith.addi %add3A_769, %scan3A_763 : i32
          %get3A_771 = arith.index_cast %add3A_770 : i32 to index
          %get3A_772 = arith.constant 0 : index
          %get3A_773 = tpu.vector_load %arg8[%get3A_771, %get3A_772] {strides = array<i32>} : memref<1280x32xf32, #tpu.memory_space<vmem>>, vector<16xf32>,
          %add3A_774 = arith.addf %get3A_765, %get3A_773 : vector<16xf32>
          %add3A_775 = arith.constant 64 : i32
          %add3A_776 = arith.addi %add3A_775, %scan3A_763 : i32
          %get3A_777 = arith.index_cast %add3A_776 : i32 to index
          %get3A_778 = arith.constant 16 : index
          %get3A_779 = tpu.vector_load %arg8[%get3A_777, %get3A_778] {strides = array<i32>} : memref<1280x32xf32, #tpu.memory_space<vmem>>, vector<16xf32>,
          %add3A_780 = arith.addf %get3A_768, %get3A_779 : vector<16xf32>
          %add3A_781 = arith.constant 128 : i32
          %add3A_782 = arith.addi %add3A_781, %scan3A_763 : i32
          %get3A_783 = arith.index_cast %add3A_782 : i32 to index
          %get3A_784 = arith.constant 0 : index
          %get3A_785 = tpu.vector_load %arg8[%get3A_783, %get3A_784] {strides = array<i32>} : memref<1280x32xf32, #tpu.memory_space<vmem>>, vector<16xf32>,
          %add3A_786 = arith.addf %add3A_774, %get3A_785 : vector<16xf32>
          %add3A_787 = arith.constant 128 : i32
          %add3A_788 = arith.addi %add3A_787, %scan3A_763 : i32
          %get3A_789 = arith.index_cast %add3A_788 : i32 to index
          %get3A_790 = arith.constant 16 : index
          %get3A_791 = tpu.vector_load %arg8[%get3A_789, %get3A_790] {strides = array<i32>} : memref<1280x32xf32, #tpu.memory_space<vmem>>, vector<16xf32>,
          %add3A_792 = arith.addf %add3A_780, %get3A_791 : vector<16xf32>
          %add3A_793 = arith.constant 192 : i32
          %add3A_794 = arith.addi %add3A_793, %scan3A_763 : i32
          %get3A_795 = arith.index_cast %add3A_794 : i32 to index
          %get3A_796 = arith.constant 0 : index
          %get3A_797 = tpu.vector_load %arg8[%get3A_795, %get3A_796] {strides = array<i32>} : memref<1280x32xf32, #tpu.memory_space<vmem>>, vector<16xf32>,
          %add3A_798 = arith.addf %add3A_786, %get3A_797 : vector<16xf32>
          %add3A_799 = arith.constant 192 : i32
          %add3A_800 = arith.addi %add3A_799, %scan3A_763 : i32
          %get3A_801 = arith.index_cast %add3A_800 : i32 to index
          %get3A_802 = arith.constant 16 : index
          %get3A_803 = tpu.vector_load %arg8[%get3A_801, %get3A_802] {strides = array<i32>} : memref<1280x32xf32, #tpu.memory_space<vmem>>, vector<16xf32>,
          %add3A_804 = arith.addf %add3A_792, %get3A_803 : vector<16xf32>
          %add3A_805 = arith.constant 256 : i32
          %add3A_806 = arith.addi %add3A_805, %scan3A_763 : i32
          %get3A_807 = arith.index_cast %add3A_806 : i32 to index
          %get3A_808 = arith.constant 0 : index
          %get3A_809 = tpu.vector_load %arg8[%get3A_807, %get3A_808] {strides = array<i32>} : memref<1280x32xf32, #tpu.memory_space<vmem>>, vector<16xf32>,
          %add3A_810 = arith.addf %add3A_798, %get3A_809 : vector<16xf32>
          %add3A_811 = arith.constant 256 : i32
          %add3A_812 = arith.addi %add3A_811, %scan3A_763 : i32
          %get3A_813 = arith.index_cast %add3A_812 : i32 to index
          %get3A_814 = arith.constant 16 : index
          %get3A_815 = tpu.vector_load %arg8[%get3A_813, %get3A_814] {strides = array<i32>} : memref<1280x32xf32, #tpu.memory_space<vmem>>, vector<16xf32>,
          %add3A_816 = arith.addf %add3A_804, %get3A_815 : vector<16xf32>
          %add3A_817 = arith.constant 320 : i32
          %add3A_818 = arith.addi %add3A_817, %scan3A_763 : i32
          %get3A_819 = arith.index_cast %add3A_818 : i32 to index
          %get3A_820 = arith.constant 0 : index
          %get3A_821 = tpu.vector_load %arg8[%get3A_819, %get3A_820] {strides = array<i32>} : memref<1280x32xf32, #tpu.memory_space<vmem>>, vector<16xf32>,
          %add3A_822 = arith.addf %add3A_810, %get3A_821 : vector<16xf32>
          %add3A_823 = arith.constant 320 : i32
          %add3A_824 = arith.addi %add3A_823, %scan3A_763 : i32
          %get3A_825 = arith.index_cast %add3A_824 : i32 to index
          %get3A_826 = arith.constant 16 : index
          %get3A_827 = tpu.vector_load %arg8[%get3A_825, %get3A_826] {strides = array<i32>} : memref<1280x32xf32, #tpu.memory_space<vmem>>, vector<16xf32>,
          %add3A_828 = arith.addf %add3A_816, %get3A_827 : vector<16xf32>
          %add3A_829 = arith.constant 384 : i32
          %add3A_830 = arith.addi %add3A_829, %scan3A_763 : i32
          %get3A_831 = arith.index_cast %add3A_830 : i32 to index
          %get3A_832 = arith.constant 0 : index
          %get3A_833 = tpu.vector_load %arg8[%get3A_831, %get3A_832] {strides = array<i32>} : memref<1280x32xf32, #tpu.memory_space<vmem>>, vector<16xf32>,
          %add3A_834 = arith.addf %add3A_822, %get3A_833 : vector<16xf32>
          %add3A_835 = arith.constant 384 : i32
          %add3A_836 = arith.addi %add3A_835, %scan3A_763 : i32
          %get3A_837 = arith.index_cast %add3A_836 : i32 to index
          %get3A_838 = arith.constant 16 : index
          %get3A_839 = tpu.vector_load %arg8[%get3A_837, %get3A_838] {strides = array<i32>} : memref<1280x32xf32, #tpu.memory_space<vmem>>, vector<16xf32>,
          %add3A_840 = arith.addf %add3A_828, %get3A_839 : vector<16xf32>
          %add3A_841 = arith.constant 448 : i32
          %add3A_842 = arith.addi %add3A_841, %scan3A_763 : i32
          %get3A_843 = arith.index_cast %add3A_842 : i32 to index
          %get3A_844 = arith.constant 0 : index
          %get3A_845 = tpu.vector_load %arg8[%get3A_843, %get3A_844] {strides = array<i32>} : memref<1280x32xf32, #tpu.memory_space<vmem>>, vector<16xf32>,
          %add3A_846 = arith.addf %add3A_834, %get3A_845 : vector<16xf32>
          %add3A_847 = arith.constant 448 : i32
          %add3A_848 = arith.addi %add3A_847, %scan3A_763 : i32
          %get3A_849 = arith.index_cast %add3A_848 : i32 to index
          %get3A_850 = arith.constant 16 : index
          %get3A_851 = tpu.vector_load %arg8[%get3A_849, %get3A_850] {strides = array<i32>} : memref<1280x32xf32, #tpu.memory_space<vmem>>, vector<16xf32>,
          %add3A_852 = arith.addf %add3A_840, %get3A_851 : vector<16xf32>
          %add3A_853 = arith.constant 512 : i32
          %add3A_854 = arith.addi %add3A_853, %scan3A_763 : i32
          %get3A_855 = arith.index_cast %add3A_854 : i32 to index
          %get3A_856 = arith.constant 0 : index
          %get3A_857 = tpu.vector_load %arg8[%get3A_855, %get3A_856] {strides = array<i32>} : memref<1280x32xf32, #tpu.memory_space<vmem>>, vector<16xf32>,
          %add3A_858 = arith.addf %add3A_846, %get3A_857 : vector<16xf32>
          %add3A_859 = arith.constant 512 : i32
          %add3A_860 = arith.addi %add3A_859, %scan3A_763 : i32
          %get3A_861 = arith.index_cast %add3A_860 : i32 to index
          %get3A_862 = arith.constant 16 : index
          %get3A_863 = tpu.vector_load %arg8[%get3A_861, %get3A_862] {strides = array<i32>} : memref<1280x32xf32, #tpu.memory_space<vmem>>, vector<16xf32>,
          %add3A_864 = arith.addf %add3A_852, %get3A_863 : vector<16xf32>
          %add3A_865 = arith.constant 576 : i32
          %add3A_866 = arith.addi %add3A_865, %scan3A_763 : i32
          %get3A_867 = arith.index_cast %add3A_866 : i32 to index
          %get3A_868 = arith.constant 0 : index
          %get3A_869 = tpu.vector_load %arg8[%get3A_867, %get3A_868] {strides = array<i32>} : memref<1280x32xf32, #tpu.memory_space<vmem>>, vector<16xf32>,
          %add3A_870 = arith.addf %add3A_858, %get3A_869 : vector<16xf32>
          %add3A_871 = arith.constant 576 : i32
          %add3A_872 = arith.addi %add3A_871, %scan3A_763 : i32
          %get3A_873 = arith.index_cast %add3A_872 : i32 to index
          %get3A_874 = arith.constant 16 : index
          %get3A_875 = tpu.vector_load %arg8[%get3A_873, %get3A_874] {strides = array<i32>} : memref<1280x32xf32, #tpu.memory_space<vmem>>, vector<16xf32>,
          %add3A_876 = arith.addf %add3A_864, %get3A_875 : vector<16xf32>
          %add3A_877 = arith.constant 640 : i32
          %add3A_878 = arith.addi %add3A_877, %scan3A_763 : i32
          %get3A_879 = arith.index_cast %add3A_878 : i32 to index
          %get3A_880 = arith.constant 0 : index
          %get3A_881 = tpu.vector_load %arg8[%get3A_879, %get3A_880] {strides = array<i32>} : memref<1280x32xf32, #tpu.memory_space<vmem>>, vector<16xf32>,
          %add3A_882 = arith.addf %add3A_870, %get3A_881 : vector<16xf32>
          %add3A_883 = arith.constant 640 : i32
          %add3A_884 = arith.addi %add3A_883, %scan3A_763 : i32
          %get3A_885 = arith.index_cast %add3A_884 : i32 to index
          %get3A_886 = arith.constant 16 : index
          %get3A_887 = tpu.vector_load %arg8[%get3A_885, %get3A_886] {strides = array<i32>} : memref<1280x32xf32, #tpu.memory_space<vmem>>, vector<16xf32>,
          %add3A_888 = arith.addf %add3A_876, %get3A_887 : vector<16xf32>
          %add3A_889 = arith.constant 704 : i32
          %add3A_890 = arith.addi %add3A_889, %scan3A_763 : i32
          %get3A_891 = arith.index_cast %add3A_890 : i32 to index
          %get3A_892 = arith.constant 0 : index
          %get3A_893 = tpu.vector_load %arg8[%get3A_891, %get3A_892] {strides = array<i32>} : memref<1280x32xf32, #tpu.memory_space<vmem>>, vector<16xf32>,
          %add3A_894 = arith.addf %add3A_882, %get3A_893 : vector<16xf32>
          %add3A_895 = arith.constant 704 : i32
          %add3A_896 = arith.addi %add3A_895, %scan3A_763 : i32
          %get3A_897 = arith.index_cast %add3A_896 : i32 to index
          %get3A_898 = arith.constant 16 : index
          %get3A_899 = tpu.vector_load %arg8[%get3A_897, %get3A_898] {strides = array<i32>} : memref<1280x32xf32, #tpu.memory_space<vmem>>, vector<16xf32>,
          %add3A_900 = arith.addf %add3A_888, %get3A_899 : vector<16xf32>
          %add3A_901 = arith.constant 768 : i32
          %add3A_902 = arith.addi %add3A_901, %scan3A_763 : i32
          %get3A_903 = arith.index_cast %add3A_902 : i32 to index
          %get3A_904 = arith.constant 0 : index
          %get3A_905 = tpu.vector_load %arg8[%get3A_903, %get3A_904] {strides = array<i32>} : memref<1280x32xf32, #tpu.memory_space<vmem>>, vector<16xf32>,
          %add3A_906 = arith.addf %add3A_894, %get3A_905 : vector<16xf32>
          %add3A_907 = arith.constant 768 : i32
          %add3A_908 = arith.addi %add3A_907, %scan3A_763 : i32
          %get3A_909 = arith.index_cast %add3A_908 : i32 to index
          %get3A_910 = arith.constant 16 : index
          %get3A_911 = tpu.vector_load %arg8[%get3A_909, %get3A_910] {strides = array<i32>} : memref<1280x32xf32, #tpu.memory_space<vmem>>, vector<16xf32>,
          %add3A_912 = arith.addf %add3A_900, %get3A_911 : vector<16xf32>
          %add3A_913 = arith.constant 832 : i32
          %add3A_914 = arith.addi %add3A_913, %scan3A_763 : i32
          %get3A_915 = arith.index_cast %add3A_914 : i32 to index
          %get3A_916 = arith.constant 0 : index
          %get3A_917 = tpu.vector_load %arg8[%get3A_915, %get3A_916] {strides = array<i32>} : memref<1280x32xf32, #tpu.memory_space<vmem>>, vector<16xf32>,
          %add3A_918 = arith.addf %add3A_906, %get3A_917 : vector<16xf32>
          %add3A_919 = arith.constant 832 : i32
          %add3A_920 = arith.addi %add3A_919, %scan3A_763 : i32
          %get3A_921 = arith.index_cast %add3A_920 : i32 to index
          %get3A_922 = arith.constant 16 : index
          %get3A_923 = tpu.vector_load %arg8[%get3A_921, %get3A_922] {strides = array<i32>} : memref<1280x32xf32, #tpu.memory_space<vmem>>, vector<16xf32>,
          %add3A_924 = arith.addf %add3A_912, %get3A_923 : vector<16xf32>
          %add3A_925 = arith.constant 896 : i32
          %add3A_926 = arith.addi %add3A_925, %scan3A_763 : i32
          %get3A_927 = arith.index_cast %add3A_926 : i32 to index
          %get3A_928 = arith.constant 0 : index
          %get3A_929 = tpu.vector_load %arg8[%get3A_927, %get3A_928] {strides = array<i32>} : memref<1280x32xf32, #tpu.memory_space<vmem>>, vector<16xf32>,
          %add3A_930 = arith.addf %add3A_918, %get3A_929 : vector<16xf32>
          %add3A_931 = arith.constant 896 : i32
          %add3A_932 = arith.addi %add3A_931, %scan3A_763 : i32
          %get3A_933 = arith.index_cast %add3A_932 : i32 to index
          %get3A_934 = arith.constant 16 : index
          %get3A_935 = tpu.vector_load %arg8[%get3A_933, %get3A_934] {strides = array<i32>} : memref<1280x32xf32, #tpu.memory_space<vmem>>, vector<16xf32>,
          %add3A_936 = arith.addf %add3A_924, %get3A_935 : vector<16xf32>
          %add3A_937 = arith.constant 960 : i32
          %add3A_938 = arith.addi %add3A_937, %scan3A_763 : i32
          %get3A_939 = arith.index_cast %add3A_938 : i32 to index
          %get3A_940 = arith.constant 0 : index
          %get3A_941 = tpu.vector_load %arg8[%get3A_939, %get3A_940] {strides = array<i32>} : memref<1280x32xf32, #tpu.memory_space<vmem>>, vector<16xf32>,
          %add3A_942 = arith.addf %add3A_930, %get3A_941 : vector<16xf32>
          %add3A_943 = arith.constant 960 : i32
          %add3A_944 = arith.addi %add3A_943, %scan3A_763 : i32
          %get3A_945 = arith.index_cast %add3A_944 : i32 to index
          %get3A_946 = arith.constant 16 : index
          %get3A_947 = tpu.vector_load %arg8[%get3A_945, %get3A_946] {strides = array<i32>} : memref<1280x32xf32, #tpu.memory_space<vmem>>, vector<16xf32>,
          %add3A_948 = arith.addf %add3A_936, %get3A_947 : vector<16xf32>
          %add3A_949 = arith.constant 1024 : i32
          %add3A_950 = arith.addi %add3A_949, %scan3A_763 : i32
          %get3A_951 = arith.index_cast %add3A_950 : i32 to index
          %get3A_952 = arith.constant 0 : index
          %get3A_953 = tpu.vector_load %arg8[%get3A_951, %get3A_952] {strides = array<i32>} : memref<1280x32xf32, #tpu.memory_space<vmem>>, vector<16xf32>,
          %add3A_954 = arith.addf %add3A_942, %get3A_953 : vector<16xf32>
          %add3A_955 = arith.constant 1024 : i32
          %add3A_956 = arith.addi %add3A_955, %scan3A_763 : i32
          %get3A_957 = arith.index_cast %add3A_956 : i32 to index
          %get3A_958 = arith.constant 16 : index
          %get3A_959 = tpu.vector_load %arg8[%get3A_957, %get3A_958] {strides = array<i32>} : memref<1280x32xf32, #tpu.memory_space<vmem>>, vector<16xf32>,
          %add3A_960 = arith.addf %add3A_948, %get3A_959 : vector<16xf32>
          %add3A_961 = arith.constant 1088 : i32
          %add3A_962 = arith.addi %add3A_961, %scan3A_763 : i32
          %get3A_963 = arith.index_cast %add3A_962 : i32 to index
          %get3A_964 = arith.constant 0 : index
          %get3A_965 = tpu.vector_load %arg8[%get3A_963, %get3A_964] {strides = array<i32>} : memref<1280x32xf32, #tpu.memory_space<vmem>>, vector<16xf32>,
          %add3A_966 = arith.addf %add3A_954, %get3A_965 : vector<16xf32>
          %add3A_967 = arith.constant 1088 : i32
          %add3A_968 = arith.addi %add3A_967, %scan3A_763 : i32
          %get3A_969 = arith.index_cast %add3A_968 : i32 to index
          %get3A_970 = arith.constant 16 : index
          %get3A_971 = tpu.vector_load %arg8[%get3A_969, %get3A_970] {strides = array<i32>} : memref<1280x32xf32, #tpu.memory_space<vmem>>, vector<16xf32>,
          %add3A_972 = arith.addf %add3A_960, %get3A_971 : vector<16xf32>
          %add3A_973 = arith.constant 1152 : i32
          %add3A_974 = arith.addi %add3A_973, %scan3A_763 : i32
          %get3A_975 = arith.index_cast %add3A_974 : i32 to index
          %get3A_976 = arith.constant 0 : index
          %get3A_977 = tpu.vector_load %arg8[%get3A_975, %get3A_976] {strides = array<i32>} : memref<1280x32xf32, #tpu.memory_space<vmem>>, vector<16xf32>,
          %add3A_978 = arith.addf %add3A_966, %get3A_977 : vector<16xf32>
          %add3A_979 = arith.constant 1152 : i32
          %add3A_980 = arith.addi %add3A_979, %scan3A_763 : i32
          %get3A_981 = arith.index_cast %add3A_980 : i32 to index
          %get3A_982 = arith.constant 16 : index
          %get3A_983 = tpu.vector_load %arg8[%get3A_981, %get3A_982] {strides = array<i32>} : memref<1280x32xf32, #tpu.memory_space<vmem>>, vector<16xf32>,
          %add3A_984 = arith.addf %add3A_972, %get3A_983 : vector<16xf32>
          %add3A_985 = arith.constant 1216 : i32
          %add3A_986 = arith.addi %add3A_985, %scan3A_763 : i32
          %get3A_987 = arith.index_cast %add3A_986 : i32 to index
          %get3A_988 = arith.constant 0 : index
          %get3A_989 = tpu.vector_load %arg8[%get3A_987, %get3A_988] {strides = array<i32>} : memref<1280x32xf32, #tpu.memory_space<vmem>>, vector<16xf32>,
          %add3A_990 = arith.addf %add3A_978, %get3A_989 : vector<16xf32>
          %add3A_991 = arith.constant 1216 : i32
          %add3A_992 = arith.addi %add3A_991, %scan3A_763 : i32
          %get3A_993 = arith.index_cast %add3A_992 : i32 to index
          %get3A_994 = arith.constant 16 : index
          %get3A_995 = tpu.vector_load %arg8[%get3A_993, %get3A_994] {strides = array<i32>} : memref<1280x32xf32, #tpu.memory_space<vmem>>, vector<16xf32>,
          %add3A_996 = arith.addf %add3A_984, %get3A_995 : vector<16xf32>
          %iota3A = tpu.iota {dimensions = array<i32: 0>} : vector<16xi32>
          %broadcast_in_dim3A = arith.constant 0 : i32
          %broadcast_in_dim3A_997 = vector.broadcast %broadcast_in_dim3A : i32 to vector<16xi32>
          %add3A_998 = vector.broadcast %scan3A_763 : i32 to vector<16xi32>
          %add3A_999 = arith.addi %broadcast_in_dim3A_997, %add3A_998 : vector<16xi32>
          tpu.vector_store_idx %arg9[%iota3A, %add3A_999], %add3A_990 : memref<32x65xf32, #tpu.memory_space<vmem>>[vector<16xi32>, vector<16xi32>], vector<16xf32>,
          %add3A_1000 = arith.constant 16 : i32
          %add3A_1001 = vector.broadcast %add3A_1000 : i32 to vector<16xi32>
          %add3A_1002 = arith.addi %iota3A, %add3A_1001 : vector<16xi32>
          tpu.vector_store_idx %arg9[%add3A_1002, %add3A_999], %add3A_996 : memref<32x65xf32, #tpu.memory_space<vmem>>[vector<16xi32>, vector<16xi32>], vector<16xf32>,
          %scan3A_1003 = arith.constant 1 : i32
          %scan3A_1004 = arith.addi %scan3A_763, %scan3A_1003 : i32
          %get3A_1005 = arith.index_cast %scan3A_1004 : i32 to index
          %get3A_1006 = arith.constant 0 : index
          %get3A_1007 = tpu.vector_load %arg8[%get3A_1005, %get3A_1006] {strides = array<i32>} : memref<1280x32xf32, #tpu.memory_space<vmem>>, vector<16xf32>,
          %get3A_1008 = arith.index_cast %scan3A_1004 : i32 to index
          %get3A_1009 = arith.constant 16 : index
          %get3A_1010 = tpu.vector_load %arg8[%get3A_1008, %get3A_1009] {strides = array<i32>} : memref<1280x32xf32, #tpu.memory_space<vmem>>, vector<16xf32>,
          %add3A_1011 = arith.constant 64 : i32
          %add3A_1012 = arith.addi %add3A_1011, %scan3A_1004 : i32
          %get3A_1013 = arith.index_cast %add3A_1012 : i32 to index
          %get3A_1014 = arith.constant 0 : index
          %get3A_1015 = tpu.vector_load %arg8[%get3A_1013, %get3A_1014] {strides = array<i32>} : memref<1280x32xf32, #tpu.memory_space<vmem>>, vector<16xf32>,
          %add3A_1016 = arith.addf %get3A_1007, %get3A_1015 : vector<16xf32>
          %add3A_1017 = arith.constant 64 : i32
          %add3A_1018 = arith.addi %add3A_1017, %scan3A_1004 : i32
          %get3A_1019 = arith.index_cast %add3A_1018 : i32 to index
          %get3A_1020 = arith.constant 16 : index
          %get3A_1021 = tpu.vector_load %arg8[%get3A_1019, %get3A_1020] {strides = array<i32>} : memref<1280x32xf32, #tpu.memory_space<vmem>>, vector<16xf32>,
          %add3A_1022 = arith.addf %get3A_1010, %get3A_1021 : vector<16xf32>
          %add3A_1023 = arith.constant 128 : i32
          %add3A_1024 = arith.addi %add3A_1023, %scan3A_1004 : i32
          %get3A_1025 = arith.index_cast %add3A_1024 : i32 to index
          %get3A_1026 = arith.constant 0 : index
          %get3A_1027 = tpu.vector_load %arg8[%get3A_1025, %get3A_1026] {strides = array<i32>} : memref<1280x32xf32, #tpu.memory_space<vmem>>, vector<16xf32>,
          %add3A_1028 = arith.addf %add3A_1016, %get3A_1027 : vector<16xf32>
          %add3A_1029 = arith.constant 128 : i32
          %add3A_1030 = arith.addi %add3A_1029, %scan3A_1004 : i32
          %get3A_1031 = arith.index_cast %add3A_1030 : i32 to index
          %get3A_1032 = arith.constant 16 : index
          %get3A_1033 = tpu.vector_load %arg8[%get3A_1031, %get3A_1032] {strides = array<i32>} : memref<1280x32xf32, #tpu.memory_space<vmem>>, vector<16xf32>,
          %add3A_1034 = arith.addf %add3A_1022, %get3A_1033 : vector<16xf32>
          %add3A_1035 = arith.constant 192 : i32
          %add3A_1036 = arith.addi %add3A_1035, %scan3A_1004 : i32
          %get3A_1037 = arith.index_cast %add3A_1036 : i32 to index
          %get3A_1038 = arith.constant 0 : index
          %get3A_1039 = tpu.vector_load %arg8[%get3A_1037, %get3A_1038] {strides = array<i32>} : memref<1280x32xf32, #tpu.memory_space<vmem>>, vector<16xf32>,
          %add3A_1040 = arith.addf %add3A_1028, %get3A_1039 : vector<16xf32>
          %add3A_1041 = arith.constant 192 : i32
          %add3A_1042 = arith.addi %add3A_1041, %scan3A_1004 : i32
          %get3A_1043 = arith.index_cast %add3A_1042 : i32 to index
          %get3A_1044 = arith.constant 16 : index
          %get3A_1045 = tpu.vector_load %arg8[%get3A_1043, %get3A_1044] {strides = array<i32>} : memref<1280x32xf32, #tpu.memory_space<vmem>>, vector<16xf32>,
          %add3A_1046 = arith.addf %add3A_1034, %get3A_1045 : vector<16xf32>
          %add3A_1047 = arith.constant 256 : i32
          %add3A_1048 = arith.addi %add3A_1047, %scan3A_1004 : i32
          %get3A_1049 = arith.index_cast %add3A_1048 : i32 to index
          %get3A_1050 = arith.constant 0 : index
          %get3A_1051 = tpu.vector_load %arg8[%get3A_1049, %get3A_1050] {strides = array<i32>} : memref<1280x32xf32, #tpu.memory_space<vmem>>, vector<16xf32>,
          %add3A_1052 = arith.addf %add3A_1040, %get3A_1051 : vector<16xf32>
          %add3A_1053 = arith.constant 256 : i32
          %add3A_1054 = arith.addi %add3A_1053, %scan3A_1004 : i32
          %get3A_1055 = arith.index_cast %add3A_1054 : i32 to index
          %get3A_1056 = arith.constant 16 : index
          %get3A_1057 = tpu.vector_load %arg8[%get3A_1055, %get3A_1056] {strides = array<i32>} : memref<1280x32xf32, #tpu.memory_space<vmem>>, vector<16xf32>,
          %add3A_1058 = arith.addf %add3A_1046, %get3A_1057 : vector<16xf32>
          %add3A_1059 = arith.constant 320 : i32
          %add3A_1060 = arith.addi %add3A_1059, %scan3A_1004 : i32
          %get3A_1061 = arith.index_cast %add3A_1060 : i32 to index
          %get3A_1062 = arith.constant 0 : index
          %get3A_1063 = tpu.vector_load %arg8[%get3A_1061, %get3A_1062] {strides = array<i32>} : memref<1280x32xf32, #tpu.memory_space<vmem>>, vector<16xf32>,
          %add3A_1064 = arith.addf %add3A_1052, %get3A_1063 : vector<16xf32>
          %add3A_1065 = arith.constant 320 : i32
          %add3A_1066 = arith.addi %add3A_1065, %scan3A_1004 : i32
          %get3A_1067 = arith.index_cast %add3A_1066 : i32 to index
          %get3A_1068 = arith.constant 16 : index
          %get3A_1069 = tpu.vector_load %arg8[%get3A_1067, %get3A_1068] {strides = array<i32>} : memref<1280x32xf32, #tpu.memory_space<vmem>>, vector<16xf32>,
          %add3A_1070 = arith.addf %add3A_1058, %get3A_1069 : vector<16xf32>
          %add3A_1071 = arith.constant 384 : i32
          %add3A_1072 = arith.addi %add3A_1071, %scan3A_1004 : i32
          %get3A_1073 = arith.index_cast %add3A_1072 : i32 to index
          %get3A_1074 = arith.constant 0 : index
          %get3A_1075 = tpu.vector_load %arg8[%get3A_1073, %get3A_1074] {strides = array<i32>} : memref<1280x32xf32, #tpu.memory_space<vmem>>, vector<16xf32>,
          %add3A_1076 = arith.addf %add3A_1064, %get3A_1075 : vector<16xf32>
          %add3A_1077 = arith.constant 384 : i32
          %add3A_1078 = arith.addi %add3A_1077, %scan3A_1004 : i32
          %get3A_1079 = arith.index_cast %add3A_1078 : i32 to index
          %get3A_1080 = arith.constant 16 : index
          %get3A_1081 = tpu.vector_load %arg8[%get3A_1079, %get3A_1080] {strides = array<i32>} : memref<1280x32xf32, #tpu.memory_space<vmem>>, vector<16xf32>,
          %add3A_1082 = arith.addf %add3A_1070, %get3A_1081 : vector<16xf32>
          %add3A_1083 = arith.constant 448 : i32
          %add3A_1084 = arith.addi %add3A_1083, %scan3A_1004 : i32
          %get3A_1085 = arith.index_cast %add3A_1084 : i32 to index
          %get3A_1086 = arith.constant 0 : index
          %get3A_1087 = tpu.vector_load %arg8[%get3A_1085, %get3A_1086] {strides = array<i32>} : memref<1280x32xf32, #tpu.memory_space<vmem>>, vector<16xf32>,
          %add3A_1088 = arith.addf %add3A_1076, %get3A_1087 : vector<16xf32>
          %add3A_1089 = arith.constant 448 : i32
          %add3A_1090 = arith.addi %add3A_1089, %scan3A_1004 : i32
          %get3A_1091 = arith.index_cast %add3A_1090 : i32 to index
          %get3A_1092 = arith.constant 16 : index
          %get3A_1093 = tpu.vector_load %arg8[%get3A_1091, %get3A_1092] {strides = array<i32>} : memref<1280x32xf32, #tpu.memory_space<vmem>>, vector<16xf32>,
          %add3A_1094 = arith.addf %add3A_1082, %get3A_1093 : vector<16xf32>
          %add3A_1095 = arith.constant 512 : i32
          %add3A_1096 = arith.addi %add3A_1095, %scan3A_1004 : i32
          %get3A_1097 = arith.index_cast %add3A_1096 : i32 to index
          %get3A_1098 = arith.constant 0 : index
          %get3A_1099 = tpu.vector_load %arg8[%get3A_1097, %get3A_1098] {strides = array<i32>} : memref<1280x32xf32, #tpu.memory_space<vmem>>, vector<16xf32>,
          %add3A_1100 = arith.addf %add3A_1088, %get3A_1099 : vector<16xf32>
          %add3A_1101 = arith.constant 512 : i32
          %add3A_1102 = arith.addi %add3A_1101, %scan3A_1004 : i32
          %get3A_1103 = arith.index_cast %add3A_1102 : i32 to index
          %get3A_1104 = arith.constant 16 : index
          %get3A_1105 = tpu.vector_load %arg8[%get3A_1103, %get3A_1104] {strides = array<i32>} : memref<1280x32xf32, #tpu.memory_space<vmem>>, vector<16xf32>,
          %add3A_1106 = arith.addf %add3A_1094, %get3A_1105 : vector<16xf32>
          %add3A_1107 = arith.constant 576 : i32
          %add3A_1108 = arith.addi %add3A_1107, %scan3A_1004 : i32
          %get3A_1109 = arith.index_cast %add3A_1108 : i32 to index
          %get3A_1110 = arith.constant 0 : index
          %get3A_1111 = tpu.vector_load %arg8[%get3A_1109, %get3A_1110] {strides = array<i32>} : memref<1280x32xf32, #tpu.memory_space<vmem>>, vector<16xf32>,
          %add3A_1112 = arith.addf %add3A_1100, %get3A_1111 : vector<16xf32>
          %add3A_1113 = arith.constant 576 : i32
          %add3A_1114 = arith.addi %add3A_1113, %scan3A_1004 : i32
          %get3A_1115 = arith.index_cast %add3A_1114 : i32 to index
          %get3A_1116 = arith.constant 16 : index
          %get3A_1117 = tpu.vector_load %arg8[%get3A_1115, %get3A_1116] {strides = array<i32>} : memref<1280x32xf32, #tpu.memory_space<vmem>>, vector<16xf32>,
          %add3A_1118 = arith.addf %add3A_1106, %get3A_1117 : vector<16xf32>
          %add3A_1119 = arith.constant 640 : i32
          %add3A_1120 = arith.addi %add3A_1119, %scan3A_1004 : i32
          %get3A_1121 = arith.index_cast %add3A_1120 : i32 to index
          %get3A_1122 = arith.constant 0 : index
          %get3A_1123 = tpu.vector_load %arg8[%get3A_1121, %get3A_1122] {strides = array<i32>} : memref<1280x32xf32, #tpu.memory_space<vmem>>, vector<16xf32>,
          %add3A_1124 = arith.addf %add3A_1112, %get3A_1123 : vector<16xf32>
          %add3A_1125 = arith.constant 640 : i32
          %add3A_1126 = arith.addi %add3A_1125, %scan3A_1004 : i32
          %get3A_1127 = arith.index_cast %add3A_1126 : i32 to index
          %get3A_1128 = arith.constant 16 : index
          %get3A_1129 = tpu.vector_load %arg8[%get3A_1127, %get3A_1128] {strides = array<i32>} : memref<1280x32xf32, #tpu.memory_space<vmem>>, vector<16xf32>,
          %add3A_1130 = arith.addf %add3A_1118, %get3A_1129 : vector<16xf32>
          %add3A_1131 = arith.constant 704 : i32
          %add3A_1132 = arith.addi %add3A_1131, %scan3A_1004 : i32
          %get3A_1133 = arith.index_cast %add3A_1132 : i32 to index
          %get3A_1134 = arith.constant 0 : index
          %get3A_1135 = tpu.vector_load %arg8[%get3A_1133, %get3A_1134] {strides = array<i32>} : memref<1280x32xf32, #tpu.memory_space<vmem>>, vector<16xf32>,
          %add3A_1136 = arith.addf %add3A_1124, %get3A_1135 : vector<16xf32>
          %add3A_1137 = arith.constant 704 : i32
          %add3A_1138 = arith.addi %add3A_1137, %scan3A_1004 : i32
          %get3A_1139 = arith.index_cast %add3A_1138 : i32 to index
          %get3A_1140 = arith.constant 16 : index
          %get3A_1141 = tpu.vector_load %arg8[%get3A_1139, %get3A_1140] {strides = array<i32>} : memref<1280x32xf32, #tpu.memory_space<vmem>>, vector<16xf32>,
          %add3A_1142 = arith.addf %add3A_1130, %get3A_1141 : vector<16xf32>
          %add3A_1143 = arith.constant 768 : i32
          %add3A_1144 = arith.addi %add3A_1143, %scan3A_1004 : i32
          %get3A_1145 = arith.index_cast %add3A_1144 : i32 to index
          %get3A_1146 = arith.constant 0 : index
          %get3A_1147 = tpu.vector_load %arg8[%get3A_1145, %get3A_1146] {strides = array<i32>} : memref<1280x32xf32, #tpu.memory_space<vmem>>, vector<16xf32>,
          %add3A_1148 = arith.addf %add3A_1136, %get3A_1147 : vector<16xf32>
          %add3A_1149 = arith.constant 768 : i32
          %add3A_1150 = arith.addi %add3A_1149, %scan3A_1004 : i32
          %get3A_1151 = arith.index_cast %add3A_1150 : i32 to index
          %get3A_1152 = arith.constant 16 : index
          %get3A_1153 = tpu.vector_load %arg8[%get3A_1151, %get3A_1152] {strides = array<i32>} : memref<1280x32xf32, #tpu.memory_space<vmem>>, vector<16xf32>,
          %add3A_1154 = arith.addf %add3A_1142, %get3A_1153 : vector<16xf32>
          %add3A_1155 = arith.constant 832 : i32
          %add3A_1156 = arith.addi %add3A_1155, %scan3A_1004 : i32
          %get3A_1157 = arith.index_cast %add3A_1156 : i32 to index
          %get3A_1158 = arith.constant 0 : index
          %get3A_1159 = tpu.vector_load %arg8[%get3A_1157, %get3A_1158] {strides = array<i32>} : memref<1280x32xf32, #tpu.memory_space<vmem>>, vector<16xf32>,
          %add3A_1160 = arith.addf %add3A_1148, %get3A_1159 : vector<16xf32>
          %add3A_1161 = arith.constant 832 : i32
          %add3A_1162 = arith.addi %add3A_1161, %scan3A_1004 : i32
          %get3A_1163 = arith.index_cast %add3A_1162 : i32 to index
          %get3A_1164 = arith.constant 16 : index
          %get3A_1165 = tpu.vector_load %arg8[%get3A_1163, %get3A_1164] {strides = array<i32>} : memref<1280x32xf32, #tpu.memory_space<vmem>>, vector<16xf32>,
          %add3A_1166 = arith.addf %add3A_1154, %get3A_1165 : vector<16xf32>
          %add3A_1167 = arith.constant 896 : i32
          %add3A_1168 = arith.addi %add3A_1167, %scan3A_1004 : i32
          %get3A_1169 = arith.index_cast %add3A_1168 : i32 to index
          %get3A_1170 = arith.constant 0 : index
          %get3A_1171 = tpu.vector_load %arg8[%get3A_1169, %get3A_1170] {strides = array<i32>} : memref<1280x32xf32, #tpu.memory_space<vmem>>, vector<16xf32>,
          %add3A_1172 = arith.addf %add3A_1160, %get3A_1171 : vector<16xf32>
          %add3A_1173 = arith.constant 896 : i32
          %add3A_1174 = arith.addi %add3A_1173, %scan3A_1004 : i32
          %get3A_1175 = arith.index_cast %add3A_1174 : i32 to index
          %get3A_1176 = arith.constant 16 : index
          %get3A_1177 = tpu.vector_load %arg8[%get3A_1175, %get3A_1176] {strides = array<i32>} : memref<1280x32xf32, #tpu.memory_space<vmem>>, vector<16xf32>,
          %add3A_1178 = arith.addf %add3A_1166, %get3A_1177 : vector<16xf32>
          %add3A_1179 = arith.constant 960 : i32
          %add3A_1180 = arith.addi %add3A_1179, %scan3A_1004 : i32
          %get3A_1181 = arith.index_cast %add3A_1180 : i32 to index
          %get3A_1182 = arith.constant 0 : index
          %get3A_1183 = tpu.vector_load %arg8[%get3A_1181, %get3A_1182] {strides = array<i32>} : memref<1280x32xf32, #tpu.memory_space<vmem>>, vector<16xf32>,
          %add3A_1184 = arith.addf %add3A_1172, %get3A_1183 : vector<16xf32>
          %add3A_1185 = arith.constant 960 : i32
          %add3A_1186 = arith.addi %add3A_1185, %scan3A_1004 : i32
          %get3A_1187 = arith.index_cast %add3A_1186 : i32 to index
          %get3A_1188 = arith.constant 16 : index
          %get3A_1189 = tpu.vector_load %arg8[%get3A_1187, %get3A_1188] {strides = array<i32>} : memref<1280x32xf32, #tpu.memory_space<vmem>>, vector<16xf32>,
          %add3A_1190 = arith.addf %add3A_1178, %get3A_1189 : vector<16xf32>
          %add3A_1191 = arith.constant 1024 : i32
          %add3A_1192 = arith.addi %add3A_1191, %scan3A_1004 : i32
          %get3A_1193 = arith.index_cast %add3A_1192 : i32 to index
          %get3A_1194 = arith.constant 0 : index
          %get3A_1195 = tpu.vector_load %arg8[%get3A_1193, %get3A_1194] {strides = array<i32>} : memref<1280x32xf32, #tpu.memory_space<vmem>>, vector<16xf32>,
          %add3A_1196 = arith.addf %add3A_1184, %get3A_1195 : vector<16xf32>
          %add3A_1197 = arith.constant 1024 : i32
          %add3A_1198 = arith.addi %add3A_1197, %scan3A_1004 : i32
          %get3A_1199 = arith.index_cast %add3A_1198 : i32 to index
          %get3A_1200 = arith.constant 16 : index
          %get3A_1201 = tpu.vector_load %arg8[%get3A_1199, %get3A_1200] {strides = array<i32>} : memref<1280x32xf32, #tpu.memory_space<vmem>>, vector<16xf32>,
          %add3A_1202 = arith.addf %add3A_1190, %get3A_1201 : vector<16xf32>
          %add3A_1203 = arith.constant 1088 : i32
          %add3A_1204 = arith.addi %add3A_1203, %scan3A_1004 : i32
          %get3A_1205 = arith.index_cast %add3A_1204 : i32 to index
          %get3A_1206 = arith.constant 0 : index
          %get3A_1207 = tpu.vector_load %arg8[%get3A_1205, %get3A_1206] {strides = array<i32>} : memref<1280x32xf32, #tpu.memory_space<vmem>>, vector<16xf32>,
          %add3A_1208 = arith.addf %add3A_1196, %get3A_1207 : vector<16xf32>
          %add3A_1209 = arith.constant 1088 : i32
          %add3A_1210 = arith.addi %add3A_1209, %scan3A_1004 : i32
          %get3A_1211 = arith.index_cast %add3A_1210 : i32 to index
          %get3A_1212 = arith.constant 16 : index
          %get3A_1213 = tpu.vector_load %arg8[%get3A_1211, %get3A_1212] {strides = array<i32>} : memref<1280x32xf32, #tpu.memory_space<vmem>>, vector<16xf32>,
          %add3A_1214 = arith.addf %add3A_1202, %get3A_1213 : vector<16xf32>
          %add3A_1215 = arith.constant 1152 : i32
          %add3A_1216 = arith.addi %add3A_1215, %scan3A_1004 : i32
          %get3A_1217 = arith.index_cast %add3A_1216 : i32 to index
          %get3A_1218 = arith.constant 0 : index
          %get3A_1219 = tpu.vector_load %arg8[%get3A_1217, %get3A_1218] {strides = array<i32>} : memref<1280x32xf32, #tpu.memory_space<vmem>>, vector<16xf32>,
          %add3A_1220 = arith.addf %add3A_1208, %get3A_1219 : vector<16xf32>
          %add3A_1221 = arith.constant 1152 : i32
          %add3A_1222 = arith.addi %add3A_1221, %scan3A_1004 : i32
          %get3A_1223 = arith.index_cast %add3A_1222 : i32 to index
          %get3A_1224 = arith.constant 16 : index
          %get3A_1225 = tpu.vector_load %arg8[%get3A_1223, %get3A_1224] {strides = array<i32>} : memref<1280x32xf32, #tpu.memory_space<vmem>>, vector<16xf32>,
          %add3A_1226 = arith.addf %add3A_1214, %get3A_1225 : vector<16xf32>
          %add3A_1227 = arith.constant 1216 : i32
          %add3A_1228 = arith.addi %add3A_1227, %scan3A_1004 : i32
          %get3A_1229 = arith.index_cast %add3A_1228 : i32 to index
          %get3A_1230 = arith.constant 0 : index
          %get3A_1231 = tpu.vector_load %arg8[%get3A_1229, %get3A_1230] {strides = array<i32>} : memref<1280x32xf32, #tpu.memory_space<vmem>>, vector<16xf32>,
          %add3A_1232 = arith.addf %add3A_1220, %get3A_1231 : vector<16xf32>
          %add3A_1233 = arith.constant 1216 : i32
          %add3A_1234 = arith.addi %add3A_1233, %scan3A_1004 : i32
          %get3A_1235 = arith.index_cast %add3A_1234 : i32 to index
          %get3A_1236 = arith.constant 16 : index
          %get3A_1237 = tpu.vector_load %arg8[%get3A_1235, %get3A_1236] {strides = array<i32>} : memref<1280x32xf32, #tpu.memory_space<vmem>>, vector<16xf32>,
          %add3A_1238 = arith.addf %add3A_1226, %get3A_1237 : vector<16xf32>
          %iota3A_1239 = tpu.iota {dimensions = array<i32: 0>} : vector<16xi32>
          %broadcast_in_dim3A_1240 = arith.constant 0 : i32
          %broadcast_in_dim3A_1241 = vector.broadcast %broadcast_in_dim3A_1240 : i32 to vector<16xi32>
          %add3A_1242 = vector.broadcast %scan3A_1004 : i32 to vector<16xi32>
          %add3A_1243 = arith.addi %broadcast_in_dim3A_1241, %add3A_1242 : vector<16xi32>
          tpu.vector_store_idx %arg9[%iota3A_1239, %add3A_1243], %add3A_1232 : memref<32x65xf32, #tpu.memory_space<vmem>>[vector<16xi32>, vector<16xi32>], vector<16xf32>,
          %add3A_1244 = arith.constant 16 : i32
          %add3A_1245 = vector.broadcast %add3A_1244 : i32 to vector<16xi32>
          %add3A_1246 = arith.addi %iota3A_1239, %add3A_1245 : vector<16xi32>
          tpu.vector_store_idx %arg9[%add3A_1246, %add3A_1243], %add3A_1238 : memref<32x65xf32, #tpu.memory_space<vmem>>[vector<16xi32>, vector<16xi32>], vector<16xf32>,
        }
        %scan3A_720 = arith.constant 64 : i32
        %jit3A_721 = arith.constant 64 : i32
        %div3A_722 = arith.divsi %add3A_514, %jit3A_721 : i32
        %sign3A_723 = arith.constant 0 : i32
        %sign3A_724 = arith.cmpi sgt, %add3A_514, %sign3A_723 : i32
        %sign3A_725 = arith.extui %sign3A_724 : i1 to i32
        %sign3A_726 = arith.constant 0 : i32
        %sign3A_727 = arith.cmpi slt, %add3A_514, %sign3A_726 : i32
        %sign3A_728 = arith.extui %sign3A_727 : i1 to i32
        %sign3A_729 = arith.subi %sign3A_725, %sign3A_728 : i32
        %sign3A_730 = arith.constant 0 : i32
        %sign3A_731 = arith.cmpi sgt, %jit3A_721, %sign3A_730 : i32
        %sign3A_732 = arith.extui %sign3A_731 : i1 to i32
        %sign3A_733 = arith.constant 0 : i32
        %sign3A_734 = arith.cmpi slt, %jit3A_721, %sign3A_733 : i32
        %sign3A_735 = arith.extui %sign3A_734 : i1 to i32
        %sign3A_736 = arith.subi %sign3A_732, %sign3A_735 : i32
        %ne3A_737 = arith.cmpi ne, %sign3A_729, %sign3A_736 : i32
        %rem3A_738 = arith.remsi %add3A_514, %jit3A_721 : i32
        %ne3A_739 = arith.constant 0 : i32
        %ne3A_740 = arith.cmpi ne, %rem3A_738, %ne3A_739 : i32
        %and3A_741 = arith.andi %ne3A_737, %ne3A_740 : i1
        %sub3A_742 = arith.constant 1 : i32
        %sub3A_743 = arith.subi %div3A_722, %sub3A_742 : i32
        %select_n3A_744 = arith.select %and3A_741, %sub3A_743, %div3A_722 : i32
        %jit3A_745 = arith.constant 64 : i32
        %eq3A_746 = arith.constant 0 : i32
        %eq3A_747 = arith.cmpi eq, %jit3A_745, %eq3A_746 : i32
        %jit3A_748 = arith.constant 1 : i32
        %select_n3A_749 = arith.select %eq3A_747, %jit3A_748, %jit3A_745 : i32
        %rem3A_750 = arith.remsi %add3A_514, %select_n3A_749 : i32
        %ne3A_751 = arith.constant 0 : i32
        %ne3A_752 = arith.cmpi ne, %rem3A_750, %ne3A_751 : i32
        %lt3A_753 = arith.constant 0 : i32
        %lt3A_754 = arith.cmpi slt, %rem3A_750, %lt3A_753 : i32
        %lt3A_755 = arith.constant 0 : i32
        %lt3A_756 = arith.cmpi slt, %select_n3A_749, %lt3A_755 : i32
        %ne3A_757 = arith.xori %lt3A_754, %lt3A_756 : i1
        %and3A_758 = arith.andi %ne3A_757, %ne3A_752 : i1
        %add3A_759 = arith.addi %rem3A_750, %select_n3A_749 : i32
        %select_n3A_760 = arith.select %and3A_758, %add3A_759, %rem3A_750 : i32
        %mul3A_761 = arith.constant 64 : i32
        %mul3A_762 = arith.muli %select_n3A_760, %mul3A_761 : i32
        "tpu.region"() ({
          %run_scoped3A = tpu.sem_alloc : memref<!tpu.dma_semaphore, #tpu.memory_space<semaphore_mem>>
          %dma_start3A_763 = arith.constant 0 : i32
          %dma_start3A_764 = arith.constant 0 : i32
          %dma_start3A_765 = tpu.memref_slice %arg9[%dma_start3A_763, %dma_start3A_764] : memref<32x65xf32, #tpu.memory_space<vmem>> -> memref<32x64xf32, #tpu.memory_space<vmem>>
          %dma_start3A_766 = arith.constant 0 : i32
          %dma_start3A_767 = tpu.memref_slice %arg4[%select_n3A_744, %dma_start3A_766, %mul3A_762] : memref<50x32x4096xf32, #tpu.memory_space<hbm>> -> memref<1x32x64xf32, #tpu.memory_space<hbm>>
          %dma_start3A_768 = tpu.memref_squeeze %dma_start3A_767 : memref<1x32x64xf32, #tpu.memory_space<hbm>> -> memref<32x64xf32, #tpu.memory_space<hbm>>
          %dma_start3A_769 = arith.constant 0 : i32
          %dma_start3A_770 = tpu.memref_slice %arg4[%select_n3A_744, %dma_start3A_769, %mul3A_762] : memref<50x32x4096xf32, #tpu.memory_space<hbm>> -> memref<1x32x64xf32, #tpu.memory_space<hbm>>
          %dma_start3A_771 = tpu.memref_squeeze %dma_start3A_770 : memref<1x32x64xf32, #tpu.memory_space<hbm>> -> memref<32x64xf32, #tpu.memory_space<hbm>>
          %dma_start3A_772 = arith.constant 0 : i32
          %dma_start3A_773 = arith.constant 0 : i32
          %dma_start3A_774 = tpu.memref_slice %arg9[%dma_start3A_772, %dma_start3A_773] : memref<32x65xf32, #tpu.memory_space<vmem>> -> memref<32x64xf32, #tpu.memory_space<vmem>>
          tpu.enqueue_dma source(%dma_start3A_774 : memref<32x64xf32, #tpu.memory_space<vmem>>) target(%dma_start3A_771 : memref<32x64xf32, #tpu.memory_space<hbm>>) target_semaphore(%run_scoped3A : memref<!tpu.dma_semaphore, #tpu.memory_space<semaphore_mem>>)
          %dma_wait3A_775 = arith.constant 0 : i32
          %dma_wait3A_776 = arith.constant 0 : i32
          %dma_wait3A_777 = tpu.memref_slice %arg9[%dma_wait3A_775, %dma_wait3A_776] : memref<32x65xf32, #tpu.memory_space<vmem>> -> memref<32x64xf32, #tpu.memory_space<vmem>>
          %dma_wait3A_778 = arith.constant 0 : i32
          %dma_wait3A_779 = tpu.memref_slice %arg4[%select_n3A_744, %dma_wait3A_778, %mul3A_762] : memref<50x32x4096xf32, #tpu.memory_space<hbm>> -> memref<1x32x64xf32, #tpu.memory_space<hbm>>
          %dma_wait3A_780 = tpu.memref_squeeze %dma_wait3A_779 : memref<1x32x64xf32, #tpu.memory_space<hbm>> -> memref<32x64xf32, #tpu.memory_space<hbm>>
          %dma_wait3A_781 = arith.constant 0 : i32
          %dma_wait3A_782 = tpu.memref_slice %arg4[%select_n3A_744, %dma_wait3A_781, %mul3A_762] : memref<50x32x4096xf32, #tpu.memory_space<hbm>> -> memref<1x32x64xf32, #tpu.memory_space<hbm>>
          %dma_wait3A_783 = tpu.memref_squeeze %dma_wait3A_782 : memref<1x32x64xf32, #tpu.memory_space<hbm>> -> memref<32x64xf32, #tpu.memory_space<hbm>>
          %dma_wait3A_784 = arith.constant 0 : i32
          %dma_wait3A_785 = arith.constant 0 : i32
          %dma_wait3A_786 = tpu.memref_slice %arg9[%dma_wait3A_784, %dma_wait3A_785] : memref<32x65xf32, #tpu.memory_space<vmem>> -> memref<32x64xf32, #tpu.memory_space<vmem>>
          tpu.wait_dma2 semaphore(%run_scoped3A : memref<!tpu.dma_semaphore, #tpu.memory_space<semaphore_mem>>) src(%dma_wait3A_786 : memref<32x64xf32, #tpu.memory_space<vmem>>) dst(%dma_wait3A_783 : memref<32x64xf32, #tpu.memory_space<hbm>>)
          tpu.yield
        }) : () -> ()
      } else {
      }
    }
    %scan3A_241 = arith.constant 50 : i32
    return
  }
}

</mosaic_0001>

<sc_bundles>
// kernel: _bag_embedding.3.cloned.1.call-start
scs
__scs_entry_jumppad:
0x0: {  	(pc) =	sbr.rel $0x88, $3  }
0x1: {  	(tag) =	ssettag $0x0;
	lr =	simm.s32 $0x1  }
0x2: {  	[smem:$0x3F9F] =	sst lr;
	_ =	strace $0xD0000000  }
0x3: {  	_ = 	snop  }
0x4: {  	_ = 	snop  }
0x5: {  	_ = 	snop  }
0x6: {  	_ = 	snop  }
0x7: {  	_ = 	snop  }
__scs_overlays_trampoline_lowered:
0x8: {  	[smem:$0x3FAE] =	sst s0  }
0x9: {  	[smem:$0x3FAF] =	sst s1  }
0xa: {  	[smem:$0x3FB0] =	sst s2  }
0xb: {  	[smem:$0x3FB1] =	sst s3  }
0xc: {  	[smem:$0x3FB2] =	sst s4  }
0xd: {  	[smem:$0x3FB3] =	sst s5  }
0xe: {  	[smem:$0x3FB4] =	sst s6  }
0xf: {  	[smem:$0x3FB5] =	sst s7  }
0x10: {  	[smem:$0x3FB6] =	sst s8  }
0x11: {  	[smem:$0x3FB7] =	sst s9;
	s0 =	simm.s32 @!p0 $0x0  }
0x12: {  	s1 =	sld [smem:$0x3F9D];
	s0 =	simm.s32 @p0 $0x1  }
0x13: {  	[smem:$0x3FB8] =	sst s0;
	s0 =	simm.s32 @!p1 $0x0  }
0x14: {  	s2 =	sld [smem:$0x3F9C];
	s0 =	simm.s32 @p1 $0x1  }
0x15: {  	[smem:$0x3FB9] =	sst s0;
	s0 =	simm.s32 @!p2 $0x0  }
0x16: {  	s3 =	sld [smem:$0x3FDB];
	s0 =	simm.s32 @p2 $0x1  }
0x17: {  	s4 =	simm.s32 $0x1BF5;
	[smem:$0x3FBB] =	sst s0  }
0x18: {  	s0 =	sld [smem:$0x3F9E];
	_ =	swait.ge [sflag:s4], $0x0  }
0x19: {  	s7 =	sld [smem:$0x3F9F]  }
0x1a: {  	s8 =	sadd.s32 $0xFFFFE003, lr  }
0x1b: {  	s9 =	sadd.s32 $0xFFFFFEF7, lr;
	s5 =	simm.s32 $0xFFFFFFFF;
	p2 =	slt.u32 s8, $0xFFFFF086  }
0x1c: {  	p1 =	slt.u32 s9, $0xF7A;
	s5 =	simm.s32 @!p2 $0x0  }
0x1d: {  	s5 =	simm.s32 @p1 $0x1;
	p0 =	seq.s32 s7, s2  }
0x1e: {  	s7 =	smul.u32 @!p0 $0xF7A, s2;
	p2 =	seq.s32 @!p0 s5, $0x0  }
0x1f: {  	s9 =	smul.u32 $0xF7A, s1;
	s8 =	simm.s32 @!p0 $0x1BF5;
	p2 =	por !p2, p0  }
0x20: {  	[sflag:s8] =	ssyncset.s32 @!p0 $0xFFFFF086;
	s6 =	sadd.s32 @!p0 s3, s7;
	s7 =	simm.s32 @!p0 $0x108  }
0x21: {  	s3 =	sadd.s32 s3, s9;
	s6 =	sadd.s32 @!p0 $0x88, s6;
	s7 =	simm.s32 @p2 $0x1082  }
0x22: {  	[simem:s7], [sflag:s8] =	dma.local @!p0 [hbm:s6], $0xF7A  }
0x23: {  	s9 =	sor.u32 $0xD0000000, s2;
	s6 =	simm.s32 $0x108;
	_ =	swait.ge @!p0 [sflag:s8], $0x0  }
0x24: {  	s3 =	sadd.s32 $0x88, s3;
	s6 =	simm.s32 @!p1 $0x1082;
	[sflag:s4] =	ssyncset.s32 $0xFFFFF086  }
0x25: {  	[simem:s6], [sflag:s4] =	dma.local [hbm:s3], $0xF7A  }
0x26: {  	[smem:$0x3F9F] =	sst s1;
	(tag) =	ssettag s2;
	_ =	strace s9  }
0x27: {  	s1 =	sld [smem:$0x3FAF]  }
0x28: {  	s2 =	sld [smem:$0x3FB0]  }
0x29: {  	s4 =	sld [smem:$0x3FB2]  }
0x2a: {  	p0 =	seq.s32 s5, $0x0;
	s5 =	sld [smem:$0x3FB3]  }
0x2b: {  	s6 =	sld [smem:$0x3FB4]  }
0x2c: {  	s7 =	sld [smem:$0x3FB5]  }
0x2d: {  	s3 =	simm.s32 $0x108;
	s8 =	sld [smem:$0x3FB6]  }
0x2e: {  	s3 =	simm.s32 @!p0 $0x1082;
	s9 =	sld [smem:$0x3FB7]  }
0x2f: {  	lr =	sadd.s32 s0, s3;
	s0 =	sld [smem:$0x3FAE]  }
0x30: {  	s3 =	sld [smem:$0x3FB1]  }
0x31: {  	[smem:$0x3FBA] =	sst s10  }
0x32: {  	s10 =	sld [smem:$0x3FB8];
	_ =	sdelay $0x3  }
0x33: {  	p0 =	seq.s32 s10, $0x1;
	s10 =	sld [smem:$0x3FBA];
	_ =	sdelay $0x3  }
0x34: {  	[smem:$0x3FBA] =	sst s10  }
0x35: {  	s10 =	sld [smem:$0x3FB9];
	_ =	sdelay $0x3  }
0x36: {  	p1 =	seq.s32 s10, $0x1;
	s10 =	sld [smem:$0x3FBA];
	_ =	sdelay $0x3  }
0x37: {  	[smem:$0x3FBA] =	sst s10  }
0x38: {  	s10 =	sld [smem:$0x3FBB]  }
0x39: {  	_ = 	snop;
	(pc) =	sbr.ind lr, $3  }
0x3a: {  	_ = 	snop  }
0x3b: {  	_ = 	snop  }
0x3c: {  	p2 =	seq.s32 s10, $0x1;
	s10 =	sld [smem:$0x3FBA]  }
0x3d: {  	_ =	shalt  }
0x3e: {  	_ =	shalt  }
0x3f: {  	_ =	shalt  }
0x40: {  	_ =	shalt  }
0x41: {  	_ =	shalt  }
0x42: {  	_ =	shalt  }
0x43: {  	_ =	shalt  }
0x44: {  	_ =	shalt  }
0x45: {  	_ =	shalt  }
0x46: {  	_ =	shalt  }
0x47: {  	_ =	shalt  }
0x48: {  	_ =	shalt  }
0x49: {  	_ =	shalt  }
0x4a: {  	_ =	shalt  }
0x4b: {  	_ =	shalt  }
0x4c: {  	_ =	shalt  }
0x4d: {  	_ =	shalt  }
0x4e: {  	_ =	shalt  }
0x4f: {  	_ =	shalt  }
0x50: {  	_ =	shalt  }
0x51: {  	_ =	shalt  }
0x52: {  	_ =	shalt  }
0x53: {  	_ =	shalt  }
0x54: {  	_ =	shalt  }
0x55: {  	_ =	shalt  }
0x56: {  	_ =	shalt  }
0x57: {  	_ =	shalt  }
0x58: {  	_ =	shalt  }
0x59: {  	_ =	shalt  }
0x5a: {  	_ =	shalt  }
0x5b: {  	_ =	shalt  }
0x5c: {  	_ =	shalt  }
0x5d: {  	_ =	shalt  }
0x5e: {  	_ =	shalt  }
0x5f: {  	_ =	shalt  }
0x60: {  	_ =	shalt  }
0x61: {  	_ =	shalt  }
0x62: {  	_ =	shalt  }
0x63: {  	_ =	shalt  }
0x64: {  	_ =	shalt  }
0x65: {  	_ =	shalt  }
0x66: {  	_ =	shalt  }
0x67: {  	_ =	shalt  }
0x68: {  	_ =	shalt  }
0x69: {  	_ =	shalt  }
0x6a: {  	_ =	shalt  }
0x6b: {  	_ =	shalt  }
0x6c: {  	_ =	shalt  }
0x6d: {  	_ =	shalt  }
0x6e: {  	_ =	shalt  }
0x6f: {  	_ =	shalt  }
0x70: {  	_ =	shalt  }
0x71: {  	_ =	shalt  }
0x72: {  	_ =	shalt  }
0x73: {  	_ =	shalt  }
0x74: {  	_ =	shalt  }
0x75: {  	_ =	shalt  }
0x76: {  	_ =	shalt  }
0x77: {  	_ =	shalt  }
0x78: {  	_ =	shalt  }
0x79: {  	_ =	shalt  }
0x7a: {  	_ =	shalt  }
0x7b: {  	_ =	shalt  }
0x7c: {  	_ =	shalt  }
0x7d: {  	_ =	shalt  }
0x7e: {  	_ =	shalt  }
0x7f: {  	_ =	shalt  }
0x80: {  	_ =	shalt  }
0x81: {  	_ =	shalt  }
0x82: {  	_ =	shalt  }
0x83: {  	_ =	shalt  }
0x84: {  	_ =	shalt  }
0x85: {  	_ =	shalt  }
0x86: {  	_ =	shalt  }
0x87: {  	_ =	shalt  }
.Lfunc_end0:
.L_simem_size_0:
called_computation_lowered:
.L_overlay_start_0:
0x88: {  	s2 =	sld [smem:$0x3FD9]  }
0x89: {  	s3 =	sld [smem:$0x3FFE];
	_ =	sdelay $0x1  }
0x8a: {  	s1 =	srdreg.scid  }
0x8b: {  	s0 =	sand.u32 $0x1, s1  }
0x8c: {  	s17 =	sshll.u32 s0, $0xA;
	s2 =	sadd.s32 s3, s2  }
0x8d: {  	s2 =	sadd.s32 s2, s17  }
0x8e: {  	[smem:$0x3FC6] =	sst s2  }
0x8f: {  	_ = 	snop  }
0x90: {  	s2 =	sld [smem:$0x3FD0];
	(tm) =	ssettm $0x1  }
0x91: {  	s18 =	sld [smem:$0x3FFB];
	_ =	sdelay $0x3  }
0x92: {  	_ =	strace s18  }
0x93: {  	s3 =	sld [smem:$0x3FFC];
	_ =	sdelay $0x3  }
0x94: {  	_ =	strace s3  }
0x95: {  	s3 =	sld [smem:$0x3FFD];
	_ =	sdelay $0x3  }
0x96: {  	_ =	strace s3  }
0x97: {  	_ =	strace $0x8FFFFFFF  }
0x98: {  	s19 =	sld [smem:$0x3FDB];
	_ =	sdelay $0x1  }
0x99: {  	s4 =	simm.s32 $_scs_section_size  }
0x9a: {  	s5 =	simm.s32 $_size__tile_overlayer_lowered;
	s6 =	simm.s32 $_tile_overlayer_lowered  }
0x9b: {  	s22 =	simm.s32 $0x1BFF;
	s21 =	sshll.u32 s6, $0x1;
	s3 =	sadd.s32 s4, s19  }
0x9c: {  	s7 =	simm.s32 $0x0;
	s20 =	sshll.u32 s5, $0x1;
	s5 =	sadd.s32 s21, s3  }
0x9d: {  	[timem:s7], [sflag:s22] =	dma.local [hbm:s5], s20  }
0x9e: {  	_ =	swait.ge [sflag:s22], s20  }
0x9f: {  	s4 =	ssub.s32 $0x0, s20;
	[sflag:s22] =	ssyncset.done $0x0  }
0xa0: {  	[sflag:s22] =	ssyncadd.s32 s4;
	_ =	sdelay $0x1  }
0xa1: {  	s23 =	simm.s32 $0x1B8B  }
0xa2: {  	_ =	swait.ge [sflag:s23], $0x1  }
0xa3: {  	[sflag:s23] =	ssyncset.done $0x0  }
0xa4: {  	s25 =	simm.s32 $0x1B8E;
	s24 =	sld [smem:$0x3FFE];
	[sflag:s23] =	ssyncadd.s32 $0xFFFFFFFF  }
0xa5: {  	s26 =	simm.s32 $execute0_lowered;
	[smem:$0x3FD2] =	sst s25  }
0xa6: {  	s5 =	sshll.u32 s26, $0x1;
	_ =	strace $0x80000046;
	[dreg:$0x1] =	wrdreg $0xFFFFFFFF  }
0xa7: {  	s28 =	simm.s32 $_size_execute0_lowered;
	s3 =	sadd.s32 s3, s5;
	[dreg:$0x0] =	wrdreg $0x0  }
0xa8: {  	s5 =	sshll.u32 s28, $0x1;
	[dreg:$0x2] =	wrdreg s3  }
0xa9: {  	[dreg:$0x3] =	wrdreg s5  }
0xaa: {  	[dreg:$0x4] =	wrdreg $0xC0  }
0xab: {  	_ =	task [dreg:s7], $0x5FFFF  }
0xac: {  	[dreg:$0x1] =	wrdreg $0xFFFFFFFF  }
0xad: {  	[dreg:$0x0] =	wrdreg $0x60  }
0xae: {  	[dreg:$0x2] =	wrdreg s2  }
0xaf: {  	[dreg:$0x3] =	wrdreg s24  }
0xb0: {  	[dreg:$0x4] =	wrdreg $0x9  }
0xb1: {  	_ =	task.clear_ibuf [dreg:s7], $0x5FFFF;
	_ =	strace $0x90000046  }
0xb2: {  	s29 =	simm.s32 $0x9;
	_ =	strace $0x80000048  }
0xb3: {  	_ =	swait.ge [sflag:s29], $0x1  }
0xb4: {  	[sflag:s29] =	ssyncadd.s32 $0xFFFFFFFF  }
0xb5: {  	_ =	strace $0x90000048  }
0xb6: {  	_ =	sfence  }
0xb7: {  	s30 =	sld [smem:$0x0];
	_ =	sdelay $0x2  }
0xb8: {  	s31 =	sshll.u32 s1, $0xD;
	s1 =	sshrl.u32 s1, $0x2  }
0xb9: {  	s3 =	sand.u32 $0x4000, s31;
	s1 =	sadd.s32 s1, s30  }
0xba: {  	s0 =	sor.u32 s3, s0;
	s1 =	sshll.u32 s1, $0x11  }
0xbb: {  	s0 =	sor.u32 s1, s0  }
0xbc: {  	s0 =	sadd.s32 $0x8F2B, s0  }
0xbd: {  	[sflag:s0] =	ssyncadd.remote.s32 $0x1  }
0xbe: {  	_ =	sfence.sel $0xFFFF  }
0xbf: {  	[dreg:$0x0] =	wrdreg $0xFFFFFFFF;
	(pc) =	sbr.abs _section_cstart, $3  }
0xc0: {  	[dreg:$0x1] =	wrdreg $0xFFFFFFFF  }
0xc1: {  	_ =	task.clear_ibuf [dreg:s7], $0x2FFFF;
	_ =	strace $0x9FFFFFFF  }
0xc2: {  	(tm) =	ssettm $0x7FFFFFFF  }
0xc3: {  	_ =	shalt  }
tec
execute0_lowered:
.L_overlay_start_1:
0x0: {  	(tag) =	ssettag $0x1  }
0x1: {  	s0 =	srdreg.scid  }
0x2: {  	s1 =	stileid.u32;
	s8 =	rddreg [dreg:$0x0]  }
0x3: {  	s2 =	rddreg [dreg:$0x1];
	s3 =	simm.s32 $0x0;
	s10 =	simm.s32 $0x40  }
0x4: {  	s11 =	simm.s32 $0x32000;
	s12 =	simm.s32 $0x3;
	s30 =	simm.s32 $0x500  }
0x5: {  	s31 =	simm.s32 $0x4;
	s15 =	simm.s32 $0x11A00;
	s16 =	simm.s32 $0x8C0  }
0x6: {  	s17 =	simm.s32 $0x12200;
	s18 =	simm.s32 $0x900;
	s19 =	simm.s32 $0x12A00  }
0x7: {  	s20 =	simm.s32 $0x940;
	s21 =	simm.s32 $0x13200;
	s22 =	simm.s32 $0x980  }
0x8: {  	s23 =	simm.s32 $0x13A00;
	s0 =	sand.u32 $0x1, s0;
	s1 =	sshll.u32 s1, $0x1  }
0x9: {  	s28 =	simm.s32 $0x14A00;
	s29 =	simm.s32 $0x2;
	s1 =	sor.u32 s0, s1  }
0xa: {  	[smem:$0x7FF] =	sst s3;
	s26 =	sadd.s32 $0x10, s8;
	s4 =	smul.u32 $0x1900, s1  }
0xb: {  	_ =	strace $0x80000047;
	s0 =	ssub.s32 $0x2, s0;
	s5 =	smul.u32 $0x900, s1  }
0xc: {  	[dreg:$0x5] =	wrdreg s26;
	s26 =	simm.s32 $0x1;
	s7 =	sshrl.u32 s0, $0x1  }
0xd: {  	s0 =	ssub.s32 s0, s7;
	s6 =	sand.u32 $0x3F000, s4;
	s5 =	sand.u32 $0xF00, s5  }
0xe: {  	v0 =	vlaneseq.u32;
	s4 =	sadd.s32 $0xF42A00, s2;
	s0 =	smax.u32 s0, $0x1;
	s6 =	sor.u32 s5, s6  }
0xf: {  	v0 =	vmul.u32 $0x48, v0;
	s5 =	sadd.s32 $0x600, s2;
	[dreg:$0x4] =	wrdreg s0;
	s24 =	sshrl.u32 s6, $0x3  }
0x10: {  	s6 =	smul.u32 $0x64, s1;
	s1 =	simm.s32 $0x0;
	s25 =	sadd.s32 s8, s24  }
0x11: {  	v1 =	vadd.s32 $0x480, v0;
	s24 =	simm.s32 $0x9C0;
	[dreg:$0x3] =	wrdreg s25;
	s25 =	simm.s32 $0x14200  }
.LBB2_1:
0x12: {  	[dreg:$0x6] =	wrdreg s1  }
0x13: {  	s0 =	rddreg [dreg:$0x3]  }
0x14: {  	[tilespmem:s3], [sflag:$0x3] =	stream.strided.gather [hbm4b:s0+s10], $0x500, s11, s10, $0x38;
	[tilespmem:$0x15300] =	vst v63  }
0x15: {  	_ =	swait.ge [sflag:s12], $0x500  }
0x16: {  	[sflag:s12] =	ssyncset.done $0x0  }
0x17: {  	s14 =	simm.s32 $0xA00;
	[sflag:s12] =	ssyncadd.s32 $0xFFFFFB00  }
0x18: {  	[tilespmem:s14], [sflag:$0x1] =	stream.indirect.gather [hbm4b:s4+s10], $0x20, s3, s10, $0xb8;
	[tilespmem:$0x15300] =	vst v63  }
0x19: {  	s1 =	simm.s32 $0x1200  }
0x1a: {  	[tilespmem:s1], [sflag:$0x1] =	stream.indirect.gather [hbm4b:s4+s10], $0x20, s10, s10, $0xb8;
	[tilespmem:$0x15300] =	vst v63  }
0x1b: {  	s2 =	simm.s32 $0x80;
	s7 =	simm.s32 $0x1A00  }
0x1c: {  	[tilespmem:s7], [sflag:$0x1] =	stream.indirect.gather [hbm4b:s4+s10], $0x20, s2, s10, $0xb8;
	[tilespmem:$0x15300] =	vst v63  }
0x1d: {  	s8 =	simm.s32 $0xC0;
	s9 =	simm.s32 $0x2200  }
0x1e: {  	[tilespmem:s9], [sflag:$0x1] =	stream.indirect.gather [hbm4b:s4+s10], $0x20, s8, s10, $0xb8;
	[tilespmem:$0x15300] =	vst v63  }
0x1f: {  	s13 =	simm.s32 $0x100;
	s14 =	simm.s32 $0x2A00  }
0x20: {  	[tilespmem:s14], [sflag:$0x1] =	stream.indirect.gather [hbm4b:s4+s10], $0x20, s13, s10, $0xb8;
	[tilespmem:$0x15300] =	vst v63  }
0x21: {  	s2 =	simm.s32 $0x140;
	s7 =	simm.s32 $0x3200  }
0x22: {  	[tilespmem:s7], [sflag:$0x1] =	stream.indirect.gather [hbm4b:s4+s10], $0x20, s2, s10, $0xb8;
	[tilespmem:$0x15300] =	vst v63  }
0x23: {  	s8 =	simm.s32 $0x180;
	s9 =	simm.s32 $0x3A00  }
0x24: {  	[tilespmem:s9], [sflag:$0x1] =	stream.indirect.gather [hbm4b:s4+s10], $0x20, s8, s10, $0xb8;
	[tilespmem:$0x15300] =	vst v63  }
0x25: {  	s13 =	simm.s32 $0x1C0;
	s14 =	simm.s32 $0x4200  }
0x26: {  	[tilespmem:s14], [sflag:$0x1] =	stream.indirect.gather [hbm4b:s4+s10], $0x20, s13, s10, $0xb8;
	[tilespmem:$0x15300] =	vst v63  }
0x27: {  	s2 =	simm.s32 $0x200;
	s7 =	simm.s32 $0x4A00  }
0x28: {  	[tilespmem:s7], [sflag:$0x1] =	stream.indirect.gather [hbm4b:s4+s10], $0x20, s2, s10, $0xb8;
	[tilespmem:$0x15300] =	vst v63  }
0x29: {  	s8 =	simm.s32 $0x240;
	s9 =	simm.s32 $0x5200  }
0x2a: {  	[tilespmem:s9], [sflag:$0x1] =	stream.indirect.gather [hbm4b:s4+s10], $0x20, s8, s10, $0xb8;
	[tilespmem:$0x15300] =	vst v63  }
0x2b: {  	s13 =	simm.s32 $0x280;
	s14 =	simm.s32 $0x5A00  }
0x2c: {  	[tilespmem:s14], [sflag:$0x1] =	stream.indirect.gather [hbm4b:s4+s10], $0x20, s13, s10, $0xb8;
	[tilespmem:$0x15300] =	vst v63  }
0x2d: {  	s2 =	simm.s32 $0x2C0;
	s7 =	simm.s32 $0x6200  }
0x2e: {  	[tilespmem:s7], [sflag:$0x1] =	stream.indirect.gather [hbm4b:s4+s10], $0x20, s2, s10, $0xb8;
	[tilespmem:$0x15300] =	vst v63  }
0x2f: {  	s8 =	simm.s32 $0x300;
	s9 =	simm.s32 $0x6A00  }
0x30: {  	[tilespmem:s9], [sflag:$0x1] =	stream.indirect.gather [hbm4b:s4+s10], $0x20, s8, s10, $0xb8;
	[tilespmem:$0x15300] =	vst v63  }
0x31: {  	s13 =	simm.s32 $0x340;
	s14 =	simm.s32 $0x7200  }
0x32: {  	[tilespmem:s14], [sflag:$0x1] =	stream.indirect.gather [hbm4b:s4+s10], $0x20, s13, s10, $0xb8;
	[tilespmem:$0x15300] =	vst v63  }
0x33: {  	s2 =	simm.s32 $0x380;
	s7 =	simm.s32 $0x7A00  }
0x34: {  	[tilespmem:s7], [sflag:$0x1] =	stream.indirect.gather [hbm4b:s4+s10], $0x20, s2, s10, $0xb8;
	[tilespmem:$0x15300] =	vst v63  }
0x35: {  	s8 =	simm.s32 $0x3C0;
	s9 =	simm.s32 $0x8200  }
0x36: {  	[tilespmem:s9], [sflag:$0x1] =	stream.indirect.gather [hbm4b:s4+s10], $0x20, s8, s10, $0xb8;
	[tilespmem:$0x15300] =	vst v63  }
0x37: {  	s13 =	simm.s32 $0x400;
	s14 =	simm.s32 $0x8A00  }
0x38: {  	[tilespmem:s14], [sflag:$0x1] =	stream.indirect.gather [hbm4b:s4+s10], $0x20, s13, s10, $0xb8;
	[tilespmem:$0x15300] =	vst v63  }
0x39: {  	s2 =	simm.s32 $0x440;
	s7 =	simm.s32 $0x9200  }
0x3a: {  	[tilespmem:s7], [sflag:$0x1] =	stream.indirect.gather [hbm4b:s4+s10], $0x20, s2, s10, $0xb8;
	[tilespmem:$0x15300] =	vst v63  }
0x3b: {  	s8 =	simm.s32 $0x480;
	s9 =	simm.s32 $0x9A00  }
0x3c: {  	[tilespmem:s9], [sflag:$0x1] =	stream.indirect.gather [hbm4b:s4+s10], $0x20, s8, s10, $0xb8;
	[tilespmem:$0x15300] =	vst v63  }
0x3d: {  	s13 =	simm.s32 $0x4C0;
	s14 =	simm.s32 $0xA200;
	s2 =	simm.s32 $0x0  }
0x3e: {  	[tilespmem:s14], [sflag:$0x1] =	stream.indirect.gather [hbm4b:s4+s10], $0x20, s13, s10, $0xb8;
	[tilespmem:$0x15300] =	vst v63  }
.LBB2_2:
0x3f: {  	s0 =	sshll.u32 s2, $0x1  }
0x40: {  	s0 =	sadd.s32 s6, s0  }
0x41: {  	s1 =	sshll.u32 s0, $0x3  }
0x42: {  	s13 =	rddreg [dreg:$0x0];
	s8 =	sand.u32 $0xFFFFE00, s1;
	s7 =	sand.u32 $0x1F0, s1  }
0x43: {  	s9 =	sor.u32 $0x8, s7;
	s8 =	sadd.s32 s13, s8  }
0x44: {  	s8 =	sadd.s32 s9, s8  }
0x45: {  	[tilespmem:s30], [sflag:$0x4] =	stream.strided.gather [hbm4b:s8+s10], $0x500, s11, s10, $0x38;
	[tilespmem:$0x15300] =	vst v63  }
0x46: {  	_ =	swait.ge [sflag:s31], $0x500  }
0x47: {  	[sflag:s31] =	ssyncset.done $0x0  }
0x48: {  	s14 =	simm.s32 $0xAA00;
	[sflag:s31] =	ssyncadd.s32 $0xFFFFFB00  }
0x49: {  	[tilespmem:s14], [sflag:$0x2] =	stream.indirect.gather [hbm4b:s4+s10], $0x20, s30, s10, $0xb8;
	[tilespmem:$0x15300] =	vst v63  }
0x4a: {  	s13 =	simm.s32 $0x540;
	s14 =	simm.s32 $0xB200  }
0x4b: {  	[tilespmem:s14], [sflag:$0x2] =	stream.indirect.gather [hbm4b:s4+s10], $0x20, s13, s10, $0xb8;
	[tilespmem:$0x15300] =	vst v63  }
0x4c: {  	s13 =	simm.s32 $0x580;
	s14 =	simm.s32 $0xBA00  }
0x4d: {  	[tilespmem:s14], [sflag:$0x2] =	stream.indirect.gather [hbm4b:s4+s10], $0x20, s13, s10, $0xb8;
	[tilespmem:$0x15300] =	vst v63  }
0x4e: {  	s13 =	simm.s32 $0x5C0;
	s14 =	simm.s32 $0xC200  }
0x4f: {  	[tilespmem:s14], [sflag:$0x2] =	stream.indirect.gather [hbm4b:s4+s10], $0x20, s13, s10, $0xb8;
	[tilespmem:$0x15300] =	vst v63  }
0x50: {  	s13 =	simm.s32 $0x600;
	s14 =	simm.s32 $0xCA00  }
0x51: {  	[tilespmem:s14], [sflag:$0x2] =	stream.indirect.gather [hbm4b:s4+s10], $0x20, s13, s10, $0xb8;
	[tilespmem:$0x15300] =	vst v63  }
0x52: {  	s13 =	simm.s32 $0x640;
	s14 =	simm.s32 $0xD200  }
0x53: {  	[tilespmem:s14], [sflag:$0x2] =	stream.indirect.gather [hbm4b:s4+s10], $0x20, s13, s10, $0xb8;
	[tilespmem:$0x15300] =	vst v63  }
0x54: {  	s13 =	simm.s32 $0x680;
	s14 =	simm.s32 $0xDA00  }
0x55: {  	[tilespmem:s14], [sflag:$0x2] =	stream.indirect.gather [hbm4b:s4+s10], $0x20, s13, s10, $0xb8;
	[tilespmem:$0x15300] =	vst v63  }
0x56: {  	s13 =	simm.s32 $0x6C0;
	s14 =	simm.s32 $0xE200  }
0x57: {  	[tilespmem:s14], [sflag:$0x2] =	stream.indirect.gather [hbm4b:s4+s10], $0x20, s13, s10, $0xb8;
	[tilespmem:$0x15300] =	vst v63  }
0x58: {  	s13 =	simm.s32 $0x700;
	s14 =	simm.s32 $0xEA00  }
0x59: {  	[tilespmem:s14], [sflag:$0x2] =	stream.indirect.gather [hbm4b:s4+s10], $0x20, s13, s10, $0xb8;
	[tilespmem:$0x15300] =	vst v63  }
0x5a: {  	s13 =	simm.s32 $0x740;
	s14 =	simm.s32 $0xF200  }
0x5b: {  	[tilespmem:s14], [sflag:$0x2] =	stream.indirect.gather [hbm4b:s4+s10], $0x20, s13, s10, $0xb8;
	[tilespmem:$0x15300] =	vst v63  }
0x5c: {  	s13 =	simm.s32 $0x780;
	s14 =	simm.s32 $0xFA00  }
0x5d: {  	[tilespmem:s14], [sflag:$0x2] =	stream.indirect.gather [hbm4b:s4+s10], $0x20, s13, s10, $0xb8;
	[tilespmem:$0x15300] =	vst v63  }
0x5e: {  	s13 =	simm.s32 $0x7C0;
	s14 =	simm.s32 $0x10200  }
0x5f: {  	[tilespmem:s14], [sflag:$0x2] =	stream.indirect.gather [hbm4b:s4+s10], $0x20, s13, s10, $0xb8;
	[tilespmem:$0x15300] =	vst v63  }
0x60: {  	s13 =	simm.s32 $0x800;
	s14 =	simm.s32 $0x10A00  }
0x61: {  	[tilespmem:s14], [sflag:$0x2] =	stream.indirect.gather [hbm4b:s4+s10], $0x20, s13, s10, $0xb8;
	[tilespmem:$0x15300] =	vst v63  }
0x62: {  	s13 =	simm.s32 $0x840;
	s14 =	simm.s32 $0x11200  }
0x63: {  	[tilespmem:s14], [sflag:$0x2] =	stream.indirect.gather [hbm4b:s4+s10], $0x20, s13, s10, $0xb8;
	[tilespmem:$0x15300] =	vst v63  }
0x64: {  	s13 =	simm.s32 $0x880  }
0x65: {  	[tilespmem:s15], [sflag:$0x2] =	stream.indirect.gather [hbm4b:s4+s10], $0x20, s13, s10, $0xb8;
	[tilespmem:$0x15300] =	vst v63  }
0x66: {  	_ = 	snop  }
0x67: {  	[tilespmem:s17], [sflag:$0x2] =	stream.indirect.gather [hbm4b:s4+s10], $0x20, s16, s10, $0xb8;
	[tilespmem:$0x15300] =	vst v63  }
0x68: {  	_ = 	snop  }
0x69: {  	[tilespmem:s19], [sflag:$0x2] =	stream.indirect.gather [hbm4b:s4+s10], $0x20, s18, s10, $0xb8;
	[tilespmem:$0x15300] =	vst v63  }
0x6a: {  	_ = 	snop  }
0x6b: {  	[tilespmem:s21], [sflag:$0x2] =	stream.indirect.gather [hbm4b:s4+s10], $0x20, s20, s10, $0xb8;
	[tilespmem:$0x15300] =	vst v63  }
0x6c: {  	_ = 	snop  }
0x6d: {  	[tilespmem:s23], [sflag:$0x2] =	stream.indirect.gather [hbm4b:s4+s10], $0x20, s22, s10, $0xb8;
	[tilespmem:$0x15300] =	vst v63  }
0x6e: {  	_ = 	snop  }
0x6f: {  	[tilespmem:s25], [sflag:$0x2] =	stream.indirect.gather [hbm4b:s4+s10], $0x20, s24, s10, $0xb8;
	[tilespmem:$0x15300] =	vst v63  }
0x70: {  	_ =	swait.ge [sflag:s26], $0x800  }
0x71: {  	[sflag:s26] =	ssyncset.done $0x0  }
0x72: {  	[sflag:s26] =	ssyncadd.s32 $0xFFFFF800  }
0x73: {  	_ =	swait.ge [sflag:s26], $0x800  }
0x74: {  	[sflag:s26] =	ssyncset.done $0x0  }
0x75: {  	[sflag:s26] =	ssyncadd.s32 $0xFFFFF800  }
0x76: {  	_ =	swait.ge [sflag:s26], $0x800  }
0x77: {  	[sflag:s26] =	ssyncset.done $0x0  }
0x78: {  	[sflag:s26] =	ssyncadd.s32 $0xFFFFF800  }
0x79: {  	_ =	swait.ge [sflag:s26], $0x800  }
0x7a: {  	[sflag:s26] =	ssyncset.done $0x0  }
0x7b: {  	[sflag:s26] =	ssyncadd.s32 $0xFFFFF800  }
0x7c: {  	_ =	swait.ge [sflag:s26], $0x800  }
0x7d: {  	[sflag:s26] =	ssyncset.done $0x0  }
0x7e: {  	[sflag:s26] =	ssyncadd.s32 $0xFFFFF800  }
0x7f: {  	_ =	swait.ge [sflag:s26], $0x800  }
0x80: {  	[sflag:s26] =	ssyncset.done $0x0  }
0x81: {  	[sflag:s26] =	ssyncadd.s32 $0xFFFFF800  }
0x82: {  	_ =	swait.ge [sflag:s26], $0x800  }
0x83: {  	[sflag:s26] =	ssyncset.done $0x0  }
0x84: {  	[sflag:s26] =	ssyncadd.s32 $0xFFFFF800  }
0x85: {  	_ =	swait.ge [sflag:s26], $0x800  }
0x86: {  	[sflag:s26] =	ssyncset.done $0x0  }
0x87: {  	[sflag:s26] =	ssyncadd.s32 $0xFFFFF800  }
0x88: {  	_ =	swait.ge [sflag:s26], $0x800  }
0x89: {  	[sflag:s26] =	ssyncset.done $0x0  }
0x8a: {  	[sflag:s26] =	ssyncadd.s32 $0xFFFFF800  }
0x8b: {  	_ =	swait.ge [sflag:s26], $0x800  }
0x8c: {  	[sflag:s26] =	ssyncset.done $0x0  }
0x8d: {  	[sflag:s26] =	ssyncadd.s32 $0xFFFFF800  }
0x8e: {  	_ =	swait.ge [sflag:s26], $0x800  }
0x8f: {  	[sflag:s26] =	ssyncset.done $0x0  }
0x90: {  	[sflag:s26] =	ssyncadd.s32 $0xFFFFF800  }
0x91: {  	_ =	swait.ge [sflag:s26], $0x800  }
0x92: {  	[sflag:s26] =	ssyncset.done $0x0  }
0x93: {  	[sflag:s26] =	ssyncadd.s32 $0xFFFFF800  }
0x94: {  	_ =	swait.ge [sflag:s26], $0x800  }
0x95: {  	[sflag:s26] =	ssyncset.done $0x0  }
0x96: {  	[sflag:s26] =	ssyncadd.s32 $0xFFFFF800  }
0x97: {  	_ =	swait.ge [sflag:s26], $0x800  }
0x98: {  	[sflag:s26] =	ssyncset.done $0x0  }
0x99: {  	[sflag:s26] =	ssyncadd.s32 $0xFFFFF800  }
0x9a: {  	_ =	swait.ge [sflag:s26], $0x800  }
0x9b: {  	[sflag:s26] =	ssyncset.done $0x0  }
0x9c: {  	[sflag:s26] =	ssyncadd.s32 $0xFFFFF800  }
0x9d: {  	_ =	swait.ge [sflag:s26], $0x800  }
0x9e: {  	[sflag:s26] =	ssyncset.done $0x0  }
0x9f: {  	[sflag:s26] =	ssyncadd.s32 $0xFFFFF800  }
0xa0: {  	_ =	swait.ge [sflag:s26], $0x800  }
0xa1: {  	[sflag:s26] =	ssyncset.done $0x0  }
0xa2: {  	[sflag:s26] =	ssyncadd.s32 $0xFFFFF800  }
0xa3: {  	_ =	swait.ge [sflag:s26], $0x800  }
0xa4: {  	[sflag:s26] =	ssyncset.done $0x0  }
0xa5: {  	[sflag:s26] =	ssyncadd.s32 $0xFFFFF800  }
0xa6: {  	_ =	swait.ge [sflag:s26], $0x800  }
0xa7: {  	[sflag:s26] =	ssyncset.done $0x0  }
0xa8: {  	[sflag:s26] =	ssyncadd.s32 $0xFFFFF800  }
0xa9: {  	_ =	swait.ge [sflag:s26], $0x800  }
0xaa: {  	[sflag:s26] =	ssyncset.done $0x0  }
0xab: {  	s8 =	simm.s32 $0xA00;
	[sflag:s26] =	ssyncadd.s32 $0xFFFFF800  }
0xac: {  	v2 =	vld [tilespmem:s8+$0x0]  }
0xad: {  	v3 =	vld [tilespmem:s8+$0x10]  }
0xae: {  	v4 =	vld [tilespmem:s8+$0x800]  }
0xaf: {  	v5 =	vld [tilespmem:s8+$0x810]  }
0xb0: {  	v6 =	vld [tilespmem:s8+$0x1000]  }
0xb1: {  	v7 =	vld [tilespmem:s8+$0x1010]  }
0xb2: {  	v8 =	vld [tilespmem:s8+$0x1800]  }
0xb3: {  	v2 =	vadd.f32 v4, v2;
	v4 =	vld [tilespmem:s8+$0x1810]  }
0xb4: {  	v3 =	vadd.f32 v5, v3;
	v5 =	vld [tilespmem:s8+$0x2000]  }
0xb5: {  	v2 =	vadd.f32 v6, v2;
	v6 =	vld [tilespmem:s8+$0x2010]  }
0xb6: {  	v3 =	vadd.f32 v7, v3;
	v7 =	vld [tilespmem:s8+$0x2800]  }
0xb7: {  	v2 =	vadd.f32 v8, v2;
	v8 =	vld [tilespmem:s8+$0x2810]  }
0xb8: {  	v3 =	vadd.f32 v4, v3;
	v4 =	vld [tilespmem:s8+$0x3000]  }
0xb9: {  	v2 =	vadd.f32 v5, v2;
	v5 =	vld [tilespmem:s8+$0x3010]  }
0xba: {  	v3 =	vadd.f32 v6, v3;
	v6 =	vld [tilespmem:s8+$0x3800]  }
0xbb: {  	v2 =	vadd.f32 v7, v2;
	v7 =	vld [tilespmem:s8+$0x3810]  }
0xbc: {  	v3 =	vadd.f32 v8, v3;
	v8 =	vld [tilespmem:s8+$0x4000]  }
0xbd: {  	v2 =	vadd.f32 v4, v2;
	v4 =	vld [tilespmem:s8+$0x4010]  }
0xbe: {  	v3 =	vadd.f32 v5, v3;
	v5 =	vld [tilespmem:s8+$0x4800]  }
0xbf: {  	v2 =	vadd.f32 v6, v2;
	v6 =	vld [tilespmem:s8+$0x4810]  }
0xc0: {  	v3 =	vadd.f32 v7, v3;
	v7 =	vld [tilespmem:s8+$0x5000]  }
0xc1: {  	v2 =	vadd.f32 v8, v2;
	v8 =	vld [tilespmem:s8+$0x5010]  }
0xc2: {  	v3 =	vadd.f32 v4, v3;
	v4 =	vld [tilespmem:s8+$0x5800]  }
0xc3: {  	v2 =	vadd.f32 v5, v2;
	v5 =	vld [tilespmem:s8+$0x5810]  }
0xc4: {  	v3 =	vadd.f32 v6, v3;
	v6 =	vld [tilespmem:s8+$0x6000]  }
0xc5: {  	v2 =	vadd.f32 v7, v2;
	v7 =	vld [tilespmem:s8+$0x6010]  }
0xc6: {  	v3 =	vadd.f32 v8, v3;
	v8 =	vld [tilespmem:s8+$0x6800]  }
0xc7: {  	v2 =	vadd.f32 v4, v2;
	v4 =	vld [tilespmem:s8+$0x6810]  }
0xc8: {  	v3 =	vadd.f32 v5, v3;
	v5 =	vld [tilespmem:s8+$0x7000]  }
0xc9: {  	v2 =	vadd.f32 v6, v2;
	v6 =	vld [tilespmem:s8+$0x7010]  }
0xca: {  	v3 =	vadd.f32 v7, v3;
	v7 =	vld [tilespmem:s8+$0x7800]  }
0xcb: {  	v2 =	vadd.f32 v8, v2;
	v8 =	vld [tilespmem:s8+$0x7810]  }
0xcc: {  	v3 =	vadd.f32 v4, v3;
	v4 =	vld [tilespmem:s8+$0x8000]  }
0xcd: {  	v2 =	vadd.f32 v5, v2;
	v5 =	vld [tilespmem:s8+$0x8010]  }
0xce: {  	v3 =	vadd.f32 v6, v3;
	v6 =	vld [tilespmem:s8+$0x8800]  }
0xcf: {  	v2 =	vadd.f32 v7, v2;
	v7 =	vld [tilespmem:s8+$0x8810]  }
0xd0: {  	v3 =	vadd.f32 v8, v3;
	v8 =	vld [tilespmem:s8+$0x9000]  }
0xd1: {  	s14 =	simm.s32 $0x0;
	v2 =	vadd.f32 v4, v2;
	v4 =	vld [tilespmem:s8+$0x9010]  }
0xd2: {  	v9 =	vmov s14;
	v3 =	vadd.f32 v5, v3;
	v5 =	vld [tilespmem:s8+$0x9800]  }
0xd3: {  	v9 =	vand.u32 $0x3E, v9;
	v2 =	vadd.f32 v6, v2;
	v6 =	vld [tilespmem:s8+$0x9810]  }
0xd4: {  	v3 =	vadd.f32 v7, v3;
	v7 =	vadd.s32 v0, v9  }
0xd5: {  	v2 =	vadd.f32 v8, v2;
	v8 =	vadd.s32 v1, v9  }
0xd6: {  	v3 =	vadd.f32 v4, v3  }
0xd7: {  	v2 =	vadd.f32 v5, v2  }
0xd8: {  	v3 =	vadd.f32 v6, v3  }
0xd9: {  	[tilespmem:v7+s28+$0x0] =	vst.idx.msk $0xffff, v2  }
0xda: {  	[tilespmem:v8+s28+$0x0] =	vst.idx.msk $0xffff, v3  }
0xdb: {  	v2 =	vld [tilespmem:s8+$0x820]  }
0xdc: {  	v3 =	vld [tilespmem:s8+$0x830]  }
0xdd: {  	v4 =	vld [tilespmem:s8+$0x20]  }
0xde: {  	v5 =	vld [tilespmem:s8+$0x30]  }
0xdf: {  	v6 =	vld [tilespmem:s8+$0x1020]  }
0xe0: {  	v7 =	vld [tilespmem:s8+$0x1030]  }
0xe1: {  	v8 =	vld [tilespmem:s8+$0x1820]  }
0xe2: {  	v2 =	vadd.f32 v2, v4;
	v4 =	vld [tilespmem:s8+$0x1830]  }
0xe3: {  	v3 =	vadd.f32 v3, v5;
	v5 =	vld [tilespmem:s8+$0x2020]  }
0xe4: {  	v2 =	vadd.f32 v6, v2;
	v6 =	vld [tilespmem:s8+$0x2030]  }
0xe5: {  	v3 =	vadd.f32 v7, v3;
	v7 =	vld [tilespmem:s8+$0x2820]  }
0xe6: {  	v2 =	vadd.f32 v8, v2;
	v8 =	vld [tilespmem:s8+$0x2830]  }
0xe7: {  	v3 =	vadd.f32 v4, v3;
	v4 =	vld [tilespmem:s8+$0x3020]  }
0xe8: {  	v2 =	vadd.f32 v5, v2;
	v5 =	vld [tilespmem:s8+$0x3030]  }
0xe9: {  	v3 =	vadd.f32 v6, v3;
	v6 =	vld [tilespmem:s8+$0x3820]  }
0xea: {  	v2 =	vadd.f32 v7, v2;
	v7 =	vld [tilespmem:s8+$0x3830]  }
0xeb: {  	v3 =	vadd.f32 v8, v3;
	v8 =	vld [tilespmem:s8+$0x4020]  }
0xec: {  	v2 =	vadd.f32 v4, v2;
	v4 =	vld [tilespmem:s8+$0x4030]  }
0xed: {  	v3 =	vadd.f32 v5, v3;
	v5 =	vld [tilespmem:s8+$0x4820]  }
0xee: {  	v2 =	vadd.f32 v6, v2;
	v6 =	vld [tilespmem:s8+$0x4830]  }
0xef: {  	v3 =	vadd.f32 v7, v3;
	v7 =	vld [tilespmem:s8+$0x5020]  }
0xf0: {  	v2 =	vadd.f32 v8, v2;
	v8 =	vld [tilespmem:s8+$0x5030]  }
0xf1: {  	v3 =	vadd.f32 v4, v3;
	v4 =	vld [tilespmem:s8+$0x5820]  }
0xf2: {  	v2 =	vadd.f32 v5, v2;
	v5 =	vld [tilespmem:s8+$0x5830]  }
0xf3: {  	v3 =	vadd.f32 v6, v3;
	v6 =	vld [tilespmem:s8+$0x6020]  }
0xf4: {  	v2 =	vadd.f32 v7, v2;
	v7 =	vld [tilespmem:s8+$0x6030]  }
0xf5: {  	v3 =	vadd.f32 v8, v3;
	v8 =	vld [tilespmem:s8+$0x6820]  }
0xf6: {  	v2 =	vadd.f32 v4, v2;
	v4 =	vld [tilespmem:s8+$0x6830]  }
0xf7: {  	v3 =	vadd.f32 v5, v3;
	v5 =	vld [tilespmem:s8+$0x7020]  }
0xf8: {  	v2 =	vadd.f32 v6, v2;
	v6 =	vld [tilespmem:s8+$0x7030]  }
0xf9: {  	v3 =	vadd.f32 v7, v3;
	v7 =	vld [tilespmem:s8+$0x7820]  }
0xfa: {  	v2 =	vadd.f32 v8, v2;
	v8 =	vld [tilespmem:s8+$0x7830]  }
0xfb: {  	v3 =	vadd.f32 v4, v3;
	v4 =	vld [tilespmem:s8+$0x8020]  }
0xfc: {  	v2 =	vadd.f32 v5, v2;
	v5 =	vld [tilespmem:s8+$0x8030]  }
0xfd: {  	v3 =	vadd.f32 v6, v3;
	v6 =	vld [tilespmem:s8+$0x8820]  }
0xfe: {  	v2 =	vadd.f32 v7, v2;
	v7 =	vld [tilespmem:s8+$0x8830]  }
0xff: {  	v3 =	vadd.f32 v8, v3;
	v8 =	vld [tilespmem:s8+$0x9020]  }
0x100: {  	v4 =	vadd.f32 v4, v2  }
0x101: {  	s14 =	simm.s32 $0x1;
	v2 =	vld [tilespmem:s8+$0x9030];
	v5 =	vadd.f32 v5, v3  }
0x102: {  	v9 =	vmov s14;
	v3 =	vld [tilespmem:s8+$0x9820];
	v6 =	vadd.f32 v6, v4  }
0x103: {  	v9 =	vand.u32 $0x3F, v9;
	v4 =	vld [tilespmem:s8+$0x9830];
	v7 =	vadd.f32 v7, v5  }
0x104: {  	s13 =	simm.s32 $0x2;
	v5 =	vadd.s32 v0, v9;
	v8 =	vadd.f32 v8, v6;
	v6 =	vadd.s32 v1, v9  }
.LBB2_3:
0x105: {  	p0 =	slt.u32 s13, $0x3E  }
0x106: {  	v2 =	vadd.f32 v2, v7;
	s8 =	sadd.s32 $0x40, s8;
	s14 =	smov.u32 s13;
	s13 =	sadd.s32 $0x2, s13  }
0x107: {  	v3 =	vadd.f32 v3, v8  }
0x108: {  	v2 =	vadd.f32 v4, v2  }
0x109: {  	[tilespmem:v5+s28+$0x0] =	vst.idx.msk $0xffff, v3  }
0x10a: {  	[tilespmem:v6+s28+$0x0] =	vst.idx.msk $0xffff, v2  }
0x10b: {  	v2 =	vld [tilespmem:s8+$0x0]  }
0x10c: {  	v3 =	vld [tilespmem:s8+$0x10]  }
0x10d: {  	v4 =	vld [tilespmem:s8+$0x800]  }
0x10e: {  	v5 =	vld [tilespmem:s8+$0x810]  }
0x10f: {  	v6 =	vld [tilespmem:s8+$0x1000]  }
0x110: {  	v7 =	vld [tilespmem:s8+$0x1010]  }
0x111: {  	v8 =	vld [tilespmem:s8+$0x1800]  }
0x112: {  	v2 =	vadd.f32 v4, v2;
	v4 =	vld [tilespmem:s8+$0x1810]  }
0x113: {  	v3 =	vadd.f32 v5, v3;
	v5 =	vld [tilespmem:s8+$0x2000]  }
0x114: {  	v2 =	vadd.f32 v6, v2;
	v6 =	vld [tilespmem:s8+$0x2010]  }
0x115: {  	v3 =	vadd.f32 v7, v3;
	v7 =	vld [tilespmem:s8+$0x2800]  }
0x116: {  	v2 =	vadd.f32 v8, v2;
	v8 =	vld [tilespmem:s8+$0x2810]  }
0x117: {  	v3 =	vadd.f32 v4, v3;
	v4 =	vld [tilespmem:s8+$0x3000]  }
0x118: {  	v2 =	vadd.f32 v5, v2;
	v5 =	vld [tilespmem:s8+$0x3010]  }
0x119: {  	v3 =	vadd.f32 v6, v3;
	v6 =	vld [tilespmem:s8+$0x3800]  }
0x11a: {  	v2 =	vadd.f32 v7, v2;
	v7 =	vld [tilespmem:s8+$0x3810]  }
0x11b: {  	v3 =	vadd.f32 v8, v3;
	v8 =	vld [tilespmem:s8+$0x4000]  }
0x11c: {  	v2 =	vadd.f32 v4, v2;
	v4 =	vld [tilespmem:s8+$0x4010]  }
0x11d: {  	v3 =	vadd.f32 v5, v3;
	v5 =	vld [tilespmem:s8+$0x4800]  }
0x11e: {  	v2 =	vadd.f32 v6, v2;
	v6 =	vld [tilespmem:s8+$0x4810]  }
0x11f: {  	v3 =	vadd.f32 v7, v3;
	v7 =	vld [tilespmem:s8+$0x5000]  }
0x120: {  	v2 =	vadd.f32 v8, v2;
	v8 =	vld [tilespmem:s8+$0x5010]  }
0x121: {  	v3 =	vadd.f32 v4, v3;
	v4 =	vld [tilespmem:s8+$0x5800]  }
0x122: {  	v2 =	vadd.f32 v5, v2;
	v5 =	vld [tilespmem:s8+$0x5810]  }
0x123: {  	v3 =	vadd.f32 v6, v3;
	v6 =	vld [tilespmem:s8+$0x6000]  }
0x124: {  	v2 =	vadd.f32 v7, v2;
	v7 =	vld [tilespmem:s8+$0x6010]  }
0x125: {  	v3 =	vadd.f32 v8, v3;
	v8 =	vld [tilespmem:s8+$0x6800]  }
0x126: {  	v2 =	vadd.f32 v4, v2;
	v4 =	vld [tilespmem:s8+$0x6810]  }
0x127: {  	v3 =	vadd.f32 v5, v3;
	v5 =	vld [tilespmem:s8+$0x7000]  }
0x128: {  	v2 =	vadd.f32 v6, v2;
	v6 =	vld [tilespmem:s8+$0x7010]  }
0x129: {  	v3 =	vadd.f32 v7, v3;
	v7 =	vld [tilespmem:s8+$0x7800]  }
0x12a: {  	v2 =	vadd.f32 v8, v2;
	v8 =	vld [tilespmem:s8+$0x7810]  }
0x12b: {  	v3 =	vadd.f32 v4, v3;
	v4 =	vld [tilespmem:s8+$0x8000]  }
0x12c: {  	v2 =	vadd.f32 v5, v2;
	v5 =	vld [tilespmem:s8+$0x8010]  }
0x12d: {  	v3 =	vadd.f32 v6, v3;
	v6 =	vld [tilespmem:s8+$0x8800]  }
0x12e: {  	v2 =	vadd.f32 v7, v2;
	v7 =	vld [tilespmem:s8+$0x8810]  }
0x12f: {  	v3 =	vadd.f32 v8, v3;
	v8 =	vld [tilespmem:s8+$0x9000]  }
0x130: {  	v2 =	vadd.f32 v4, v2;
	v4 =	vld [tilespmem:s8+$0x9010]  }
0x131: {  	v9 =	vmov s14;
	v3 =	vadd.f32 v5, v3;
	v5 =	vld [tilespmem:s8+$0x9800]  }
0x132: {  	v9 =	vand.u32 $0x3E, v9;
	v2 =	vadd.f32 v6, v2;
	v6 =	vld [tilespmem:s8+$0x9810]  }
0x133: {  	v3 =	vadd.f32 v7, v3;
	v7 =	vadd.s32 v0, v9  }
0x134: {  	v2 =	vadd.f32 v8, v2;
	v8 =	vadd.s32 v1, v9  }
0x135: {  	v3 =	vadd.f32 v4, v3  }
0x136: {  	v2 =	vadd.f32 v5, v2  }
0x137: {  	v3 =	vadd.f32 v6, v3  }
0x138: {  	[tilespmem:v7+s28+$0x0] =	vst.idx.msk $0xffff, v2  }
0x139: {  	[tilespmem:v8+s28+$0x0] =	vst.idx.msk $0xffff, v3  }
0x13a: {  	v2 =	vld [tilespmem:s8+$0x1020]  }
0x13b: {  	v3 =	vld [tilespmem:s8+$0x820]  }
0x13c: {  	v4 =	vld [tilespmem:s8+$0x830]  }
0x13d: {  	v5 =	vld [tilespmem:s8+$0x20]  }
0x13e: {  	v6 =	vld [tilespmem:s8+$0x30];
	_ =	sdelay $0x1  }
0x13f: {  	v7 =	vld [tilespmem:s8+$0x1030]  }
0x140: {  	v8 =	vld [tilespmem:s8+$0x1820]  }
0x141: {  	v3 =	vadd.f32 v3, v5;
	v5 =	vld [tilespmem:s8+$0x1830]  }
0x142: {  	v4 =	vadd.f32 v4, v6;
	v6 =	vld [tilespmem:s8+$0x2020]  }
0x143: {  	v2 =	vadd.f32 v2, v3;
	v3 =	vld [tilespmem:s8+$0x2030]  }
0x144: {  	v4 =	vadd.f32 v7, v4;
	v7 =	vld [tilespmem:s8+$0x2820]  }
0x145: {  	v2 =	vadd.f32 v8, v2;
	v8 =	vld [tilespmem:s8+$0x2830]  }
0x146: {  	v4 =	vadd.f32 v5, v4;
	v5 =	vld [tilespmem:s8+$0x3020]  }
0x147: {  	v2 =	vadd.f32 v6, v2;
	v6 =	vld [tilespmem:s8+$0x3030]  }
0x148: {  	v3 =	vadd.f32 v3, v4;
	v4 =	vld [tilespmem:s8+$0x3820]  }
0x149: {  	v2 =	vadd.f32 v7, v2;
	v7 =	vld [tilespmem:s8+$0x3830]  }
0x14a: {  	v3 =	vadd.f32 v8, v3;
	v8 =	vld [tilespmem:s8+$0x4020]  }
0x14b: {  	v2 =	vadd.f32 v5, v2;
	v5 =	vld [tilespmem:s8+$0x4030]  }
0x14c: {  	v3 =	vadd.f32 v6, v3;
	v6 =	vld [tilespmem:s8+$0x4820]  }
0x14d: {  	v2 =	vadd.f32 v4, v2;
	v4 =	vld [tilespmem:s8+$0x4830]  }
0x14e: {  	v3 =	vadd.f32 v7, v3;
	v7 =	vld [tilespmem:s8+$0x5020]  }
0x14f: {  	v2 =	vadd.f32 v8, v2;
	v8 =	vld [tilespmem:s8+$0x5030]  }
0x150: {  	v3 =	vadd.f32 v5, v3;
	v5 =	vld [tilespmem:s8+$0x5820]  }
0x151: {  	v2 =	vadd.f32 v6, v2;
	v6 =	vld [tilespmem:s8+$0x5830]  }
0x152: {  	v3 =	vadd.f32 v4, v3;
	v4 =	vld [tilespmem:s8+$0x6020]  }
0x153: {  	v2 =	vadd.f32 v7, v2;
	v7 =	vld [tilespmem:s8+$0x6030]  }
0x154: {  	v3 =	vadd.f32 v8, v3;
	v8 =	vld [tilespmem:s8+$0x6820]  }
0x155: {  	v2 =	vadd.f32 v5, v2;
	v5 =	vld [tilespmem:s8+$0x6830]  }
0x156: {  	v3 =	vadd.f32 v6, v3;
	v6 =	vld [tilespmem:s8+$0x7020]  }
0x157: {  	v2 =	vadd.f32 v4, v2;
	v4 =	vld [tilespmem:s8+$0x7030]  }
0x158: {  	v3 =	vadd.f32 v7, v3;
	v7 =	vld [tilespmem:s8+$0x7820]  }
0x159: {  	v2 =	vadd.f32 v8, v2;
	v8 =	vld [tilespmem:s8+$0x7830]  }
0x15a: {  	v3 =	vadd.f32 v5, v3;
	v5 =	vld [tilespmem:s8+$0x8020]  }
0x15b: {  	v2 =	vadd.f32 v6, v2;
	v6 =	vld [tilespmem:s8+$0x8030]  }
0x15c: {  	v3 =	vadd.f32 v4, v3;
	v4 =	vld [tilespmem:s8+$0x8820]  }
0x15d: {  	v2 =	vadd.f32 v7, v2;
	v7 =	vld [tilespmem:s8+$0x8830]  }
0x15e: {  	v3 =	vadd.f32 v8, v3;
	v8 =	vld [tilespmem:s8+$0x9020]  }
.Ltmp0:
0x15f: {  	s14 =	sadd.s32 $0x1, s14;
	v5 =	vadd.f32 v5, v2;
	v2 =	vld [tilespmem:s8+$0x9030];
	(pc) =	sbr.rel @p0 .LBB2_3-.Ltmp0, $4  }
0x160: {  	v9 =	vmov s14;
	v6 =	vadd.f32 v6, v3;
	v3 =	vld [tilespmem:s8+$0x9820]  }
0x161: {  	v9 =	vand.u32 $0x3F, v9;
	v10 =	vadd.f32 v4, v5;
	v4 =	vld [tilespmem:s8+$0x9830]  }
0x162: {  	v5 =	vadd.s32 v0, v9;
	v7 =	vadd.f32 v7, v6  }
0x163: {  	v6 =	vadd.s32 v1, v9;
	v8 =	vadd.f32 v8, v10  }
0x164: {  	_ = 	snop  }
0x165: {  	v2 =	vadd.f32 v2, v7  }
0x166: {  	v3 =	vadd.f32 v3, v8  }
0x167: {  	s0 =	sshll.u32 s0, $0x8;
	v2 =	vadd.f32 v4, v2  }
0x168: {  	s7 =	sadd.s32 s5, s7;
	s0 =	sand.u32 $0xFFFC000, s0;
	[tilespmem:v5+s28+$0x0] =	vst.idx.msk $0xffff, v3  }
0x169: {  	s8 =	simm.s32 $0x14A00;
	s7 =	sadd.s32 s0, s7;
	[tilespmem:v6+s28+$0x0] =	vst.idx.msk $0xffff, v2  }
0x16a: {  	[hbm4b:s7+s3] =	stream.linear.scatter [tilespmem:s8], [sflag:$0x4], $0x40, $0x38;
	[tilespmem:$0x15300] =	vst v63  }
0x16b: {  	s8 =	simm.s32 $0x120  }
.LBB2_5:
0x16c: {  	p0 =	sne.s32 s8, $0x22E0  }
.Ltmp1:
0x16d: {  	_ = 	snop;
	(pc) =	sbr.rel @p0 .LBB2_5-.Ltmp1, $4  }
0x16e: {  	_ = 	snop  }
0x16f: {  	s13 =	sshra.s32 s8, $0x2;
	s8 =	sadd.s32 $0x120, s8  }
0x170: {  	s7 =	sadd.s32 $0x200, s7;
	s13 =	sadd.s32 $0x14A00, s13  }
0x171: {  	[hbm4b:s7+s3] =	stream.linear.scatter [tilespmem:s13], [sflag:$0x4], $0x40, $0x38;
	[tilespmem:$0x15300] =	vst v63  }
0x172: {  	p0 =	seq.s32 s2, $0x31  }
.Ltmp2:
0x173: {  	_ = 	snop;
	(pc) =	sbr.rel @p0 .LBB2_8-.Ltmp2, $4  }
0x174: {  	_ = 	snop  }
0x175: {  	_ =	swait.ge [sflag:s31], $0x800  }
0x176: {  	[sflag:s31] =	ssyncset.done $0x0  }
0x177: {  	[sflag:s31] =	ssyncadd.s32 $0xFFFFF800  }
0x178: {  	s7 =	rddreg [dreg:$0x5]  }
0x179: {  	s1 =	sadd.s32 s7, s1  }
0x17a: {  	[tilespmem:s3], [sflag:$0x4] =	stream.strided.gather [hbm4b:s1+s10], $0x500, s11, s10, $0x38;
	[tilespmem:$0x15300] =	vst v63  }
0x17b: {  	_ =	swait.ge [sflag:s31], $0x500  }
0x17c: {  	[sflag:s31] =	ssyncset.done $0x0  }
0x17d: {  	s13 =	simm.s32 $0xA00;
	[sflag:s31] =	ssyncadd.s32 $0xFFFFFB00  }
0x17e: {  	[tilespmem:s13], [sflag:$0x1] =	stream.indirect.gather [hbm4b:s4+s10], $0x20, s3, s10, $0xb8;
	[tilespmem:$0x15300] =	vst v63  }
0x17f: {  	s14 =	simm.s32 $0x1200  }
0x180: {  	[tilespmem:s14], [sflag:$0x1] =	stream.indirect.gather [hbm4b:s4+s10], $0x20, s10, s10, $0xb8;
	[tilespmem:$0x15300] =	vst v63  }
0x181: {  	s8 =	simm.s32 $0x1A00;
	s7 =	simm.s32 $0x80  }
0x182: {  	[tilespmem:s8], [sflag:$0x1] =	stream.indirect.gather [hbm4b:s4+s10], $0x20, s7, s10, $0xb8;
	[tilespmem:$0x15300] =	vst v63  }
0x183: {  	s13 =	simm.s32 $0xC0;
	s14 =	simm.s32 $0x2200  }
0x184: {  	[tilespmem:s14], [sflag:$0x1] =	stream.indirect.gather [hbm4b:s4+s10], $0x20, s13, s10, $0xb8;
	[tilespmem:$0x15300] =	vst v63  }
0x185: {  	s7 =	simm.s32 $0x100;
	s8 =	simm.s32 $0x2A00  }
0x186: {  	[tilespmem:s8], [sflag:$0x1] =	stream.indirect.gather [hbm4b:s4+s10], $0x20, s7, s10, $0xb8;
	[tilespmem:$0x15300] =	vst v63  }
0x187: {  	s13 =	simm.s32 $0x140;
	s14 =	simm.s32 $0x3200  }
0x188: {  	[tilespmem:s14], [sflag:$0x1] =	stream.indirect.gather [hbm4b:s4+s10], $0x20, s13, s10, $0xb8;
	[tilespmem:$0x15300] =	vst v63  }
0x189: {  	s7 =	simm.s32 $0x180;
	s8 =	simm.s32 $0x3A00  }
0x18a: {  	[tilespmem:s8], [sflag:$0x1] =	stream.indirect.gather [hbm4b:s4+s10], $0x20, s7, s10, $0xb8;
	[tilespmem:$0x15300] =	vst v63  }
0x18b: {  	s13 =	simm.s32 $0x1C0;
	s14 =	simm.s32 $0x4200  }
0x18c: {  	[tilespmem:s14], [sflag:$0x1] =	stream.indirect.gather [hbm4b:s4+s10], $0x20, s13, s10, $0xb8;
	[tilespmem:$0x15300] =	vst v63  }
0x18d: {  	s7 =	simm.s32 $0x200;
	s8 =	simm.s32 $0x4A00  }
0x18e: {  	[tilespmem:s8], [sflag:$0x1] =	stream.indirect.gather [hbm4b:s4+s10], $0x20, s7, s10, $0xb8;
	[tilespmem:$0x15300] =	vst v63  }
0x18f: {  	s13 =	simm.s32 $0x240;
	s14 =	simm.s32 $0x5200  }
0x190: {  	[tilespmem:s14], [sflag:$0x1] =	stream.indirect.gather [hbm4b:s4+s10], $0x20, s13, s10, $0xb8;
	[tilespmem:$0x15300] =	vst v63  }
0x191: {  	s7 =	simm.s32 $0x280;
	s8 =	simm.s32 $0x5A00  }
0x192: {  	[tilespmem:s8], [sflag:$0x1] =	stream.indirect.gather [hbm4b:s4+s10], $0x20, s7, s10, $0xb8;
	[tilespmem:$0x15300] =	vst v63  }
0x193: {  	s13 =	simm.s32 $0x2C0;
	s14 =	simm.s32 $0x6200  }
0x194: {  	[tilespmem:s14], [sflag:$0x1] =	stream.indirect.gather [hbm4b:s4+s10], $0x20, s13, s10, $0xb8;
	[tilespmem:$0x15300] =	vst v63  }
0x195: {  	s7 =	simm.s32 $0x300;
	s8 =	simm.s32 $0x6A00  }
0x196: {  	[tilespmem:s8], [sflag:$0x1] =	stream.indirect.gather [hbm4b:s4+s10], $0x20, s7, s10, $0xb8;
	[tilespmem:$0x15300] =	vst v63  }
0x197: {  	s13 =	simm.s32 $0x340;
	s14 =	simm.s32 $0x7200  }
0x198: {  	[tilespmem:s14], [sflag:$0x1] =	stream.indirect.gather [hbm4b:s4+s10], $0x20, s13, s10, $0xb8;
	[tilespmem:$0x15300] =	vst v63  }
0x199: {  	s7 =	simm.s32 $0x380;
	s8 =	simm.s32 $0x7A00  }
0x19a: {  	[tilespmem:s8], [sflag:$0x1] =	stream.indirect.gather [hbm4b:s4+s10], $0x20, s7, s10, $0xb8;
	[tilespmem:$0x15300] =	vst v63  }
0x19b: {  	s13 =	simm.s32 $0x3C0;
	s14 =	simm.s32 $0x8200  }
0x19c: {  	[tilespmem:s14], [sflag:$0x1] =	stream.indirect.gather [hbm4b:s4+s10], $0x20, s13, s10, $0xb8;
	[tilespmem:$0x15300] =	vst v63  }
0x19d: {  	s7 =	simm.s32 $0x400;
	s8 =	simm.s32 $0x8A00  }
0x19e: {  	[tilespmem:s8], [sflag:$0x1] =	stream.indirect.gather [hbm4b:s4+s10], $0x20, s7, s10, $0xb8;
	[tilespmem:$0x15300] =	vst v63  }
0x19f: {  	s13 =	simm.s32 $0x440;
	s14 =	simm.s32 $0x9200  }
0x1a0: {  	[tilespmem:s14], [sflag:$0x1] =	stream.indirect.gather [hbm4b:s4+s10], $0x20, s13, s10, $0xb8;
	[tilespmem:$0x15300] =	vst v63  }
0x1a1: {  	s7 =	simm.s32 $0x480;
	s8 =	simm.s32 $0x9A00  }
0x1a2: {  	[tilespmem:s8], [sflag:$0x1] =	stream.indirect.gather [hbm4b:s4+s10], $0x20, s7, s10, $0xb8;
	[tilespmem:$0x15300] =	vst v63  }
0x1a3: {  	s13 =	simm.s32 $0x4C0;
	s14 =	simm.s32 $0xA200  }
0x1a4: {  	[tilespmem:s14], [sflag:$0x1] =	stream.indirect.gather [hbm4b:s4+s10], $0x20, s13, s10, $0xb8;
	[tilespmem:$0x15300] =	vst v63  }
.LBB2_8:
0x1a5: {  	_ =	swait.ge [sflag:s29], $0x800  }
0x1a6: {  	[sflag:s29] =	ssyncset.done $0x0  }
0x1a7: {  	[sflag:s29] =	ssyncadd.s32 $0xFFFFF800  }
0x1a8: {  	_ =	swait.ge [sflag:s29], $0x800  }
0x1a9: {  	[sflag:s29] =	ssyncset.done $0x0  }
0x1aa: {  	[sflag:s29] =	ssyncadd.s32 $0xFFFFF800  }
0x1ab: {  	_ =	swait.ge [sflag:s29], $0x800  }
0x1ac: {  	[sflag:s29] =	ssyncset.done $0x0  }
0x1ad: {  	[sflag:s29] =	ssyncadd.s32 $0xFFFFF800  }
0x1ae: {  	_ =	swait.ge [sflag:s29], $0x800  }
0x1af: {  	[sflag:s29] =	ssyncset.done $0x0  }
0x1b0: {  	[sflag:s29] =	ssyncadd.s32 $0xFFFFF800  }
0x1b1: {  	_ =	swait.ge [sflag:s29], $0x800  }
0x1b2: {  	[sflag:s29] =	ssyncset.done $0x0  }
0x1b3: {  	[sflag:s29] =	ssyncadd.s32 $0xFFFFF800  }
0x1b4: {  	_ =	swait.ge [sflag:s29], $0x800  }
0x1b5: {  	[sflag:s29] =	ssyncset.done $0x0  }
0x1b6: {  	[sflag:s29] =	ssyncadd.s32 $0xFFFFF800  }
0x1b7: {  	_ =	swait.ge [sflag:s29], $0x800  }
0x1b8: {  	[sflag:s29] =	ssyncset.done $0x0  }
0x1b9: {  	[sflag:s29] =	ssyncadd.s32 $0xFFFFF800  }
0x1ba: {  	_ =	swait.ge [sflag:s29], $0x800  }
0x1bb: {  	[sflag:s29] =	ssyncset.done $0x0  }
0x1bc: {  	[sflag:s29] =	ssyncadd.s32 $0xFFFFF800  }
0x1bd: {  	_ =	swait.ge [sflag:s29], $0x800  }
0x1be: {  	[sflag:s29] =	ssyncset.done $0x0  }
0x1bf: {  	[sflag:s29] =	ssyncadd.s32 $0xFFFFF800  }
0x1c0: {  	_ =	swait.ge [sflag:s29], $0x800  }
0x1c1: {  	[sflag:s29] =	ssyncset.done $0x0  }
0x1c2: {  	[sflag:s29] =	ssyncadd.s32 $0xFFFFF800  }
0x1c3: {  	_ =	swait.ge [sflag:s29], $0x800  }
0x1c4: {  	[sflag:s29] =	ssyncset.done $0x0  }
0x1c5: {  	[sflag:s29] =	ssyncadd.s32 $0xFFFFF800  }
0x1c6: {  	_ =	swait.ge [sflag:s29], $0x800  }
0x1c7: {  	[sflag:s29] =	ssyncset.done $0x0  }
0x1c8: {  	[sflag:s29] =	ssyncadd.s32 $0xFFFFF800  }
0x1c9: {  	_ =	swait.ge [sflag:s29], $0x800  }
0x1ca: {  	[sflag:s29] =	ssyncset.done $0x0  }
0x1cb: {  	[sflag:s29] =	ssyncadd.s32 $0xFFFFF800  }
0x1cc: {  	_ =	swait.ge [sflag:s29], $0x800  }
0x1cd: {  	[sflag:s29] =	ssyncset.done $0x0  }
0x1ce: {  	[sflag:s29] =	ssyncadd.s32 $0xFFFFF800  }
0x1cf: {  	_ =	swait.ge [sflag:s29], $0x800  }
0x1d0: {  	[sflag:s29] =	ssyncset.done $0x0  }
0x1d1: {  	[sflag:s29] =	ssyncadd.s32 $0xFFFFF800  }
0x1d2: {  	_ =	swait.ge [sflag:s29], $0x800  }
0x1d3: {  	[sflag:s29] =	ssyncset.done $0x0  }
0x1d4: {  	[sflag:s29] =	ssyncadd.s32 $0xFFFFF800  }
0x1d5: {  	_ =	swait.ge [sflag:s29], $0x800  }
0x1d6: {  	[sflag:s29] =	ssyncset.done $0x0  }
0x1d7: {  	[sflag:s29] =	ssyncadd.s32 $0xFFFFF800  }
0x1d8: {  	_ =	swait.ge [sflag:s29], $0x800  }
0x1d9: {  	[sflag:s29] =	ssyncset.done $0x0  }
0x1da: {  	[sflag:s29] =	ssyncadd.s32 $0xFFFFF800  }
0x1db: {  	_ =	swait.ge [sflag:s29], $0x800  }
0x1dc: {  	[sflag:s29] =	ssyncset.done $0x0  }
0x1dd: {  	[sflag:s29] =	ssyncadd.s32 $0xFFFFF800  }
0x1de: {  	_ =	swait.ge [sflag:s29], $0x800  }
0x1df: {  	[sflag:s29] =	ssyncset.done $0x0  }
0x1e0: {  	s1 =	simm.s32 $0xAA00;
	[sflag:s29] =	ssyncadd.s32 $0xFFFFF800  }
0x1e1: {  	v2 =	vld [tilespmem:s1+$0x0]  }
0x1e2: {  	v3 =	vld [tilespmem:s1+$0x10]  }
0x1e3: {  	v4 =	vld [tilespmem:s1+$0x800]  }
0x1e4: {  	v5 =	vld [tilespmem:s1+$0x810]  }
0x1e5: {  	v6 =	vld [tilespmem:s1+$0x1000]  }
0x1e6: {  	v7 =	vld [tilespmem:s1+$0x1010]  }
0x1e7: {  	v8 =	vld [tilespmem:s1+$0x1800]  }
0x1e8: {  	v2 =	vadd.f32 v4, v2;
	v4 =	vld [tilespmem:s1+$0x1810]  }
0x1e9: {  	v3 =	vadd.f32 v5, v3;
	v5 =	vld [tilespmem:s1+$0x2000]  }
0x1ea: {  	v2 =	vadd.f32 v6, v2;
	v6 =	vld [tilespmem:s1+$0x2010]  }
0x1eb: {  	v3 =	vadd.f32 v7, v3;
	v7 =	vld [tilespmem:s1+$0x2800]  }
0x1ec: {  	v2 =	vadd.f32 v8, v2;
	v8 =	vld [tilespmem:s1+$0x2810]  }
0x1ed: {  	v3 =	vadd.f32 v4, v3;
	v4 =	vld [tilespmem:s1+$0x3000]  }
0x1ee: {  	v2 =	vadd.f32 v5, v2;
	v5 =	vld [tilespmem:s1+$0x3010]  }
0x1ef: {  	v3 =	vadd.f32 v6, v3;
	v6 =	vld [tilespmem:s1+$0x3800]  }
0x1f0: {  	v2 =	vadd.f32 v7, v2;
	v7 =	vld [tilespmem:s1+$0x3810]  }
0x1f1: {  	v3 =	vadd.f32 v8, v3;
	v8 =	vld [tilespmem:s1+$0x4000]  }
0x1f2: {  	v2 =	vadd.f32 v4, v2;
	v4 =	vld [tilespmem:s1+$0x4010]  }
0x1f3: {  	v3 =	vadd.f32 v5, v3;
	v5 =	vld [tilespmem:s1+$0x4800]  }
0x1f4: {  	v2 =	vadd.f32 v6, v2;
	v6 =	vld [tilespmem:s1+$0x4810]  }
0x1f5: {  	v3 =	vadd.f32 v7, v3;
	v7 =	vld [tilespmem:s1+$0x5000]  }
0x1f6: {  	v2 =	vadd.f32 v8, v2;
	v8 =	vld [tilespmem:s1+$0x5010]  }
0x1f7: {  	v3 =	vadd.f32 v4, v3;
	v4 =	vld [tilespmem:s1+$0x5800]  }
0x1f8: {  	v2 =	vadd.f32 v5, v2;
	v5 =	vld [tilespmem:s1+$0x5810]  }
0x1f9: {  	v3 =	vadd.f32 v6, v3;
	v6 =	vld [tilespmem:s1+$0x6000]  }
0x1fa: {  	v2 =	vadd.f32 v7, v2;
	v7 =	vld [tilespmem:s1+$0x6010]  }
0x1fb: {  	v3 =	vadd.f32 v8, v3;
	v8 =	vld [tilespmem:s1+$0x6800]  }
0x1fc: {  	v2 =	vadd.f32 v4, v2;
	v4 =	vld [tilespmem:s1+$0x6810]  }
0x1fd: {  	v3 =	vadd.f32 v5, v3;
	v5 =	vld [tilespmem:s1+$0x7000]  }
0x1fe: {  	v2 =	vadd.f32 v6, v2;
	v6 =	vld [tilespmem:s1+$0x7010]  }
0x1ff: {  	v3 =	vadd.f32 v7, v3;
	v7 =	vld [tilespmem:s1+$0x7800]  }
0x200: {  	v2 =	vadd.f32 v8, v2;
	v8 =	vld [tilespmem:s1+$0x7810]  }
0x201: {  	v3 =	vadd.f32 v4, v3;
	v4 =	vld [tilespmem:s1+$0x8000]  }
0x202: {  	v2 =	vadd.f32 v5, v2;
	v5 =	vld [tilespmem:s1+$0x8010]  }
0x203: {  	v3 =	vadd.f32 v6, v3;
	v6 =	vld [tilespmem:s1+$0x8800]  }
0x204: {  	v2 =	vadd.f32 v7, v2;
	v7 =	vld [tilespmem:s1+$0x8810]  }
0x205: {  	v3 =	vadd.f32 v8, v3;
	v8 =	vld [tilespmem:s1+$0x9000]  }
0x206: {  	s7 =	simm.s32 $0x0;
	v2 =	vadd.f32 v4, v2;
	v4 =	vld [tilespmem:s1+$0x9010]  }
0x207: {  	v9 =	vmov s7;
	v3 =	vadd.f32 v5, v3;
	v5 =	vld [tilespmem:s1+$0x9800]  }
0x208: {  	v9 =	vand.u32 $0x3E, v9;
	v2 =	vadd.f32 v6, v2;
	v6 =	vld [tilespmem:s1+$0x9810]  }
0x209: {  	v3 =	vadd.f32 v7, v3;
	v7 =	vadd.s32 v0, v9  }
0x20a: {  	v2 =	vadd.f32 v8, v2;
	v8 =	vadd.s32 v1, v9  }
0x20b: {  	v3 =	vadd.f32 v4, v3  }
0x20c: {  	v2 =	vadd.f32 v5, v2  }
0x20d: {  	v3 =	vadd.f32 v6, v3  }
0x20e: {  	[tilespmem:v7+s28+$0x0] =	vst.idx.msk $0xffff, v2  }
0x20f: {  	[tilespmem:v8+s28+$0x0] =	vst.idx.msk $0xffff, v3  }
0x210: {  	v2 =	vld [tilespmem:s1+$0x820]  }
0x211: {  	v3 =	vld [tilespmem:s1+$0x830]  }
0x212: {  	v4 =	vld [tilespmem:s1+$0x20]  }
0x213: {  	v5 =	vld [tilespmem:s1+$0x30]  }
0x214: {  	v6 =	vld [tilespmem:s1+$0x1020]  }
0x215: {  	v7 =	vld [tilespmem:s1+$0x1030]  }
0x216: {  	v8 =	vld [tilespmem:s1+$0x1820]  }
0x217: {  	v2 =	vadd.f32 v2, v4;
	v4 =	vld [tilespmem:s1+$0x1830]  }
0x218: {  	v3 =	vadd.f32 v3, v5;
	v5 =	vld [tilespmem:s1+$0x2020]  }
0x219: {  	v2 =	vadd.f32 v6, v2;
	v6 =	vld [tilespmem:s1+$0x2030]  }
0x21a: {  	v3 =	vadd.f32 v7, v3;
	v7 =	vld [tilespmem:s1+$0x2820]  }
0x21b: {  	v2 =	vadd.f32 v8, v2;
	v8 =	vld [tilespmem:s1+$0x2830]  }
0x21c: {  	v3 =	vadd.f32 v4, v3;
	v4 =	vld [tilespmem:s1+$0x3020]  }
0x21d: {  	v2 =	vadd.f32 v5, v2;
	v5 =	vld [tilespmem:s1+$0x3030]  }
0x21e: {  	v3 =	vadd.f32 v6, v3;
	v6 =	vld [tilespmem:s1+$0x3820]  }
0x21f: {  	v2 =	vadd.f32 v7, v2;
	v7 =	vld [tilespmem:s1+$0x3830]  }
0x220: {  	v3 =	vadd.f32 v8, v3;
	v8 =	vld [tilespmem:s1+$0x4020]  }
0x221: {  	v2 =	vadd.f32 v4, v2;
	v4 =	vld [tilespmem:s1+$0x4030]  }
0x222: {  	v3 =	vadd.f32 v5, v3;
	v5 =	vld [tilespmem:s1+$0x4820]  }
0x223: {  	v2 =	vadd.f32 v6, v2;
	v6 =	vld [tilespmem:s1+$0x4830]  }
0x224: {  	v3 =	vadd.f32 v7, v3;
	v7 =	vld [tilespmem:s1+$0x5020]  }
0x225: {  	v2 =	vadd.f32 v8, v2;
	v8 =	vld [tilespmem:s1+$0x5030]  }
0x226: {  	v3 =	vadd.f32 v4, v3;
	v4 =	vld [tilespmem:s1+$0x5820]  }
0x227: {  	v2 =	vadd.f32 v5, v2;
	v5 =	vld [tilespmem:s1+$0x5830]  }
0x228: {  	v3 =	vadd.f32 v6, v3;
	v6 =	vld [tilespmem:s1+$0x6020]  }
0x229: {  	v2 =	vadd.f32 v7, v2;
	v7 =	vld [tilespmem:s1+$0x6030]  }
0x22a: {  	v3 =	vadd.f32 v8, v3;
	v8 =	vld [tilespmem:s1+$0x6820]  }
0x22b: {  	v2 =	vadd.f32 v4, v2;
	v4 =	vld [tilespmem:s1+$0x6830]  }
0x22c: {  	v3 =	vadd.f32 v5, v3;
	v5 =	vld [tilespmem:s1+$0x7020]  }
0x22d: {  	v2 =	vadd.f32 v6, v2;
	v6 =	vld [tilespmem:s1+$0x7030]  }
0x22e: {  	v3 =	vadd.f32 v7, v3;
	v7 =	vld [tilespmem:s1+$0x7820]  }
0x22f: {  	v2 =	vadd.f32 v8, v2;
	v8 =	vld [tilespmem:s1+$0x7830]  }
0x230: {  	v3 =	vadd.f32 v4, v3;
	v4 =	vld [tilespmem:s1+$0x8020]  }
0x231: {  	v2 =	vadd.f32 v5, v2;
	v5 =	vld [tilespmem:s1+$0x8030]  }
0x232: {  	v3 =	vadd.f32 v6, v3;
	v6 =	vld [tilespmem:s1+$0x8820]  }
0x233: {  	v2 =	vadd.f32 v7, v2;
	v7 =	vld [tilespmem:s1+$0x8830]  }
0x234: {  	v3 =	vadd.f32 v8, v3;
	v8 =	vld [tilespmem:s1+$0x9020]  }
0x235: {  	v4 =	vadd.f32 v4, v2  }
0x236: {  	s14 =	simm.s32 $0x1;
	v2 =	vld [tilespmem:s1+$0x9030];
	v5 =	vadd.f32 v5, v3  }
0x237: {  	v9 =	vmov s14;
	v3 =	vld [tilespmem:s1+$0x9820];
	v6 =	vadd.f32 v6, v4  }
0x238: {  	v9 =	vand.u32 $0x3F, v9;
	v4 =	vld [tilespmem:s1+$0x9830];
	v7 =	vadd.f32 v7, v5  }
0x239: {  	s7 =	simm.s32 $0x2;
	v5 =	vadd.s32 v0, v9;
	v8 =	vadd.f32 v8, v6;
	v6 =	vadd.s32 v1, v9  }
.LBB2_9:
0x23a: {  	p0 =	slt.u32 s7, $0x3E  }
0x23b: {  	v2 =	vadd.f32 v2, v7;
	s1 =	sadd.s32 $0x40, s1;
	s8 =	smov.u32 s7;
	s7 =	sadd.s32 $0x2, s7  }
0x23c: {  	v3 =	vadd.f32 v3, v8  }
0x23d: {  	v2 =	vadd.f32 v4, v2  }
0x23e: {  	[tilespmem:v5+s28+$0x0] =	vst.idx.msk $0xffff, v3  }
0x23f: {  	[tilespmem:v6+s28+$0x0] =	vst.idx.msk $0xffff, v2  }
0x240: {  	v2 =	vld [tilespmem:s1+$0x0]  }
0x241: {  	v3 =	vld [tilespmem:s1+$0x10]  }
0x242: {  	v4 =	vld [tilespmem:s1+$0x800]  }
0x243: {  	v5 =	vld [tilespmem:s1+$0x810]  }
0x244: {  	v6 =	vld [tilespmem:s1+$0x1000]  }
0x245: {  	v7 =	vld [tilespmem:s1+$0x1010]  }
0x246: {  	v8 =	vld [tilespmem:s1+$0x1800]  }
0x247: {  	v2 =	vadd.f32 v4, v2;
	v4 =	vld [tilespmem:s1+$0x1810]  }
0x248: {  	v3 =	vadd.f32 v5, v3;
	v5 =	vld [tilespmem:s1+$0x2000]  }
0x249: {  	v2 =	vadd.f32 v6, v2;
	v6 =	vld [tilespmem:s1+$0x2010]  }
0x24a: {  	v3 =	vadd.f32 v7, v3;
	v7 =	vld [tilespmem:s1+$0x2800]  }
0x24b: {  	v2 =	vadd.f32 v8, v2;
	v8 =	vld [tilespmem:s1+$0x2810]  }
0x24c: {  	v3 =	vadd.f32 v4, v3;
	v4 =	vld [tilespmem:s1+$0x3000]  }
0x24d: {  	v2 =	vadd.f32 v5, v2;
	v5 =	vld [tilespmem:s1+$0x3010]  }
0x24e: {  	v3 =	vadd.f32 v6, v3;
	v6 =	vld [tilespmem:s1+$0x3800]  }
0x24f: {  	v2 =	vadd.f32 v7, v2;
	v7 =	vld [tilespmem:s1+$0x3810]  }
0x250: {  	v3 =	vadd.f32 v8, v3;
	v8 =	vld [tilespmem:s1+$0x4000]  }
0x251: {  	v2 =	vadd.f32 v4, v2;
	v4 =	vld [tilespmem:s1+$0x4010]  }
0x252: {  	v3 =	vadd.f32 v5, v3;
	v5 =	vld [tilespmem:s1+$0x4800]  }
0x253: {  	v2 =	vadd.f32 v6, v2;
	v6 =	vld [tilespmem:s1+$0x4810]  }
0x254: {  	v3 =	vadd.f32 v7, v3;
	v7 =	vld [tilespmem:s1+$0x5000]  }
0x255: {  	v2 =	vadd.f32 v8, v2;
	v8 =	vld [tilespmem:s1+$0x5010]  }
0x256: {  	v3 =	vadd.f32 v4, v3;
	v4 =	vld [tilespmem:s1+$0x5800]  }
0x257: {  	v2 =	vadd.f32 v5, v2;
	v5 =	vld [tilespmem:s1+$0x5810]  }
0x258: {  	v3 =	vadd.f32 v6, v3;
	v6 =	vld [tilespmem:s1+$0x6000]  }
0x259: {  	v2 =	vadd.f32 v7, v2;
	v7 =	vld [tilespmem:s1+$0x6010]  }
0x25a: {  	v3 =	vadd.f32 v8, v3;
	v8 =	vld [tilespmem:s1+$0x6800]  }
0x25b: {  	v2 =	vadd.f32 v4, v2;
	v4 =	vld [tilespmem:s1+$0x6810]  }
0x25c: {  	v3 =	vadd.f32 v5, v3;
	v5 =	vld [tilespmem:s1+$0x7000]  }
0x25d: {  	v2 =	vadd.f32 v6, v2;
	v6 =	vld [tilespmem:s1+$0x7010]  }
0x25e: {  	v3 =	vadd.f32 v7, v3;
	v7 =	vld [tilespmem:s1+$0x7800]  }
0x25f: {  	v2 =	vadd.f32 v8, v2;
	v8 =	vld [tilespmem:s1+$0x7810]  }
0x260: {  	v3 =	vadd.f32 v4, v3;
	v4 =	vld [tilespmem:s1+$0x8000]  }
0x261: {  	v2 =	vadd.f32 v5, v2;
	v5 =	vld [tilespmem:s1+$0x8010]  }
0x262: {  	v3 =	vadd.f32 v6, v3;
	v6 =	vld [tilespmem:s1+$0x8800]  }
0x263: {  	v2 =	vadd.f32 v7, v2;
	v7 =	vld [tilespmem:s1+$0x8810]  }
0x264: {  	v3 =	vadd.f32 v8, v3;
	v8 =	vld [tilespmem:s1+$0x9000]  }
0x265: {  	v2 =	vadd.f32 v4, v2;
	v4 =	vld [tilespmem:s1+$0x9010]  }
0x266: {  	v9 =	vmov s8;
	v3 =	vadd.f32 v5, v3;
	v5 =	vld [tilespmem:s1+$0x9800]  }
0x267: {  	v9 =	vand.u32 $0x3E, v9;
	v2 =	vadd.f32 v6, v2;
	v6 =	vld [tilespmem:s1+$0x9810]  }
0x268: {  	v3 =	vadd.f32 v7, v3;
	v7 =	vadd.s32 v0, v9  }
0x269: {  	v2 =	vadd.f32 v8, v2;
	v8 =	vadd.s32 v1, v9  }
0x26a: {  	v3 =	vadd.f32 v4, v3  }
0x26b: {  	v2 =	vadd.f32 v5, v2  }
0x26c: {  	v3 =	vadd.f32 v6, v3  }
0x26d: {  	[tilespmem:v7+s28+$0x0] =	vst.idx.msk $0xffff, v2  }
0x26e: {  	[tilespmem:v8+s28+$0x0] =	vst.idx.msk $0xffff, v3  }
0x26f: {  	v2 =	vld [tilespmem:s1+$0x1020]  }
0x270: {  	v3 =	vld [tilespmem:s1+$0x820]  }
0x271: {  	v4 =	vld [tilespmem:s1+$0x830]  }
0x272: {  	v5 =	vld [tilespmem:s1+$0x20]  }
0x273: {  	v6 =	vld [tilespmem:s1+$0x30];
	_ =	sdelay $0x1  }
0x274: {  	v7 =	vld [tilespmem:s1+$0x1030]  }
0x275: {  	v8 =	vld [tilespmem:s1+$0x1820]  }
0x276: {  	v3 =	vadd.f32 v3, v5;
	v5 =	vld [tilespmem:s1+$0x1830]  }
0x277: {  	v4 =	vadd.f32 v4, v6;
	v6 =	vld [tilespmem:s1+$0x2020]  }
0x278: {  	v2 =	vadd.f32 v2, v3;
	v3 =	vld [tilespmem:s1+$0x2030]  }
0x279: {  	v4 =	vadd.f32 v7, v4;
	v7 =	vld [tilespmem:s1+$0x2820]  }
0x27a: {  	v2 =	vadd.f32 v8, v2;
	v8 =	vld [tilespmem:s1+$0x2830]  }
0x27b: {  	v4 =	vadd.f32 v5, v4;
	v5 =	vld [tilespmem:s1+$0x3020]  }
0x27c: {  	v2 =	vadd.f32 v6, v2;
	v6 =	vld [tilespmem:s1+$0x3030]  }
0x27d: {  	v3 =	vadd.f32 v3, v4;
	v4 =	vld [tilespmem:s1+$0x3820]  }
0x27e: {  	v2 =	vadd.f32 v7, v2;
	v7 =	vld [tilespmem:s1+$0x3830]  }
0x27f: {  	v3 =	vadd.f32 v8, v3;
	v8 =	vld [tilespmem:s1+$0x4020]  }
0x280: {  	v2 =	vadd.f32 v5, v2;
	v5 =	vld [tilespmem:s1+$0x4030]  }
0x281: {  	v3 =	vadd.f32 v6, v3;
	v6 =	vld [tilespmem:s1+$0x4820]  }
0x282: {  	v2 =	vadd.f32 v4, v2;
	v4 =	vld [tilespmem:s1+$0x4830]  }
0x283: {  	v3 =	vadd.f32 v7, v3;
	v7 =	vld [tilespmem:s1+$0x5020]  }
0x284: {  	v2 =	vadd.f32 v8, v2;
	v8 =	vld [tilespmem:s1+$0x5030]  }
0x285: {  	v3 =	vadd.f32 v5, v3;
	v5 =	vld [tilespmem:s1+$0x5820]  }
0x286: {  	v2 =	vadd.f32 v6, v2;
	v6 =	vld [tilespmem:s1+$0x5830]  }
0x287: {  	v3 =	vadd.f32 v4, v3;
	v4 =	vld [tilespmem:s1+$0x6020]  }
0x288: {  	v2 =	vadd.f32 v7, v2;
	v7 =	vld [tilespmem:s1+$0x6030]  }
0x289: {  	v3 =	vadd.f32 v8, v3;
	v8 =	vld [tilespmem:s1+$0x6820]  }
0x28a: {  	v2 =	vadd.f32 v5, v2;
	v5 =	vld [tilespmem:s1+$0x6830]  }
0x28b: {  	v3 =	vadd.f32 v6, v3;
	v6 =	vld [tilespmem:s1+$0x7020]  }
0x28c: {  	v2 =	vadd.f32 v4, v2;
	v4 =	vld [tilespmem:s1+$0x7030]  }
0x28d: {  	v3 =	vadd.f32 v7, v3;
	v7 =	vld [tilespmem:s1+$0x7820]  }
0x28e: {  	v2 =	vadd.f32 v8, v2;
	v8 =	vld [tilespmem:s1+$0x7830]  }
0x28f: {  	v3 =	vadd.f32 v5, v3;
	v5 =	vld [tilespmem:s1+$0x8020]  }
0x290: {  	v2 =	vadd.f32 v6, v2;
	v6 =	vld [tilespmem:s1+$0x8030]  }
0x291: {  	v3 =	vadd.f32 v4, v3;
	v4 =	vld [tilespmem:s1+$0x8820]  }
0x292: {  	v2 =	vadd.f32 v7, v2;
	v7 =	vld [tilespmem:s1+$0x8830]  }
0x293: {  	v3 =	vadd.f32 v8, v3;
	v8 =	vld [tilespmem:s1+$0x9020]  }
.Ltmp3:
0x294: {  	s8 =	sadd.s32 $0x1, s8;
	v5 =	vadd.f32 v5, v2;
	v2 =	vld [tilespmem:s1+$0x9030];
	(pc) =	sbr.rel @p0 .LBB2_9-.Ltmp3, $4  }
0x295: {  	v9 =	vmov s8;
	v6 =	vadd.f32 v6, v3;
	v3 =	vld [tilespmem:s1+$0x9820]  }
0x296: {  	v9 =	vand.u32 $0x3F, v9;
	v10 =	vadd.f32 v4, v5;
	v4 =	vld [tilespmem:s1+$0x9830]  }
0x297: {  	v5 =	vadd.s32 v0, v9;
	v7 =	vadd.f32 v7, v6  }
0x298: {  	v6 =	vadd.s32 v1, v9;
	v8 =	vadd.f32 v8, v10  }
0x299: {  	_ = 	snop  }
0x29a: {  	v2 =	vadd.f32 v2, v7  }
0x29b: {  	v3 =	vadd.f32 v3, v8  }
0x29c: {  	v2 =	vadd.f32 v4, v2  }
0x29d: {  	s0 =	sadd.s32 s5, s0;
	[tilespmem:v5+s28+$0x0] =	vst.idx.msk $0xffff, v3  }
0x29e: {  	s1 =	simm.s32 $0x14A00;
	s0 =	sadd.s32 s9, s0;
	[tilespmem:v6+s28+$0x0] =	vst.idx.msk $0xffff, v2  }
0x29f: {  	[hbm4b:s0+s3] =	stream.linear.scatter [tilespmem:s1], [sflag:$0x3], $0x40, $0x38;
	[tilespmem:$0x15300] =	vst v63  }
0x2a0: {  	s1 =	simm.s32 $0x120  }
.LBB2_11:
0x2a1: {  	p0 =	sne.s32 s1, $0x22E0  }
.Ltmp4:
0x2a2: {  	_ = 	snop;
	(pc) =	sbr.rel @p0 .LBB2_11-.Ltmp4, $4  }
0x2a3: {  	_ = 	snop  }
0x2a4: {  	s7 =	sshra.s32 s1, $0x2;
	s1 =	sadd.s32 $0x120, s1  }
0x2a5: {  	s0 =	sadd.s32 $0x200, s0;
	s7 =	sadd.s32 $0x14A00, s7  }
0x2a6: {  	[hbm4b:s0+s3] =	stream.linear.scatter [tilespmem:s7], [sflag:$0x3], $0x40, $0x38;
	[tilespmem:$0x15300] =	vst v63  }
0x2a7: {  	s2 =	sadd.s32 $0x1, s2  }
0x2a8: {  	p0 =	sne.s32 s2, $0x32  }
.Ltmp5:
0x2a9: {  	_ = 	snop;
	(pc) =	sbr.rel @p0 .LBB2_2-.Ltmp5, $4  }
0x2aa: {  	_ = 	snop  }
0x2ab: {  	_ =	swait.ge [sflag:s12], $0x800  }
0x2ac: {  	[sflag:s12] =	ssyncset.done $0x0  }
0x2ad: {  	[sflag:s12] =	ssyncadd.s32 $0xFFFFF800  }
0x2ae: {  	s1 =	rddreg [dreg:$0x6]  }
0x2af: {  	s0 =	rddreg [dreg:$0x4];
	s1 =	sadd.s32 $0x1, s1  }
0x2b0: {  	p0 =	sne.s32 s1, s0  }
.Ltmp6:
0x2b1: {  	_ = 	snop;
	(pc) =	sbr.rel @p0 .LBB2_1-.Ltmp6, $1  }
0x2b2: {  	_ =	sdelay $0x3  }
0x2b3: {  	_ =	sfence.sel $0x180000  }
0x2b4: {  	[bflag:$0x0] =	sbarrier.arrive $0xFFFF  }
0x2b5: {  	_ =	strace $0x90000047  }
0x2b6: {  	s0 =	stileid.u32;
	[bflag:$0x2] =	sbarrier.arrive $0xFFFF  }
0x2b7: {  	p0 =	sne.s32 s0, $0x0;
	s0 =	rddreg [dreg:$0x2]  }
0x2b8: {  	s0 =	sadd.s32 @!p0 $0x100000, s0  }
0x2b9: {  	[sflag:s0] =	ssyncadd.tile.s32 @!p0 $0x1;
	_ =	shalt  }
.Lfunc_end2:
_tile_overlayer_lowered:
.L_overlay_start_2:
0x2ba: {  	(tag) =	ssettag $0x2  }
0x2bb: {  	s0 =	rddreg [dreg:$0x0];
	s2 =	stileid.u32  }
0x2bc: {  	s1 =	rddreg [dreg:$0x1];
	p0 =	sne.s32 s2, $0x0  }
0x2bd: {  	s3 =	rddreg [dreg:$0x2];
	[bflag:$0x3] =	sbarrier.arrive $0xFFFF;
	s2 =	simm.s32 @!p0 $0x1C03  }
0x2be: {  	[timem:s3], [sflag:s2] =	dma.local @!p0 [hbm:s0], s1  }
0x2bf: {  	s0 =	simm.s32 @!p0 $0x3  }
0x2c0: {  	_ =	swait.ge @!p0 [sflag:s0], s1  }
0x2c1: {  	s1 =	ssub.s32 @!p0 $0x0, s1;
	[sflag:s0] =	ssyncset.done @!p0 $0x0  }
0x2c2: {  	[sflag:s0] =	ssyncadd.s32 @!p0 s1  }
0x2c3: {  	[bflag:$0x3] =	sbarrier.arrive $0xFFFF  }
0x2c4: {  	_ =	shalt  }

</sc_bundles>
